<compile_context>
chip_gen: v7x
topology: tpu7x:2x2x1
jax: 0.10.2.dev20260603
libtpu: 0.0.44.dev20260713+nightly
codegen_flags: <defaults>
</compile_context>

<pallas_src>
import functools
import math

import jax
import jax.numpy as jnp
from jax import lax
from jax.experimental import pallas as pl
from jax.experimental.pallas import tpu as pltpu
from jax.experimental.pallas import tpu_sc as plsc

_NC = 2
_NS = 16
_NW = _NC * _NS
_L = 16

_DIST = 1.0 / 2.0 / math.tan(math.radians(53.13) / 2.0)
_FOV = 2.0 * _DIST * math.tan(math.radians(53.13) / 2.0)
_FOCAL = float(800.0 * _DIST / _FOV)


def _rsqrt(n):
    i = plsc.bitcast(n, jnp.int32)
    i = jnp.int32(0x5F3759DF) - (i >> 1)
    y = plsc.bitcast(i, jnp.float32)
    half = n * 0.5
    for _ in range(2):
        y = y * (1.5 - half * y * y)
    return y


def _recip(d):
    i = plsc.bitcast(d, jnp.int32)
    i = jnp.int32(0x7EF311C3) - i
    y = plsc.bitcast(i, jnp.float32)
    for _ in range(3):
        y = y * (2.0 - d * y)
    return y


def _inv_norm(x, y, z):
    n = x * x + y * y + z * z
    norm = n * _rsqrt(n)
    return _recip(norm + 1e-8)


def _pack_tables_tc(N, K):
    W = 8192

    def body(r_ref, t_ref, out_ref):
        r2d = r_ref[...].reshape(6 * K, W)
        t2d = t_ref[...].reshape(3 * K, W)
        both = jnp.concatenate([r2d, t2d], axis=0)
        out_ref[:, 0:9 * K] = jnp.transpose(both)

    return pl.pallas_call(
        body,
        grid=(pl.cdiv(N, W),),
        in_specs=[
            pl.BlockSpec((6, K, W), lambda i: (0, 0, i)),
            pl.BlockSpec((3, K, W), lambda i: (0, 0, i)),
        ],
        out_specs=pl.BlockSpec((W, 128), lambda i: (i, 0)),
        out_shape=jax.ShapeDtypeStruct((N, 128), jnp.float32),
    )


def _camera_store_sc(B, N, K):
    BPW = B // _NW
    CH = min(BPW, 256)
    NCHUNK = BPW // CH
    GROUPS = CH * K // _L
    rows_per_g = _L // K

    mesh = plsc.VectorSubcoreMesh(core_axis_name="c", subcore_axis_name="s")

    assert NCHUNK == 2
    CPW = BPW // 128
    CPC = CH // 128
    scratch_types = [
            pltpu.VMEM((BPW,), jnp.int32),
            pltpu.VMEM((CH, 128), jnp.float32),
            pltpu.VMEM((CH, 128), jnp.float32),
            pltpu.VMEM((14, CPC * K * 128), jnp.float32),
            pltpu.VMEM((14, CPC * K * 128), jnp.float32),
            pltpu.SemaphoreType.DMA,
            pltpu.SemaphoreType.DMA,
            pltpu.SemaphoreType.DMA,
        ]

    @functools.partial(
        pl.kernel,
        mesh=mesh,
        out_type=jax.ShapeDtypeStruct((14, B * K), jnp.float32),
        compiler_params=pltpu.CompilerParams(
            needs_layout_passes=False, use_tc_tiling_on_sc=False),
        scratch_types=scratch_types,
    )
    def kern(idx_hbm, tab_hbm, out_hbm, idx_v, tab_v0, tab_v1, out_v0,
             out_v1, sem0, sem1, osem):
        wid = lax.axis_index("s") * _NC + lax.axis_index("c")
        base = wid * BPW
        pltpu.sync_copy(idx_hbm.at[pl.ds(base, BPW)], idx_v)

        iota = lax.iota(jnp.int32, _L)
        rowl = iota >> 3
        cam = iota & (K - 1)
        col_r = [cam + j * K for j in range(6)]
        col_t = [cam + (6 + j) * K for j in range(3)]
        fconst = plsc.bitcast(iota * 0, jnp.float32) + _FOCAL
        wconst = plsc.bitcast(iota * 0, jnp.float32) + (1.0 / K)
        PLANE = CPC * K * 128

        tabs = (tab_v0, tab_v1)
        outs_v = (out_v0, out_v1)
        cps = [
            pltpu.async_copy(tab_hbm.at[idx_v.at[pl.ds(ch * CH, CH)]],
                             tabs[ch], (sem0, sem1)[ch])
            for ch in range(NCHUNK)
        ]

        ocps = []
        for ch in range(NCHUNK):
            cps[ch].wait()
            tab_v = tabs[ch]
            out_v = outs_v[ch]

            @plsc.parallel_loop(0, GROUPS, 1, unroll=8)
            def body(g):
                row = rowl + g * rows_per_g
                r6 = [plsc.load_gather(tab_v, [row, col_r[j]])
                      for j in range(6)]
                t = [plsc.load_gather(tab_v, [row, col_t[j]])
                     for j in range(3)]

                a1, a2 = r6[:3], r6[3:]
                inv1 = _inv_norm(*a1)
                b1 = [a * inv1 for a in a1]
                dot = b1[0] * a2[0] + b1[1] * a2[1] + b1[2] * a2[2]
                a2p = [a2[j] - dot * b1[j] for j in range(3)]
                inv2 = _inv_norm(*a2p)
                b2 = [a * inv2 for a in a2p]
                b3 = [b1[1] * b2[2] - b1[2] * b2[1],
                      b1[2] * b2[0] - b1[0] * b2[2],
                      b1[0] * b2[1] - b1[1] * b2[0]]

                bl = g * rows_per_g + rowl
                pos = (bl >> 7) * (K * 128) + cam * 128 + (bl & 127)
                outs = [b1[0], b1[1], b1[2], t[0],
                        b2[0], b2[1], b2[2], t[1],
                        b3[0], b3[1], b3[2], t[2],
                        fconst, wconst]
                for k, val in enumerate(outs):
                    plsc.store_scatter(out_v, [iota * 0 + k, pos], val)

            ocps.append(pltpu.async_copy(
                out_v,
                out_hbm.at[:, pl.ds((wid * CPW + ch * CPC) * K * 128, PLANE)],
                osem))

        for cp in ocps:
            cp.wait()

    return kern


def kernel(idx, r_initial, r_offset, t_initial, t_offset, focal_initial,
           focal_offset, per_cam_weights):
    B = idx.shape[0]
    N, K = r_initial.shape[0], r_initial.shape[1]
    rT = jnp.transpose(r_initial, (2, 1, 0))
    tT = jnp.transpose(t_initial, (2, 1, 0))
    packed = _pack_tables_tc(N, K)(rT, tT)
    out = _camera_store_sc(B, N, K)(idx, packed)
    out4 = out.reshape(14, B // 128, K, 128)
    return jnp.transpose(out4, (1, 3, 2, 0)).reshape(B, K, 14)

# --- scband reference (transcript-rebuilt; emitter-appended) ---
"""Pipeline reference for scband-camera-store-46213848105861 (READ-ONLY COPY).

The authoritative reference and input builder live on the scoring server;
editing this copy changes nothing except your own understanding.
"""

import jax, jax.numpy as jnp
import numpy as np
import math

N_IMAGES = 100000
K_CAMS = 8
BATCH = 16384
DIST = 1.0 / 2.0 / math.tan(math.radians(53.13) / 2.0)


def _normalize(v, eps=1e-8):
    return v / (jnp.linalg.norm(v, axis=-1, keepdims=True) + eps)


def _rot6d_to_matrix(d6):
    # inverse of matrix_to_rotation_6d (first-two-rows + Gram-Schmidt)
    a1 = d6[..., :3]
    a2 = d6[..., 3:]
    b1 = _normalize(a1)
    a2p = a2 - jnp.sum(b1 * a2, axis=-1, keepdims=True) * b1
    b2 = _normalize(a2p)
    b3 = jnp.cross(b1, b2)
    return jnp.stack([b1, b2, b3], axis=-2)


def _look_at_rotation(eye):
    # build_look_at_matrix with center at origin, canonical up
    fwd = _normalize(-eye)
    up = jnp.broadcast_to(jnp.array([0.0, 1.0, 0.0], dtype=eye.dtype), eye.shape)
    right = _normalize(jnp.cross(up, fwd))
    true_up = jnp.cross(fwd, right)
    return jnp.stack([right, true_up, fwd], axis=-1)


def setup_inputs(seed: int = 0) -> dict:
    key = jax.random.key(seed)
    k1, k2, k3 = jax.random.split(key, 3)
    # init_directions: random unit directions per image
    dirs = _normalize(jax.random.normal(k1, (N_IMAGES, 3), dtype=jnp.float32))
    t = jnp.repeat(dirs[:, None, :] * DIST, K_CAMS, axis=1)
    noise = jax.random.normal(k2, (N_IMAGES, K_CAMS, 3), dtype=jnp.float32) * (DIST / 5.0)
    noise = jnp.concatenate([jnp.zeros_like(noise[:, :1, :]) + 1e-4, noise[:, 1:, :]], axis=1)
    t = _normalize(t + noise) * DIST
    R = _look_at_rotation(t.reshape(-1, 3))
    r_initial = R[:, :2, :].reshape(N_IMAGES, K_CAMS, 6)
    fov = 2.0 * DIST * math.tan(math.radians(53.13) / 2.0)
    focal_initial = jnp.full((N_IMAGES, K_CAMS, 1), 800.0 * DIST / fov, dtype=jnp.float32)
    idx = jax.random.randint(k3, (BATCH,), 0, N_IMAGES, dtype=jnp.int32)
    return {
        'idx': idx,
        'r_initial': r_initial,
        'r_offset': jnp.zeros((N_IMAGES, K_CAMS, 6), dtype=jnp.float32),
        't_initial': t,
        't_offset': jnp.zeros((N_IMAGES, K_CAMS, 3), dtype=jnp.float32),
        'focal_initial': focal_initial,
        'focal_offset': jnp.zeros((N_IMAGES, K_CAMS, 1), dtype=jnp.float32),
        'per_cam_weights': jnp.ones((N_IMAGES, K_CAMS), dtype=jnp.float32) / K_CAMS,
    }


def reference(idx, r_initial, r_offset, t_initial, t_offset, focal_initial, focal_offset, per_cam_weights):
    # embedding-style gather of per-image camera parameters
    r6 = r_initial[idx] + r_offset[idx]            # [B, K, 6]
    t = t_initial[idx] + t_offset[idx]             # [B, K, 3]
    R = _rot6d_to_matrix(r6)                       # [B, K, 3, 3]
    c2w = jnp.concatenate([R, t[..., None]], axis=-1)  # [B, K, 3, 4]
    focal = focal_initial[idx] + focal_offset[idx]     # [B, K, 1]
    w = per_cam_weights[idx]                           # [B, K]
    B = idx.shape[0]
    out = jnp.concatenate([c2w.reshape(B, K_CAMS, 12), focal, w[..., None]], axis=-1)
    return out  # [B, K, 14]

if __name__ == "__main__":
    import jax
    _d = setup_inputs()
    print(jax.jit(kernel)(*tuple(_d.values())))

</pallas_src>

<mosaic_0001>
#map = affine_map<(d0, d1) -> (0)>
#map1 = affine_map<(d0, d1) -> (0, 0)>
module attributes {stable_mosaic.version = 14 : i64} {
  func.func @kern(%arg0: i32, %arg1: i32, %arg2: memref<16384xi32, #tpu.memory_space<hbm>>, %arg3: memref<100000x128xf32, #tpu.memory_space<hbm>>, %arg4: memref<14x131072xf32, #tpu.memory_space<hbm>>, %arg5: memref<512xi32, #tpu.memory_space<vmem>>, %arg6: memref<256x128xf32, #tpu.memory_space<vmem>>, %arg7: memref<256x128xf32, #tpu.memory_space<vmem>>, %arg8: memref<14x2048xf32, #tpu.memory_space<vmem>>, %arg9: memref<14x2048xf32, #tpu.memory_space<vmem>>, %arg10: memref<!tpu.dma_semaphore, #tpu.memory_space<semaphore_mem>>, %arg11: memref<!tpu.dma_semaphore, #tpu.memory_space<semaphore_mem>>, %arg12: memref<!tpu.dma_semaphore, #tpu.memory_space<semaphore_mem>>) attributes {dimension_semantics = [#tpu.dimension_semantics<core_parallel>, #tpu.dimension_semantics<subcore_parallel>], iteration_bounds = array<i64: 2, 16>, scalar_prefetch = 0 : i64, scratch_operands = 8 : i64, tpu.core_type = #tpu.core_type<sc_vector_subcore>, window_params = [{transform_indices = #map}, {transform_indices = #map1}, {transform_indices = #map1}]} {
    %mul3A = arith.constant 2 : i32
    %mul3A_0 = arith.muli %arg1, %mul3A : i32
    %add3A = arith.addi %mul3A_0, %arg0 : i32
    %mul3A_1 = arith.constant 512 : i32
    %mul3A_2 = arith.muli %add3A, %mul3A_1 : i32
    "tpu.region"() ({
      %run_scoped3A = tpu.sem_alloc : memref<!tpu.dma_semaphore, #tpu.memory_space<semaphore_mem>>
      %dma_start3A_102 = tpu.memref_slice %arg2[%mul3A_2] : memref<16384xi32, #tpu.memory_space<hbm>> -> memref<512xi32, #tpu.memory_space<hbm>>
      %dma_start3A_103 = tpu.memref_slice %arg2[%mul3A_2] : memref<16384xi32, #tpu.memory_space<hbm>> -> memref<512xi32, #tpu.memory_space<hbm>>
      tpu.enqueue_dma source(%dma_start3A_103 : memref<512xi32, #tpu.memory_space<hbm>>) target(%arg5 : memref<512xi32, #tpu.memory_space<vmem>>) target_semaphore(%run_scoped3A : memref<!tpu.dma_semaphore, #tpu.memory_space<semaphore_mem>>)
      %dma_wait3A_104 = tpu.memref_slice %arg2[%mul3A_2] : memref<16384xi32, #tpu.memory_space<hbm>> -> memref<512xi32, #tpu.memory_space<hbm>>
      %dma_wait3A_105 = tpu.memref_slice %arg2[%mul3A_2] : memref<16384xi32, #tpu.memory_space<hbm>> -> memref<512xi32, #tpu.memory_space<hbm>>
      tpu.wait_dma2 semaphore(%run_scoped3A : memref<!tpu.dma_semaphore, #tpu.memory_space<semaphore_mem>>) src(%dma_wait3A_105 : memref<512xi32, #tpu.memory_space<hbm>>) dst(%arg5 : memref<512xi32, #tpu.memory_space<vmem>>)
      tpu.yield
    }) : () -> ()
    %iota3A = tpu.iota {dimensions = array<i32: 0>} : vector<16xi32>
    %shift_right_arithmetic3A = arith.constant 3 : i32
    %shift_right_arithmetic3A_3 = vector.broadcast %shift_right_arithmetic3A : i32 to vector<16xi32>
    %shift_right_arithmetic3A_4 = arith.shrsi %iota3A, %shift_right_arithmetic3A_3 : vector<16xi32>
    %and3A = arith.constant 7 : i32
    %and3A_5 = vector.broadcast %and3A : i32 to vector<16xi32>
    %and3A_6 = arith.andi %iota3A, %and3A_5 : vector<16xi32>
    %add3A_7 = arith.constant 0 : i32
    %add3A_8 = vector.broadcast %add3A_7 : i32 to vector<16xi32>
    %add3A_9 = arith.addi %and3A_6, %add3A_8 : vector<16xi32>
    %add3A_10 = arith.constant 8 : i32
    %add3A_11 = vector.broadcast %add3A_10 : i32 to vector<16xi32>
    %add3A_12 = arith.addi %and3A_6, %add3A_11 : vector<16xi32>
    %add3A_13 = arith.constant 16 : i32
    %add3A_14 = vector.broadcast %add3A_13 : i32 to vector<16xi32>
    %add3A_15 = arith.addi %and3A_6, %add3A_14 : vector<16xi32>
    %add3A_16 = arith.constant 24 : i32
    %add3A_17 = vector.broadcast %add3A_16 : i32 to vector<16xi32>
    %add3A_18 = arith.addi %and3A_6, %add3A_17 : vector<16xi32>
    %add3A_19 = arith.constant 32 : i32
    %add3A_20 = vector.broadcast %add3A_19 : i32 to vector<16xi32>
    %add3A_21 = arith.addi %and3A_6, %add3A_20 : vector<16xi32>
    %add3A_22 = arith.constant 40 : i32
    %add3A_23 = vector.broadcast %add3A_22 : i32 to vector<16xi32>
    %add3A_24 = arith.addi %and3A_6, %add3A_23 : vector<16xi32>
    %add3A_25 = arith.constant 48 : i32
    %add3A_26 = vector.broadcast %add3A_25 : i32 to vector<16xi32>
    %add3A_27 = arith.addi %and3A_6, %add3A_26 : vector<16xi32>
    %add3A_28 = arith.constant 56 : i32
    %add3A_29 = vector.broadcast %add3A_28 : i32 to vector<16xi32>
    %add3A_30 = arith.addi %and3A_6, %add3A_29 : vector<16xi32>
    %add3A_31 = arith.constant 64 : i32
    %add3A_32 = vector.broadcast %add3A_31 : i32 to vector<16xi32>
    %add3A_33 = arith.addi %and3A_6, %add3A_32 : vector<16xi32>
    %mul3A_34 = arith.constant 0 : i32
    %mul3A_35 = vector.broadcast %mul3A_34 : i32 to vector<16xi32>
    %mul3A_36 = arith.muli %iota3A, %mul3A_35 : vector<16xi32>
    %bitcast3A = vector.bitcast %mul3A_36 : vector<16xi32> to vector<16xf32>
    %add3A_37 = arith.constant 800.00177 : f32
    %add3A_38 = vector.broadcast %add3A_37 : f32 to vector<16xf32>
    %add3A_39 = arith.addf %bitcast3A, %add3A_38 : vector<16xf32>
    %mul3A_40 = arith.constant 0 : i32
    %mul3A_41 = vector.broadcast %mul3A_40 : i32 to vector<16xi32>
    %mul3A_42 = arith.muli %iota3A, %mul3A_41 : vector<16xi32>
    %bitcast3A_43 = vector.bitcast %mul3A_42 : vector<16xi32> to vector<16xf32>
    %add3A_44 = arith.constant 1.250000e-01 : f32
    %add3A_45 = vector.broadcast %add3A_44 : f32 to vector<16xf32>
    %add3A_46 = arith.addf %bitcast3A_43, %add3A_45 : vector<16xf32>
    %dma_start3A = arith.constant 0 : i32
    %dma_start3A_47 = tpu.memref_slice %arg5[%dma_start3A] : memref<512xi32, #tpu.memory_space<vmem>> -> memref<256xi32, #tpu.memory_space<vmem>>
    %dma_start3A_48 = arith.constant 0 : i32
    %dma_start3A_49 = arith.constant 0 : i32
    %dma_start3A_50 = tpu.memref_slice %arg3[%dma_start3A_48, %dma_start3A_49] : memref<100000x128xf32, #tpu.memory_space<hbm>> -> memref<100000x128xf32, #tpu.memory_space<hbm>>
    tpu.enqueue_indirect_dma source(%dma_start3A_50 : memref<100000x128xf32, #tpu.memory_space<hbm>>) target(%arg6 : memref<256x128xf32, #tpu.memory_space<vmem>>) offsets(%dma_start3A_47 : memref<256xi32, #tpu.memory_space<vmem>>) semaphore(%arg10 : memref<!tpu.dma_semaphore, #tpu.memory_space<semaphore_mem>>)
    %dma_start3A_51 = arith.constant 256 : i32
    %dma_start3A_52 = tpu.memref_slice %arg5[%dma_start3A_51] : memref<512xi32, #tpu.memory_space<vmem>> -> memref<256xi32, #tpu.memory_space<vmem>>
    %dma_start3A_53 = arith.constant 0 : i32
    %dma_start3A_54 = arith.constant 0 : i32
    %dma_start3A_55 = tpu.memref_slice %arg3[%dma_start3A_53, %dma_start3A_54] : memref<100000x128xf32, #tpu.memory_space<hbm>> -> memref<100000x128xf32, #tpu.memory_space<hbm>>
    tpu.enqueue_indirect_dma source(%dma_start3A_55 : memref<100000x128xf32, #tpu.memory_space<hbm>>) target(%arg7 : memref<256x128xf32, #tpu.memory_space<vmem>>) offsets(%dma_start3A_52 : memref<256xi32, #tpu.memory_space<vmem>>) semaphore(%arg11 : memref<!tpu.dma_semaphore, #tpu.memory_space<semaphore_mem>>)
    %dma_wait3A = arith.constant 0 : i32
    %dma_wait3A_56 = tpu.memref_slice %arg5[%dma_wait3A] : memref<512xi32, #tpu.memory_space<vmem>> -> memref<256xi32, #tpu.memory_space<vmem>>
    %dma_wait3A_57 = arith.constant 0 : i32
    %dma_wait3A_58 = arith.constant 0 : i32
    %dma_wait3A_59 = tpu.memref_slice %arg3[%dma_wait3A_57, %dma_wait3A_58] : memref<100000x128xf32, #tpu.memory_space<hbm>> -> memref<100000x128xf32, #tpu.memory_space<hbm>>
    tpu.wait_indirect_dma semaphore(%arg10 : memref<!tpu.dma_semaphore, #tpu.memory_space<semaphore_mem>>) src(%dma_wait3A_59 : memref<100000x128xf32, #tpu.memory_space<hbm>>) dst(%arg6 : memref<256x128xf32, #tpu.memory_space<vmem>>)
    %parallel_loop3A = arith.constant 0 : i32
    %parallel_loop3A_60 = arith.constant 128 : i32
    %parallel_loop3A_61 = arith.constant 1 : i32
    scf.for %parallel_loop3A_102 = %parallel_loop3A to %parallel_loop3A_60 step %parallel_loop3A_61  : i32 {
      %parallel_loop3A_103 = arith.constant 2 : i32
      %parallel_loop3A_104 = arith.muli %parallel_loop3A_102, %parallel_loop3A_103 : i32
      %parallel_loop3A_105 = vector.broadcast %parallel_loop3A_104 : i32 to vector<16xi32>
      %parallel_loop3A_106 = arith.addi %shift_right_arithmetic3A_4, %parallel_loop3A_105 : vector<16xi32>
      %parallel_loop3A_107 = tpu.vector_load_idx %arg6[%parallel_loop3A_106, %add3A_9] : memref<256x128xf32, #tpu.memory_space<vmem>>[vector<16xi32>, vector<16xi32>], vector<16xf32>,
      %parallel_loop3A_108 = tpu.vector_load_idx %arg6[%parallel_loop3A_106, %add3A_12] : memref<256x128xf32, #tpu.memory_space<vmem>>[vector<16xi32>, vector<16xi32>], vector<16xf32>,
      %parallel_loop3A_109 = tpu.vector_load_idx %arg6[%parallel_loop3A_106, %add3A_15] : memref<256x128xf32, #tpu.memory_space<vmem>>[vector<16xi32>, vector<16xi32>], vector<16xf32>,
      %parallel_loop3A_110 = tpu.vector_load_idx %arg6[%parallel_loop3A_106, %add3A_18] : memref<256x128xf32, #tpu.memory_space<vmem>>[vector<16xi32>, vector<16xi32>], vector<16xf32>,
      %parallel_loop3A_111 = tpu.vector_load_idx %arg6[%parallel_loop3A_106, %add3A_21] : memref<256x128xf32, #tpu.memory_space<vmem>>[vector<16xi32>, vector<16xi32>], vector<16xf32>,
      %parallel_loop3A_112 = tpu.vector_load_idx %arg6[%parallel_loop3A_106, %add3A_24] : memref<256x128xf32, #tpu.memory_space<vmem>>[vector<16xi32>, vector<16xi32>], vector<16xf32>,
      %parallel_loop3A_113 = tpu.vector_load_idx %arg6[%parallel_loop3A_106, %add3A_27] : memref<256x128xf32, #tpu.memory_space<vmem>>[vector<16xi32>, vector<16xi32>], vector<16xf32>,
      %parallel_loop3A_114 = tpu.vector_load_idx %arg6[%parallel_loop3A_106, %add3A_30] : memref<256x128xf32, #tpu.memory_space<vmem>>[vector<16xi32>, vector<16xi32>], vector<16xf32>,
      %parallel_loop3A_115 = tpu.vector_load_idx %arg6[%parallel_loop3A_106, %add3A_33] : memref<256x128xf32, #tpu.memory_space<vmem>>[vector<16xi32>, vector<16xi32>], vector<16xf32>,
      %parallel_loop3A_116 = arith.mulf %parallel_loop3A_107, %parallel_loop3A_107 : vector<16xf32>
      %parallel_loop3A_117 = arith.mulf %parallel_loop3A_108, %parallel_loop3A_108 : vector<16xf32>
      %parallel_loop3A_118 = arith.addf %parallel_loop3A_116, %parallel_loop3A_117 : vector<16xf32>
      %parallel_loop3A_119 = arith.mulf %parallel_loop3A_109, %parallel_loop3A_109 : vector<16xf32>
      %parallel_loop3A_120 = arith.addf %parallel_loop3A_118, %parallel_loop3A_119 : vector<16xf32>
      %parallel_loop3A_121 = vector.bitcast %parallel_loop3A_120 : vector<16xf32> to vector<16xi32>
      %parallel_loop3A_122 = arith.constant 1 : i32
      %parallel_loop3A_123 = vector.broadcast %parallel_loop3A_122 : i32 to vector<16xi32>
      %parallel_loop3A_124 = arith.shrsi %parallel_loop3A_121, %parallel_loop3A_123 : vector<16xi32>
      %parallel_loop3A_125 = arith.constant 1597463007 : i32
      %parallel_loop3A_126 = vector.broadcast %parallel_loop3A_125 : i32 to vector<16xi32>
      %parallel_loop3A_127 = arith.subi %parallel_loop3A_126, %parallel_loop3A_124 : vector<16xi32>
      %parallel_loop3A_128 = vector.bitcast %parallel_loop3A_127 : vector<16xi32> to vector<16xf32>
      %parallel_loop3A_129 = arith.constant 5.000000e-01 : f32
      %parallel_loop3A_130 = vector.broadcast %parallel_loop3A_129 : f32 to vector<16xf32>
      %parallel_loop3A_131 = arith.mulf %parallel_loop3A_120, %parallel_loop3A_130 : vector<16xf32>
      %parallel_loop3A_132 = arith.mulf %parallel_loop3A_131, %parallel_loop3A_128 : vector<16xf32>
      %parallel_loop3A_133 = arith.mulf %parallel_loop3A_132, %parallel_loop3A_128 : vector<16xf32>
      %parallel_loop3A_134 = arith.constant 1.500000e+00 : f32
      %parallel_loop3A_135 = vector.broadcast %parallel_loop3A_134 : f32 to vector<16xf32>
      %parallel_loop3A_136 = arith.subf %parallel_loop3A_135, %parallel_loop3A_133 : vector<16xf32>
      %parallel_loop3A_137 = arith.mulf %parallel_loop3A_128, %parallel_loop3A_136 : vector<16xf32>
      %parallel_loop3A_138 = arith.mulf %parallel_loop3A_131, %parallel_loop3A_137 : vector<16xf32>
      %parallel_loop3A_139 = arith.mulf %parallel_loop3A_138, %parallel_loop3A_137 : vector<16xf32>
      %parallel_loop3A_140 = arith.constant 1.500000e+00 : f32
      %parallel_loop3A_141 = vector.broadcast %parallel_loop3A_140 : f32 to vector<16xf32>
      %parallel_loop3A_142 = arith.subf %parallel_loop3A_141, %parallel_loop3A_139 : vector<16xf32>
      %parallel_loop3A_143 = arith.mulf %parallel_loop3A_137, %parallel_loop3A_142 : vector<16xf32>
      %parallel_loop3A_144 = arith.mulf %parallel_loop3A_120, %parallel_loop3A_143 : vector<16xf32>
      %parallel_loop3A_145 = arith.constant 9.99999993E-9 : f32
      %parallel_loop3A_146 = vector.broadcast %parallel_loop3A_145 : f32 to vector<16xf32>
      %parallel_loop3A_147 = arith.addf %parallel_loop3A_144, %parallel_loop3A_146 : vector<16xf32>
      %parallel_loop3A_148 = vector.bitcast %parallel_loop3A_147 : vector<16xf32> to vector<16xi32>
      %parallel_loop3A_149 = arith.constant 2129859011 : i32
      %parallel_loop3A_150 = vector.broadcast %parallel_loop3A_149 : i32 to vector<16xi32>
      %parallel_loop3A_151 = arith.subi %parallel_loop3A_150, %parallel_loop3A_148 : vector<16xi32>
      %parallel_loop3A_152 = vector.bitcast %parallel_loop3A_151 : vector<16xi32> to vector<16xf32>
      %parallel_loop3A_153 = arith.mulf %parallel_loop3A_147, %parallel_loop3A_152 : vector<16xf32>
      %parallel_loop3A_154 = arith.constant 2.000000e+00 : f32
      %parallel_loop3A_155 = vector.broadcast %parallel_loop3A_154 : f32 to vector<16xf32>
      %parallel_loop3A_156 = arith.subf %parallel_loop3A_155, %parallel_loop3A_153 : vector<16xf32>
      %parallel_loop3A_157 = arith.mulf %parallel_loop3A_152, %parallel_loop3A_156 : vector<16xf32>
      %parallel_loop3A_158 = arith.mulf %parallel_loop3A_147, %parallel_loop3A_157 : vector<16xf32>
      %parallel_loop3A_159 = arith.constant 2.000000e+00 : f32
      %parallel_loop3A_160 = vector.broadcast %parallel_loop3A_159 : f32 to vector<16xf32>
      %parallel_loop3A_161 = arith.subf %parallel_loop3A_160, %parallel_loop3A_158 : vector<16xf32>
      %parallel_loop3A_162 = arith.mulf %parallel_loop3A_157, %parallel_loop3A_161 : vector<16xf32>
      %parallel_loop3A_163 = arith.mulf %parallel_loop3A_147, %parallel_loop3A_162 : vector<16xf32>
      %parallel_loop3A_164 = arith.constant 2.000000e+00 : f32
      %parallel_loop3A_165 = vector.broadcast %parallel_loop3A_164 : f32 to vector<16xf32>
      %parallel_loop3A_166 = arith.subf %parallel_loop3A_165, %parallel_loop3A_163 : vector<16xf32>
      %parallel_loop3A_167 = arith.mulf %parallel_loop3A_162, %parallel_loop3A_166 : vector<16xf32>
      %parallel_loop3A_168 = arith.mulf %parallel_loop3A_107, %parallel_loop3A_167 : vector<16xf32>
      %parallel_loop3A_169 = arith.mulf %parallel_loop3A_108, %parallel_loop3A_167 : vector<16xf32>
      %parallel_loop3A_170 = arith.mulf %parallel_loop3A_109, %parallel_loop3A_167 : vector<16xf32>
      %parallel_loop3A_171 = arith.mulf %parallel_loop3A_168, %parallel_loop3A_110 : vector<16xf32>
      %parallel_loop3A_172 = arith.mulf %parallel_loop3A_169, %parallel_loop3A_111 : vector<16xf32>
      %parallel_loop3A_173 = arith.addf %parallel_loop3A_171, %parallel_loop3A_172 : vector<16xf32>
      %parallel_loop3A_174 = arith.mulf %parallel_loop3A_170, %parallel_loop3A_112 : vector<16xf32>
      %parallel_loop3A_175 = arith.addf %parallel_loop3A_173, %parallel_loop3A_174 : vector<16xf32>
      %parallel_loop3A_176 = arith.mulf %parallel_loop3A_175, %parallel_loop3A_168 : vector<16xf32>
      %parallel_loop3A_177 = arith.subf %parallel_loop3A_110, %parallel_loop3A_176 : vector<16xf32>
      %parallel_loop3A_178 = arith.mulf %parallel_loop3A_175, %parallel_loop3A_169 : vector<16xf32>
      %parallel_loop3A_179 = arith.subf %parallel_loop3A_111, %parallel_loop3A_178 : vector<16xf32>
      %parallel_loop3A_180 = arith.mulf %parallel_loop3A_175, %parallel_loop3A_170 : vector<16xf32>
      %parallel_loop3A_181 = arith.subf %parallel_loop3A_112, %parallel_loop3A_180 : vector<16xf32>
      %parallel_loop3A_182 = arith.mulf %parallel_loop3A_177, %parallel_loop3A_177 : vector<16xf32>
      %parallel_loop3A_183 = arith.mulf %parallel_loop3A_179, %parallel_loop3A_179 : vector<16xf32>
      %parallel_loop3A_184 = arith.addf %parallel_loop3A_182, %parallel_loop3A_183 : vector<16xf32>
      %parallel_loop3A_185 = arith.mulf %parallel_loop3A_181, %parallel_loop3A_181 : vector<16xf32>
      %parallel_loop3A_186 = arith.addf %parallel_loop3A_184, %parallel_loop3A_185 : vector<16xf32>
      %parallel_loop3A_187 = vector.bitcast %parallel_loop3A_186 : vector<16xf32> to vector<16xi32>
      %parallel_loop3A_188 = arith.constant 1 : i32
      %parallel_loop3A_189 = vector.broadcast %parallel_loop3A_188 : i32 to vector<16xi32>
      %parallel_loop3A_190 = arith.shrsi %parallel_loop3A_187, %parallel_loop3A_189 : vector<16xi32>
      %parallel_loop3A_191 = arith.constant 1597463007 : i32
      %parallel_loop3A_192 = vector.broadcast %parallel_loop3A_191 : i32 to vector<16xi32>
      %parallel_loop3A_193 = arith.subi %parallel_loop3A_192, %parallel_loop3A_190 : vector<16xi32>
      %parallel_loop3A_194 = vector.bitcast %parallel_loop3A_193 : vector<16xi32> to vector<16xf32>
      %parallel_loop3A_195 = arith.constant 5.000000e-01 : f32
      %parallel_loop3A_196 = vector.broadcast %parallel_loop3A_195 : f32 to vector<16xf32>
      %parallel_loop3A_197 = arith.mulf %parallel_loop3A_186, %parallel_loop3A_196 : vector<16xf32>
      %parallel_loop3A_198 = arith.mulf %parallel_loop3A_197, %parallel_loop3A_194 : vector<16xf32>
      %parallel_loop3A_199 = arith.mulf %parallel_loop3A_198, %parallel_loop3A_194 : vector<16xf32>
      %parallel_loop3A_200 = arith.constant 1.500000e+00 : f32
      %parallel_loop3A_201 = vector.broadcast %parallel_loop3A_200 : f32 to vector<16xf32>
      %parallel_loop3A_202 = arith.subf %parallel_loop3A_201, %parallel_loop3A_199 : vector<16xf32>
      %parallel_loop3A_203 = arith.mulf %parallel_loop3A_194, %parallel_loop3A_202 : vector<16xf32>
      %parallel_loop3A_204 = arith.mulf %parallel_loop3A_197, %parallel_loop3A_203 : vector<16xf32>
      %parallel_loop3A_205 = arith.mulf %parallel_loop3A_204, %parallel_loop3A_203 : vector<16xf32>
      %parallel_loop3A_206 = arith.constant 1.500000e+00 : f32
      %parallel_loop3A_207 = vector.broadcast %parallel_loop3A_206 : f32 to vector<16xf32>
      %parallel_loop3A_208 = arith.subf %parallel_loop3A_207, %parallel_loop3A_205 : vector<16xf32>
      %parallel_loop3A_209 = arith.mulf %parallel_loop3A_203, %parallel_loop3A_208 : vector<16xf32>
      %parallel_loop3A_210 = arith.mulf %parallel_loop3A_186, %parallel_loop3A_209 : vector<16xf32>
      %parallel_loop3A_211 = arith.constant 9.99999993E-9 : f32
      %parallel_loop3A_212 = vector.broadcast %parallel_loop3A_211 : f32 to vector<16xf32>
      %parallel_loop3A_213 = arith.addf %parallel_loop3A_210, %parallel_loop3A_212 : vector<16xf32>
      %parallel_loop3A_214 = vector.bitcast %parallel_loop3A_213 : vector<16xf32> to vector<16xi32>
      %parallel_loop3A_215 = arith.constant 2129859011 : i32
      %parallel_loop3A_216 = vector.broadcast %parallel_loop3A_215 : i32 to vector<16xi32>
      %parallel_loop3A_217 = arith.subi %parallel_loop3A_216, %parallel_loop3A_214 : vector<16xi32>
      %parallel_loop3A_218 = vector.bitcast %parallel_loop3A_217 : vector<16xi32> to vector<16xf32>
      %parallel_loop3A_219 = arith.mulf %parallel_loop3A_213, %parallel_loop3A_218 : vector<16xf32>
      %parallel_loop3A_220 = arith.constant 2.000000e+00 : f32
      %parallel_loop3A_221 = vector.broadcast %parallel_loop3A_220 : f32 to vector<16xf32>
      %parallel_loop3A_222 = arith.subf %parallel_loop3A_221, %parallel_loop3A_219 : vector<16xf32>
      %parallel_loop3A_223 = arith.mulf %parallel_loop3A_218, %parallel_loop3A_222 : vector<16xf32>
      %parallel_loop3A_224 = arith.mulf %parallel_loop3A_213, %parallel_loop3A_223 : vector<16xf32>
      %parallel_loop3A_225 = arith.constant 2.000000e+00 : f32
      %parallel_loop3A_226 = vector.broadcast %parallel_loop3A_225 : f32 to vector<16xf32>
      %parallel_loop3A_227 = arith.subf %parallel_loop3A_226, %parallel_loop3A_224 : vector<16xf32>
      %parallel_loop3A_228 = arith.mulf %parallel_loop3A_223, %parallel_loop3A_227 : vector<16xf32>
      %parallel_loop3A_229 = arith.mulf %parallel_loop3A_213, %parallel_loop3A_228 : vector<16xf32>
      %parallel_loop3A_230 = arith.constant 2.000000e+00 : f32
      %parallel_loop3A_231 = vector.broadcast %parallel_loop3A_230 : f32 to vector<16xf32>
      %parallel_loop3A_232 = arith.subf %parallel_loop3A_231, %parallel_loop3A_229 : vector<16xf32>
      %parallel_loop3A_233 = arith.mulf %parallel_loop3A_228, %parallel_loop3A_232 : vector<16xf32>
      %parallel_loop3A_234 = arith.mulf %parallel_loop3A_177, %parallel_loop3A_233 : vector<16xf32>
      %parallel_loop3A_235 = arith.mulf %parallel_loop3A_179, %parallel_loop3A_233 : vector<16xf32>
      %parallel_loop3A_236 = arith.mulf %parallel_loop3A_181, %parallel_loop3A_233 : vector<16xf32>
      %parallel_loop3A_237 = arith.mulf %parallel_loop3A_169, %parallel_loop3A_236 : vector<16xf32>
      %parallel_loop3A_238 = arith.mulf %parallel_loop3A_170, %parallel_loop3A_235 : vector<16xf32>
      %parallel_loop3A_239 = arith.subf %parallel_loop3A_237, %parallel_loop3A_238 : vector<16xf32>
      %parallel_loop3A_240 = arith.mulf %parallel_loop3A_170, %parallel_loop3A_234 : vector<16xf32>
      %parallel_loop3A_241 = arith.mulf %parallel_loop3A_168, %parallel_loop3A_236 : vector<16xf32>
      %parallel_loop3A_242 = arith.subf %parallel_loop3A_240, %parallel_loop3A_241 : vector<16xf32>
      %parallel_loop3A_243 = arith.mulf %parallel_loop3A_168, %parallel_loop3A_235 : vector<16xf32>
      %parallel_loop3A_244 = arith.mulf %parallel_loop3A_169, %parallel_loop3A_234 : vector<16xf32>
      %parallel_loop3A_245 = arith.subf %parallel_loop3A_243, %parallel_loop3A_244 : vector<16xf32>
      %parallel_loop3A_246 = arith.constant 2 : i32
      %parallel_loop3A_247 = arith.muli %parallel_loop3A_102, %parallel_loop3A_246 : i32
      %parallel_loop3A_248 = vector.broadcast %parallel_loop3A_247 : i32 to vector<16xi32>
      %parallel_loop3A_249 = arith.addi %parallel_loop3A_248, %shift_right_arithmetic3A_4 : vector<16xi32>
      %parallel_loop3A_250 = arith.constant 7 : i32
      %parallel_loop3A_251 = vector.broadcast %parallel_loop3A_250 : i32 to vector<16xi32>
      %parallel_loop3A_252 = arith.shrsi %parallel_loop3A_249, %parallel_loop3A_251 : vector<16xi32>
      %parallel_loop3A_253 = arith.constant 1024 : i32
      %parallel_loop3A_254 = vector.broadcast %parallel_loop3A_253 : i32 to vector<16xi32>
      %parallel_loop3A_255 = arith.muli %parallel_loop3A_252, %parallel_loop3A_254 : vector<16xi32>
      %parallel_loop3A_256 = arith.constant 128 : i32
      %parallel_loop3A_257 = vector.broadcast %parallel_loop3A_256 : i32 to vector<16xi32>
      %parallel_loop3A_258 = arith.muli %and3A_6, %parallel_loop3A_257 : vector<16xi32>
      %parallel_loop3A_259 = arith.addi %parallel_loop3A_255, %parallel_loop3A_258 : vector<16xi32>
      %parallel_loop3A_260 = arith.constant 127 : i32
      %parallel_loop3A_261 = vector.broadcast %parallel_loop3A_260 : i32 to vector<16xi32>
      %parallel_loop3A_262 = arith.andi %parallel_loop3A_249, %parallel_loop3A_261 : vector<16xi32>
      %parallel_loop3A_263 = arith.addi %parallel_loop3A_259, %parallel_loop3A_262 : vector<16xi32>
      %parallel_loop3A_264 = arith.constant 0 : i32
      %parallel_loop3A_265 = vector.broadcast %parallel_loop3A_264 : i32 to vector<16xi32>
      %parallel_loop3A_266 = arith.muli %iota3A, %parallel_loop3A_265 : vector<16xi32>
      %parallel_loop3A_267 = arith.constant 0 : i32
      %parallel_loop3A_268 = vector.broadcast %parallel_loop3A_267 : i32 to vector<16xi32>
      %parallel_loop3A_269 = arith.addi %parallel_loop3A_266, %parallel_loop3A_268 : vector<16xi32>
      tpu.vector_store_idx %arg8[%parallel_loop3A_269, %parallel_loop3A_263], %parallel_loop3A_168 : memref<14x2048xf32, #tpu.memory_space<vmem>>[vector<16xi32>, vector<16xi32>], vector<16xf32>,
      %parallel_loop3A_270 = arith.constant 0 : i32
      %parallel_loop3A_271 = vector.broadcast %parallel_loop3A_270 : i32 to vector<16xi32>
      %parallel_loop3A_272 = arith.muli %iota3A, %parallel_loop3A_271 : vector<16xi32>
      %parallel_loop3A_273 = arith.constant 1 : i32
      %parallel_loop3A_274 = vector.broadcast %parallel_loop3A_273 : i32 to vector<16xi32>
      %parallel_loop3A_275 = arith.addi %parallel_loop3A_272, %parallel_loop3A_274 : vector<16xi32>
      tpu.vector_store_idx %arg8[%parallel_loop3A_275, %parallel_loop3A_263], %parallel_loop3A_169 : memref<14x2048xf32, #tpu.memory_space<vmem>>[vector<16xi32>, vector<16xi32>], vector<16xf32>,
      %parallel_loop3A_276 = arith.constant 0 : i32
      %parallel_loop3A_277 = vector.broadcast %parallel_loop3A_276 : i32 to vector<16xi32>
      %parallel_loop3A_278 = arith.muli %iota3A, %parallel_loop3A_277 : vector<16xi32>
      %parallel_loop3A_279 = arith.constant 2 : i32
      %parallel_loop3A_280 = vector.broadcast %parallel_loop3A_279 : i32 to vector<16xi32>
      %parallel_loop3A_281 = arith.addi %parallel_loop3A_278, %parallel_loop3A_280 : vector<16xi32>
      tpu.vector_store_idx %arg8[%parallel_loop3A_281, %parallel_loop3A_263], %parallel_loop3A_170 : memref<14x2048xf32, #tpu.memory_space<vmem>>[vector<16xi32>, vector<16xi32>], vector<16xf32>,
      %parallel_loop3A_282 = arith.constant 0 : i32
      %parallel_loop3A_283 = vector.broadcast %parallel_loop3A_282 : i32 to vector<16xi32>
      %parallel_loop3A_284 = arith.muli %iota3A, %parallel_loop3A_283 : vector<16xi32>
      %parallel_loop3A_285 = arith.constant 3 : i32
      %parallel_loop3A_286 = vector.broadcast %parallel_loop3A_285 : i32 to vector<16xi32>
      %parallel_loop3A_287 = arith.addi %parallel_loop3A_284, %parallel_loop3A_286 : vector<16xi32>
      tpu.vector_store_idx %arg8[%parallel_loop3A_287, %parallel_loop3A_263], %parallel_loop3A_113 : memref<14x2048xf32, #tpu.memory_space<vmem>>[vector<16xi32>, vector<16xi32>], vector<16xf32>,
      %parallel_loop3A_288 = arith.constant 0 : i32
      %parallel_loop3A_289 = vector.broadcast %parallel_loop3A_288 : i32 to vector<16xi32>
      %parallel_loop3A_290 = arith.muli %iota3A, %parallel_loop3A_289 : vector<16xi32>
      %parallel_loop3A_291 = arith.constant 4 : i32
      %parallel_loop3A_292 = vector.broadcast %parallel_loop3A_291 : i32 to vector<16xi32>
      %parallel_loop3A_293 = arith.addi %parallel_loop3A_290, %parallel_loop3A_292 : vector<16xi32>
      tpu.vector_store_idx %arg8[%parallel_loop3A_293, %parallel_loop3A_263], %parallel_loop3A_234 : memref<14x2048xf32, #tpu.memory_space<vmem>>[vector<16xi32>, vector<16xi32>], vector<16xf32>,
      %parallel_loop3A_294 = arith.constant 0 : i32
      %parallel_loop3A_295 = vector.broadcast %parallel_loop3A_294 : i32 to vector<16xi32>
      %parallel_loop3A_296 = arith.muli %iota3A, %parallel_loop3A_295 : vector<16xi32>
      %parallel_loop3A_297 = arith.constant 5 : i32
      %parallel_loop3A_298 = vector.broadcast %parallel_loop3A_297 : i32 to vector<16xi32>
      %parallel_loop3A_299 = arith.addi %parallel_loop3A_296, %parallel_loop3A_298 : vector<16xi32>
      tpu.vector_store_idx %arg8[%parallel_loop3A_299, %parallel_loop3A_263], %parallel_loop3A_235 : memref<14x2048xf32, #tpu.memory_space<vmem>>[vector<16xi32>, vector<16xi32>], vector<16xf32>,
      %parallel_loop3A_300 = arith.constant 0 : i32
      %parallel_loop3A_301 = vector.broadcast %parallel_loop3A_300 : i32 to vector<16xi32>
      %parallel_loop3A_302 = arith.muli %iota3A, %parallel_loop3A_301 : vector<16xi32>
      %parallel_loop3A_303 = arith.constant 6 : i32
      %parallel_loop3A_304 = vector.broadcast %parallel_loop3A_303 : i32 to vector<16xi32>
      %parallel_loop3A_305 = arith.addi %parallel_loop3A_302, %parallel_loop3A_304 : vector<16xi32>
      tpu.vector_store_idx %arg8[%parallel_loop3A_305, %parallel_loop3A_263], %parallel_loop3A_236 : memref<14x2048xf32, #tpu.memory_space<vmem>>[vector<16xi32>, vector<16xi32>], vector<16xf32>,
      %parallel_loop3A_306 = arith.constant 0 : i32
      %parallel_loop3A_307 = vector.broadcast %parallel_loop3A_306 : i32 to vector<16xi32>
      %parallel_loop3A_308 = arith.muli %iota3A, %parallel_loop3A_307 : vector<16xi32>
      %parallel_loop3A_309 = arith.constant 7 : i32
      %parallel_loop3A_310 = vector.broadcast %parallel_loop3A_309 : i32 to vector<16xi32>
      %parallel_loop3A_311 = arith.addi %parallel_loop3A_308, %parallel_loop3A_310 : vector<16xi32>
      tpu.vector_store_idx %arg8[%parallel_loop3A_311, %parallel_loop3A_263], %parallel_loop3A_114 : memref<14x2048xf32, #tpu.memory_space<vmem>>[vector<16xi32>, vector<16xi32>], vector<16xf32>,
      %parallel_loop3A_312 = arith.constant 0 : i32
      %parallel_loop3A_313 = vector.broadcast %parallel_loop3A_312 : i32 to vector<16xi32>
      %parallel_loop3A_314 = arith.muli %iota3A, %parallel_loop3A_313 : vector<16xi32>
      %parallel_loop3A_315 = arith.constant 8 : i32
      %parallel_loop3A_316 = vector.broadcast %parallel_loop3A_315 : i32 to vector<16xi32>
      %parallel_loop3A_317 = arith.addi %parallel_loop3A_314, %parallel_loop3A_316 : vector<16xi32>
      tpu.vector_store_idx %arg8[%parallel_loop3A_317, %parallel_loop3A_263], %parallel_loop3A_239 : memref<14x2048xf32, #tpu.memory_space<vmem>>[vector<16xi32>, vector<16xi32>], vector<16xf32>,
      %parallel_loop3A_318 = arith.constant 0 : i32
      %parallel_loop3A_319 = vector.broadcast %parallel_loop3A_318 : i32 to vector<16xi32>
      %parallel_loop3A_320 = arith.muli %iota3A, %parallel_loop3A_319 : vector<16xi32>
      %parallel_loop3A_321 = arith.constant 9 : i32
      %parallel_loop3A_322 = vector.broadcast %parallel_loop3A_321 : i32 to vector<16xi32>
      %parallel_loop3A_323 = arith.addi %parallel_loop3A_320, %parallel_loop3A_322 : vector<16xi32>
      tpu.vector_store_idx %arg8[%parallel_loop3A_323, %parallel_loop3A_263], %parallel_loop3A_242 : memref<14x2048xf32, #tpu.memory_space<vmem>>[vector<16xi32>, vector<16xi32>], vector<16xf32>,
      %parallel_loop3A_324 = arith.constant 0 : i32
      %parallel_loop3A_325 = vector.broadcast %parallel_loop3A_324 : i32 to vector<16xi32>
      %parallel_loop3A_326 = arith.muli %iota3A, %parallel_loop3A_325 : vector<16xi32>
      %parallel_loop3A_327 = arith.constant 10 : i32
      %parallel_loop3A_328 = vector.broadcast %parallel_loop3A_327 : i32 to vector<16xi32>
      %parallel_loop3A_329 = arith.addi %parallel_loop3A_326, %parallel_loop3A_328 : vector<16xi32>
      tpu.vector_store_idx %arg8[%parallel_loop3A_329, %parallel_loop3A_263], %parallel_loop3A_245 : memref<14x2048xf32, #tpu.memory_space<vmem>>[vector<16xi32>, vector<16xi32>], vector<16xf32>,
      %parallel_loop3A_330 = arith.constant 0 : i32
      %parallel_loop3A_331 = vector.broadcast %parallel_loop3A_330 : i32 to vector<16xi32>
      %parallel_loop3A_332 = arith.muli %iota3A, %parallel_loop3A_331 : vector<16xi32>
      %parallel_loop3A_333 = arith.constant 11 : i32
      %parallel_loop3A_334 = vector.broadcast %parallel_loop3A_333 : i32 to vector<16xi32>
      %parallel_loop3A_335 = arith.addi %parallel_loop3A_332, %parallel_loop3A_334 : vector<16xi32>
      tpu.vector_store_idx %arg8[%parallel_loop3A_335, %parallel_loop3A_263], %parallel_loop3A_115 : memref<14x2048xf32, #tpu.memory_space<vmem>>[vector<16xi32>, vector<16xi32>], vector<16xf32>,
      %parallel_loop3A_336 = arith.constant 0 : i32
      %parallel_loop3A_337 = vector.broadcast %parallel_loop3A_336 : i32 to vector<16xi32>
      %parallel_loop3A_338 = arith.muli %iota3A, %parallel_loop3A_337 : vector<16xi32>
      %parallel_loop3A_339 = arith.constant 12 : i32
      %parallel_loop3A_340 = vector.broadcast %parallel_loop3A_339 : i32 to vector<16xi32>
      %parallel_loop3A_341 = arith.addi %parallel_loop3A_338, %parallel_loop3A_340 : vector<16xi32>
      tpu.vector_store_idx %arg8[%parallel_loop3A_341, %parallel_loop3A_263], %add3A_39 : memref<14x2048xf32, #tpu.memory_space<vmem>>[vector<16xi32>, vector<16xi32>], vector<16xf32>,
      %parallel_loop3A_342 = arith.constant 0 : i32
      %parallel_loop3A_343 = vector.broadcast %parallel_loop3A_342 : i32 to vector<16xi32>
      %parallel_loop3A_344 = arith.muli %iota3A, %parallel_loop3A_343 : vector<16xi32>
      %parallel_loop3A_345 = arith.constant 13 : i32
      %parallel_loop3A_346 = vector.broadcast %parallel_loop3A_345 : i32 to vector<16xi32>
      %parallel_loop3A_347 = arith.addi %parallel_loop3A_344, %parallel_loop3A_346 : vector<16xi32>
      tpu.vector_store_idx %arg8[%parallel_loop3A_347, %parallel_loop3A_263], %add3A_46 : memref<14x2048xf32, #tpu.memory_space<vmem>>[vector<16xi32>, vector<16xi32>], vector<16xf32>,
    } {sc.loop_unroll_factor = 8 : i64, sc.parallel_access}
    %mul3A_62 = arith.constant 4 : i32
    %mul3A_63 = arith.muli %add3A, %mul3A_62 : i32
    %add3A_64 = arith.constant 0 : i32
    %add3A_65 = arith.addi %mul3A_63, %add3A_64 : i32
    %mul3A_66 = arith.constant 8 : i32
    %mul3A_67 = arith.muli %add3A_65, %mul3A_66 : i32
    %mul3A_68 = arith.constant 128 : i32
    %mul3A_69 = arith.muli %mul3A_67, %mul3A_68 : i32
    %dma_start3A_70 = arith.constant 0 : i32
    %dma_start3A_71 = tpu.memref_slice %arg4[%dma_start3A_70, %mul3A_69] : memref<14x131072xf32, #tpu.memory_space<hbm>> -> memref<14x2048xf32, #tpu.memory_space<hbm>>
    %dma_start3A_72 = arith.constant 0 : i32
    %dma_start3A_73 = tpu.memref_slice %arg4[%dma_start3A_72, %mul3A_69] : memref<14x131072xf32, #tpu.memory_space<hbm>> -> memref<14x2048xf32, #tpu.memory_space<hbm>>
    tpu.enqueue_dma source(%arg8 : memref<14x2048xf32, #tpu.memory_space<vmem>>) target(%dma_start3A_73 : memref<14x2048xf32, #tpu.memory_space<hbm>>) target_semaphore(%arg12 : memref<!tpu.dma_semaphore, #tpu.memory_space<semaphore_mem>>)
    %dma_wait3A_74 = arith.constant 256 : i32
    %dma_wait3A_75 = tpu.memref_slice %arg5[%dma_wait3A_74] : memref<512xi32, #tpu.memory_space<vmem>> -> memref<256xi32, #tpu.memory_space<vmem>>
    %dma_wait3A_76 = arith.constant 0 : i32
    %dma_wait3A_77 = arith.constant 0 : i32
    %dma_wait3A_78 = tpu.memref_slice %arg3[%dma_wait3A_76, %dma_wait3A_77] : memref<100000x128xf32, #tpu.memory_space<hbm>> -> memref<100000x128xf32, #tpu.memory_space<hbm>>
    tpu.wait_indirect_dma semaphore(%arg11 : memref<!tpu.dma_semaphore, #tpu.memory_space<semaphore_mem>>) src(%dma_wait3A_78 : memref<100000x128xf32, #tpu.memory_space<hbm>>) dst(%arg7 : memref<256x128xf32, #tpu.memory_space<vmem>>)
    %parallel_loop3A_79 = arith.constant 0 : i32
    %parallel_loop3A_80 = arith.constant 128 : i32
    %parallel_loop3A_81 = arith.constant 1 : i32
    scf.for %parallel_loop3A_102 = %parallel_loop3A_79 to %parallel_loop3A_80 step %parallel_loop3A_81  : i32 {
      %parallel_loop3A_103 = arith.constant 2 : i32
      %parallel_loop3A_104 = arith.muli %parallel_loop3A_102, %parallel_loop3A_103 : i32
      %parallel_loop3A_105 = vector.broadcast %parallel_loop3A_104 : i32 to vector<16xi32>
      %parallel_loop3A_106 = arith.addi %shift_right_arithmetic3A_4, %parallel_loop3A_105 : vector<16xi32>
      %parallel_loop3A_107 = tpu.vector_load_idx %arg7[%parallel_loop3A_106, %add3A_9] : memref<256x128xf32, #tpu.memory_space<vmem>>[vector<16xi32>, vector<16xi32>], vector<16xf32>,
      %parallel_loop3A_108 = tpu.vector_load_idx %arg7[%parallel_loop3A_106, %add3A_12] : memref<256x128xf32, #tpu.memory_space<vmem>>[vector<16xi32>, vector<16xi32>], vector<16xf32>,
      %parallel_loop3A_109 = tpu.vector_load_idx %arg7[%parallel_loop3A_106, %add3A_15] : memref<256x128xf32, #tpu.memory_space<vmem>>[vector<16xi32>, vector<16xi32>], vector<16xf32>,
      %parallel_loop3A_110 = tpu.vector_load_idx %arg7[%parallel_loop3A_106, %add3A_18] : memref<256x128xf32, #tpu.memory_space<vmem>>[vector<16xi32>, vector<16xi32>], vector<16xf32>,
      %parallel_loop3A_111 = tpu.vector_load_idx %arg7[%parallel_loop3A_106, %add3A_21] : memref<256x128xf32, #tpu.memory_space<vmem>>[vector<16xi32>, vector<16xi32>], vector<16xf32>,
      %parallel_loop3A_112 = tpu.vector_load_idx %arg7[%parallel_loop3A_106, %add3A_24] : memref<256x128xf32, #tpu.memory_space<vmem>>[vector<16xi32>, vector<16xi32>], vector<16xf32>,
      %parallel_loop3A_113 = tpu.vector_load_idx %arg7[%parallel_loop3A_106, %add3A_27] : memref<256x128xf32, #tpu.memory_space<vmem>>[vector<16xi32>, vector<16xi32>], vector<16xf32>,
      %parallel_loop3A_114 = tpu.vector_load_idx %arg7[%parallel_loop3A_106, %add3A_30] : memref<256x128xf32, #tpu.memory_space<vmem>>[vector<16xi32>, vector<16xi32>], vector<16xf32>,
      %parallel_loop3A_115 = tpu.vector_load_idx %arg7[%parallel_loop3A_106, %add3A_33] : memref<256x128xf32, #tpu.memory_space<vmem>>[vector<16xi32>, vector<16xi32>], vector<16xf32>,
      %parallel_loop3A_116 = arith.mulf %parallel_loop3A_107, %parallel_loop3A_107 : vector<16xf32>
      %parallel_loop3A_117 = arith.mulf %parallel_loop3A_108, %parallel_loop3A_108 : vector<16xf32>
      %parallel_loop3A_118 = arith.addf %parallel_loop3A_116, %parallel_loop3A_117 : vector<16xf32>
      %parallel_loop3A_119 = arith.mulf %parallel_loop3A_109, %parallel_loop3A_109 : vector<16xf32>
      %parallel_loop3A_120 = arith.addf %parallel_loop3A_118, %parallel_loop3A_119 : vector<16xf32>
      %parallel_loop3A_121 = vector.bitcast %parallel_loop3A_120 : vector<16xf32> to vector<16xi32>
      %parallel_loop3A_122 = arith.constant 1 : i32
      %parallel_loop3A_123 = vector.broadcast %parallel_loop3A_122 : i32 to vector<16xi32>
      %parallel_loop3A_124 = arith.shrsi %parallel_loop3A_121, %parallel_loop3A_123 : vector<16xi32>
      %parallel_loop3A_125 = arith.constant 1597463007 : i32
      %parallel_loop3A_126 = vector.broadcast %parallel_loop3A_125 : i32 to vector<16xi32>
      %parallel_loop3A_127 = arith.subi %parallel_loop3A_126, %parallel_loop3A_124 : vector<16xi32>
      %parallel_loop3A_128 = vector.bitcast %parallel_loop3A_127 : vector<16xi32> to vector<16xf32>
      %parallel_loop3A_129 = arith.constant 5.000000e-01 : f32
      %parallel_loop3A_130 = vector.broadcast %parallel_loop3A_129 : f32 to vector<16xf32>
      %parallel_loop3A_131 = arith.mulf %parallel_loop3A_120, %parallel_loop3A_130 : vector<16xf32>
      %parallel_loop3A_132 = arith.mulf %parallel_loop3A_131, %parallel_loop3A_128 : vector<16xf32>
      %parallel_loop3A_133 = arith.mulf %parallel_loop3A_132, %parallel_loop3A_128 : vector<16xf32>
      %parallel_loop3A_134 = arith.constant 1.500000e+00 : f32
      %parallel_loop3A_135 = vector.broadcast %parallel_loop3A_134 : f32 to vector<16xf32>
      %parallel_loop3A_136 = arith.subf %parallel_loop3A_135, %parallel_loop3A_133 : vector<16xf32>
      %parallel_loop3A_137 = arith.mulf %parallel_loop3A_128, %parallel_loop3A_136 : vector<16xf32>
      %parallel_loop3A_138 = arith.mulf %parallel_loop3A_131, %parallel_loop3A_137 : vector<16xf32>
      %parallel_loop3A_139 = arith.mulf %parallel_loop3A_138, %parallel_loop3A_137 : vector<16xf32>
      %parallel_loop3A_140 = arith.constant 1.500000e+00 : f32
      %parallel_loop3A_141 = vector.broadcast %parallel_loop3A_140 : f32 to vector<16xf32>
      %parallel_loop3A_142 = arith.subf %parallel_loop3A_141, %parallel_loop3A_139 : vector<16xf32>
      %parallel_loop3A_143 = arith.mulf %parallel_loop3A_137, %parallel_loop3A_142 : vector<16xf32>
      %parallel_loop3A_144 = arith.mulf %parallel_loop3A_120, %parallel_loop3A_143 : vector<16xf32>
      %parallel_loop3A_145 = arith.constant 9.99999993E-9 : f32
      %parallel_loop3A_146 = vector.broadcast %parallel_loop3A_145 : f32 to vector<16xf32>
      %parallel_loop3A_147 = arith.addf %parallel_loop3A_144, %parallel_loop3A_146 : vector<16xf32>
      %parallel_loop3A_148 = vector.bitcast %parallel_loop3A_147 : vector<16xf32> to vector<16xi32>
      %parallel_loop3A_149 = arith.constant 2129859011 : i32
      %parallel_loop3A_150 = vector.broadcast %parallel_loop3A_149 : i32 to vector<16xi32>
      %parallel_loop3A_151 = arith.subi %parallel_loop3A_150, %parallel_loop3A_148 : vector<16xi32>
      %parallel_loop3A_152 = vector.bitcast %parallel_loop3A_151 : vector<16xi32> to vector<16xf32>
      %parallel_loop3A_153 = arith.mulf %parallel_loop3A_147, %parallel_loop3A_152 : vector<16xf32>
      %parallel_loop3A_154 = arith.constant 2.000000e+00 : f32
      %parallel_loop3A_155 = vector.broadcast %parallel_loop3A_154 : f32 to vector<16xf32>
      %parallel_loop3A_156 = arith.subf %parallel_loop3A_155, %parallel_loop3A_153 : vector<16xf32>
      %parallel_loop3A_157 = arith.mulf %parallel_loop3A_152, %parallel_loop3A_156 : vector<16xf32>
      %parallel_loop3A_158 = arith.mulf %parallel_loop3A_147, %parallel_loop3A_157 : vector<16xf32>
      %parallel_loop3A_159 = arith.constant 2.000000e+00 : f32
      %parallel_loop3A_160 = vector.broadcast %parallel_loop3A_159 : f32 to vector<16xf32>
      %parallel_loop3A_161 = arith.subf %parallel_loop3A_160, %parallel_loop3A_158 : vector<16xf32>
      %parallel_loop3A_162 = arith.mulf %parallel_loop3A_157, %parallel_loop3A_161 : vector<16xf32>
      %parallel_loop3A_163 = arith.mulf %parallel_loop3A_147, %parallel_loop3A_162 : vector<16xf32>
      %parallel_loop3A_164 = arith.constant 2.000000e+00 : f32
      %parallel_loop3A_165 = vector.broadcast %parallel_loop3A_164 : f32 to vector<16xf32>
      %parallel_loop3A_166 = arith.subf %parallel_loop3A_165, %parallel_loop3A_163 : vector<16xf32>
      %parallel_loop3A_167 = arith.mulf %parallel_loop3A_162, %parallel_loop3A_166 : vector<16xf32>
      %parallel_loop3A_168 = arith.mulf %parallel_loop3A_107, %parallel_loop3A_167 : vector<16xf32>
      %parallel_loop3A_169 = arith.mulf %parallel_loop3A_108, %parallel_loop3A_167 : vector<16xf32>
      %parallel_loop3A_170 = arith.mulf %parallel_loop3A_109, %parallel_loop3A_167 : vector<16xf32>
      %parallel_loop3A_171 = arith.mulf %parallel_loop3A_168, %parallel_loop3A_110 : vector<16xf32>
      %parallel_loop3A_172 = arith.mulf %parallel_loop3A_169, %parallel_loop3A_111 : vector<16xf32>
      %parallel_loop3A_173 = arith.addf %parallel_loop3A_171, %parallel_loop3A_172 : vector<16xf32>
      %parallel_loop3A_174 = arith.mulf %parallel_loop3A_170, %parallel_loop3A_112 : vector<16xf32>
      %parallel_loop3A_175 = arith.addf %parallel_loop3A_173, %parallel_loop3A_174 : vector<16xf32>
      %parallel_loop3A_176 = arith.mulf %parallel_loop3A_175, %parallel_loop3A_168 : vector<16xf32>
      %parallel_loop3A_177 = arith.subf %parallel_loop3A_110, %parallel_loop3A_176 : vector<16xf32>
      %parallel_loop3A_178 = arith.mulf %parallel_loop3A_175, %parallel_loop3A_169 : vector<16xf32>
      %parallel_loop3A_179 = arith.subf %parallel_loop3A_111, %parallel_loop3A_178 : vector<16xf32>
      %parallel_loop3A_180 = arith.mulf %parallel_loop3A_175, %parallel_loop3A_170 : vector<16xf32>
      %parallel_loop3A_181 = arith.subf %parallel_loop3A_112, %parallel_loop3A_180 : vector<16xf32>
      %parallel_loop3A_182 = arith.mulf %parallel_loop3A_177, %parallel_loop3A_177 : vector<16xf32>
      %parallel_loop3A_183 = arith.mulf %parallel_loop3A_179, %parallel_loop3A_179 : vector<16xf32>
      %parallel_loop3A_184 = arith.addf %parallel_loop3A_182, %parallel_loop3A_183 : vector<16xf32>
      %parallel_loop3A_185 = arith.mulf %parallel_loop3A_181, %parallel_loop3A_181 : vector<16xf32>
      %parallel_loop3A_186 = arith.addf %parallel_loop3A_184, %parallel_loop3A_185 : vector<16xf32>
      %parallel_loop3A_187 = vector.bitcast %parallel_loop3A_186 : vector<16xf32> to vector<16xi32>
      %parallel_loop3A_188 = arith.constant 1 : i32
      %parallel_loop3A_189 = vector.broadcast %parallel_loop3A_188 : i32 to vector<16xi32>
      %parallel_loop3A_190 = arith.shrsi %parallel_loop3A_187, %parallel_loop3A_189 : vector<16xi32>
      %parallel_loop3A_191 = arith.constant 1597463007 : i32
      %parallel_loop3A_192 = vector.broadcast %parallel_loop3A_191 : i32 to vector<16xi32>
      %parallel_loop3A_193 = arith.subi %parallel_loop3A_192, %parallel_loop3A_190 : vector<16xi32>
      %parallel_loop3A_194 = vector.bitcast %parallel_loop3A_193 : vector<16xi32> to vector<16xf32>
      %parallel_loop3A_195 = arith.constant 5.000000e-01 : f32
      %parallel_loop3A_196 = vector.broadcast %parallel_loop3A_195 : f32 to vector<16xf32>
      %parallel_loop3A_197 = arith.mulf %parallel_loop3A_186, %parallel_loop3A_196 : vector<16xf32>
      %parallel_loop3A_198 = arith.mulf %parallel_loop3A_197, %parallel_loop3A_194 : vector<16xf32>
      %parallel_loop3A_199 = arith.mulf %parallel_loop3A_198, %parallel_loop3A_194 : vector<16xf32>
      %parallel_loop3A_200 = arith.constant 1.500000e+00 : f32
      %parallel_loop3A_201 = vector.broadcast %parallel_loop3A_200 : f32 to vector<16xf32>
      %parallel_loop3A_202 = arith.subf %parallel_loop3A_201, %parallel_loop3A_199 : vector<16xf32>
      %parallel_loop3A_203 = arith.mulf %parallel_loop3A_194, %parallel_loop3A_202 : vector<16xf32>
      %parallel_loop3A_204 = arith.mulf %parallel_loop3A_197, %parallel_loop3A_203 : vector<16xf32>
      %parallel_loop3A_205 = arith.mulf %parallel_loop3A_204, %parallel_loop3A_203 : vector<16xf32>
      %parallel_loop3A_206 = arith.constant 1.500000e+00 : f32
      %parallel_loop3A_207 = vector.broadcast %parallel_loop3A_206 : f32 to vector<16xf32>
      %parallel_loop3A_208 = arith.subf %parallel_loop3A_207, %parallel_loop3A_205 : vector<16xf32>
      %parallel_loop3A_209 = arith.mulf %parallel_loop3A_203, %parallel_loop3A_208 : vector<16xf32>
      %parallel_loop3A_210 = arith.mulf %parallel_loop3A_186, %parallel_loop3A_209 : vector<16xf32>
      %parallel_loop3A_211 = arith.constant 9.99999993E-9 : f32
      %parallel_loop3A_212 = vector.broadcast %parallel_loop3A_211 : f32 to vector<16xf32>
      %parallel_loop3A_213 = arith.addf %parallel_loop3A_210, %parallel_loop3A_212 : vector<16xf32>
      %parallel_loop3A_214 = vector.bitcast %parallel_loop3A_213 : vector<16xf32> to vector<16xi32>
      %parallel_loop3A_215 = arith.constant 2129859011 : i32
      %parallel_loop3A_216 = vector.broadcast %parallel_loop3A_215 : i32 to vector<16xi32>
      %parallel_loop3A_217 = arith.subi %parallel_loop3A_216, %parallel_loop3A_214 : vector<16xi32>
      %parallel_loop3A_218 = vector.bitcast %parallel_loop3A_217 : vector<16xi32> to vector<16xf32>
      %parallel_loop3A_219 = arith.mulf %parallel_loop3A_213, %parallel_loop3A_218 : vector<16xf32>
      %parallel_loop3A_220 = arith.constant 2.000000e+00 : f32
      %parallel_loop3A_221 = vector.broadcast %parallel_loop3A_220 : f32 to vector<16xf32>
      %parallel_loop3A_222 = arith.subf %parallel_loop3A_221, %parallel_loop3A_219 : vector<16xf32>
      %parallel_loop3A_223 = arith.mulf %parallel_loop3A_218, %parallel_loop3A_222 : vector<16xf32>
      %parallel_loop3A_224 = arith.mulf %parallel_loop3A_213, %parallel_loop3A_223 : vector<16xf32>
      %parallel_loop3A_225 = arith.constant 2.000000e+00 : f32
      %parallel_loop3A_226 = vector.broadcast %parallel_loop3A_225 : f32 to vector<16xf32>
      %parallel_loop3A_227 = arith.subf %parallel_loop3A_226, %parallel_loop3A_224 : vector<16xf32>
      %parallel_loop3A_228 = arith.mulf %parallel_loop3A_223, %parallel_loop3A_227 : vector<16xf32>
      %parallel_loop3A_229 = arith.mulf %parallel_loop3A_213, %parallel_loop3A_228 : vector<16xf32>
      %parallel_loop3A_230 = arith.constant 2.000000e+00 : f32
      %parallel_loop3A_231 = vector.broadcast %parallel_loop3A_230 : f32 to vector<16xf32>
      %parallel_loop3A_232 = arith.subf %parallel_loop3A_231, %parallel_loop3A_229 : vector<16xf32>
      %parallel_loop3A_233 = arith.mulf %parallel_loop3A_228, %parallel_loop3A_232 : vector<16xf32>
      %parallel_loop3A_234 = arith.mulf %parallel_loop3A_177, %parallel_loop3A_233 : vector<16xf32>
      %parallel_loop3A_235 = arith.mulf %parallel_loop3A_179, %parallel_loop3A_233 : vector<16xf32>
      %parallel_loop3A_236 = arith.mulf %parallel_loop3A_181, %parallel_loop3A_233 : vector<16xf32>
      %parallel_loop3A_237 = arith.mulf %parallel_loop3A_169, %parallel_loop3A_236 : vector<16xf32>
      %parallel_loop3A_238 = arith.mulf %parallel_loop3A_170, %parallel_loop3A_235 : vector<16xf32>
      %parallel_loop3A_239 = arith.subf %parallel_loop3A_237, %parallel_loop3A_238 : vector<16xf32>
      %parallel_loop3A_240 = arith.mulf %parallel_loop3A_170, %parallel_loop3A_234 : vector<16xf32>
      %parallel_loop3A_241 = arith.mulf %parallel_loop3A_168, %parallel_loop3A_236 : vector<16xf32>
      %parallel_loop3A_242 = arith.subf %parallel_loop3A_240, %parallel_loop3A_241 : vector<16xf32>
      %parallel_loop3A_243 = arith.mulf %parallel_loop3A_168, %parallel_loop3A_235 : vector<16xf32>
      %parallel_loop3A_244 = arith.mulf %parallel_loop3A_169, %parallel_loop3A_234 : vector<16xf32>
      %parallel_loop3A_245 = arith.subf %parallel_loop3A_243, %parallel_loop3A_244 : vector<16xf32>
      %parallel_loop3A_246 = arith.constant 2 : i32
      %parallel_loop3A_247 = arith.muli %parallel_loop3A_102, %parallel_loop3A_246 : i32
      %parallel_loop3A_248 = vector.broadcast %parallel_loop3A_247 : i32 to vector<16xi32>
      %parallel_loop3A_249 = arith.addi %parallel_loop3A_248, %shift_right_arithmetic3A_4 : vector<16xi32>
      %parallel_loop3A_250 = arith.constant 7 : i32
      %parallel_loop3A_251 = vector.broadcast %parallel_loop3A_250 : i32 to vector<16xi32>
      %parallel_loop3A_252 = arith.shrsi %parallel_loop3A_249, %parallel_loop3A_251 : vector<16xi32>
      %parallel_loop3A_253 = arith.constant 1024 : i32
      %parallel_loop3A_254 = vector.broadcast %parallel_loop3A_253 : i32 to vector<16xi32>
      %parallel_loop3A_255 = arith.muli %parallel_loop3A_252, %parallel_loop3A_254 : vector<16xi32>
      %parallel_loop3A_256 = arith.constant 128 : i32
      %parallel_loop3A_257 = vector.broadcast %parallel_loop3A_256 : i32 to vector<16xi32>
      %parallel_loop3A_258 = arith.muli %and3A_6, %parallel_loop3A_257 : vector<16xi32>
      %parallel_loop3A_259 = arith.addi %parallel_loop3A_255, %parallel_loop3A_258 : vector<16xi32>
      %parallel_loop3A_260 = arith.constant 127 : i32
      %parallel_loop3A_261 = vector.broadcast %parallel_loop3A_260 : i32 to vector<16xi32>
      %parallel_loop3A_262 = arith.andi %parallel_loop3A_249, %parallel_loop3A_261 : vector<16xi32>
      %parallel_loop3A_263 = arith.addi %parallel_loop3A_259, %parallel_loop3A_262 : vector<16xi32>
      %parallel_loop3A_264 = arith.constant 0 : i32
      %parallel_loop3A_265 = vector.broadcast %parallel_loop3A_264 : i32 to vector<16xi32>
      %parallel_loop3A_266 = arith.muli %iota3A, %parallel_loop3A_265 : vector<16xi32>
      %parallel_loop3A_267 = arith.constant 0 : i32
      %parallel_loop3A_268 = vector.broadcast %parallel_loop3A_267 : i32 to vector<16xi32>
      %parallel_loop3A_269 = arith.addi %parallel_loop3A_266, %parallel_loop3A_268 : vector<16xi32>
      tpu.vector_store_idx %arg9[%parallel_loop3A_269, %parallel_loop3A_263], %parallel_loop3A_168 : memref<14x2048xf32, #tpu.memory_space<vmem>>[vector<16xi32>, vector<16xi32>], vector<16xf32>,
      %parallel_loop3A_270 = arith.constant 0 : i32
      %parallel_loop3A_271 = vector.broadcast %parallel_loop3A_270 : i32 to vector<16xi32>
      %parallel_loop3A_272 = arith.muli %iota3A, %parallel_loop3A_271 : vector<16xi32>
      %parallel_loop3A_273 = arith.constant 1 : i32
      %parallel_loop3A_274 = vector.broadcast %parallel_loop3A_273 : i32 to vector<16xi32>
      %parallel_loop3A_275 = arith.addi %parallel_loop3A_272, %parallel_loop3A_274 : vector<16xi32>
      tpu.vector_store_idx %arg9[%parallel_loop3A_275, %parallel_loop3A_263], %parallel_loop3A_169 : memref<14x2048xf32, #tpu.memory_space<vmem>>[vector<16xi32>, vector<16xi32>], vector<16xf32>,
      %parallel_loop3A_276 = arith.constant 0 : i32
      %parallel_loop3A_277 = vector.broadcast %parallel_loop3A_276 : i32 to vector<16xi32>
      %parallel_loop3A_278 = arith.muli %iota3A, %parallel_loop3A_277 : vector<16xi32>
      %parallel_loop3A_279 = arith.constant 2 : i32
      %parallel_loop3A_280 = vector.broadcast %parallel_loop3A_279 : i32 to vector<16xi32>
      %parallel_loop3A_281 = arith.addi %parallel_loop3A_278, %parallel_loop3A_280 : vector<16xi32>
      tpu.vector_store_idx %arg9[%parallel_loop3A_281, %parallel_loop3A_263], %parallel_loop3A_170 : memref<14x2048xf32, #tpu.memory_space<vmem>>[vector<16xi32>, vector<16xi32>], vector<16xf32>,
      %parallel_loop3A_282 = arith.constant 0 : i32
      %parallel_loop3A_283 = vector.broadcast %parallel_loop3A_282 : i32 to vector<16xi32>
      %parallel_loop3A_284 = arith.muli %iota3A, %parallel_loop3A_283 : vector<16xi32>
      %parallel_loop3A_285 = arith.constant 3 : i32
      %parallel_loop3A_286 = vector.broadcast %parallel_loop3A_285 : i32 to vector<16xi32>
      %parallel_loop3A_287 = arith.addi %parallel_loop3A_284, %parallel_loop3A_286 : vector<16xi32>
      tpu.vector_store_idx %arg9[%parallel_loop3A_287, %parallel_loop3A_263], %parallel_loop3A_113 : memref<14x2048xf32, #tpu.memory_space<vmem>>[vector<16xi32>, vector<16xi32>], vector<16xf32>,
      %parallel_loop3A_288 = arith.constant 0 : i32
      %parallel_loop3A_289 = vector.broadcast %parallel_loop3A_288 : i32 to vector<16xi32>
      %parallel_loop3A_290 = arith.muli %iota3A, %parallel_loop3A_289 : vector<16xi32>
      %parallel_loop3A_291 = arith.constant 4 : i32
      %parallel_loop3A_292 = vector.broadcast %parallel_loop3A_291 : i32 to vector<16xi32>
      %parallel_loop3A_293 = arith.addi %parallel_loop3A_290, %parallel_loop3A_292 : vector<16xi32>
      tpu.vector_store_idx %arg9[%parallel_loop3A_293, %parallel_loop3A_263], %parallel_loop3A_234 : memref<14x2048xf32, #tpu.memory_space<vmem>>[vector<16xi32>, vector<16xi32>], vector<16xf32>,
      %parallel_loop3A_294 = arith.constant 0 : i32
      %parallel_loop3A_295 = vector.broadcast %parallel_loop3A_294 : i32 to vector<16xi32>
      %parallel_loop3A_296 = arith.muli %iota3A, %parallel_loop3A_295 : vector<16xi32>
      %parallel_loop3A_297 = arith.constant 5 : i32
      %parallel_loop3A_298 = vector.broadcast %parallel_loop3A_297 : i32 to vector<16xi32>
      %parallel_loop3A_299 = arith.addi %parallel_loop3A_296, %parallel_loop3A_298 : vector<16xi32>
      tpu.vector_store_idx %arg9[%parallel_loop3A_299, %parallel_loop3A_263], %parallel_loop3A_235 : memref<14x2048xf32, #tpu.memory_space<vmem>>[vector<16xi32>, vector<16xi32>], vector<16xf32>,
      %parallel_loop3A_300 = arith.constant 0 : i32
      %parallel_loop3A_301 = vector.broadcast %parallel_loop3A_300 : i32 to vector<16xi32>
      %parallel_loop3A_302 = arith.muli %iota3A, %parallel_loop3A_301 : vector<16xi32>
      %parallel_loop3A_303 = arith.constant 6 : i32
      %parallel_loop3A_304 = vector.broadcast %parallel_loop3A_303 : i32 to vector<16xi32>
      %parallel_loop3A_305 = arith.addi %parallel_loop3A_302, %parallel_loop3A_304 : vector<16xi32>
      tpu.vector_store_idx %arg9[%parallel_loop3A_305, %parallel_loop3A_263], %parallel_loop3A_236 : memref<14x2048xf32, #tpu.memory_space<vmem>>[vector<16xi32>, vector<16xi32>], vector<16xf32>,
      %parallel_loop3A_306 = arith.constant 0 : i32
      %parallel_loop3A_307 = vector.broadcast %parallel_loop3A_306 : i32 to vector<16xi32>
      %parallel_loop3A_308 = arith.muli %iota3A, %parallel_loop3A_307 : vector<16xi32>
      %parallel_loop3A_309 = arith.constant 7 : i32
      %parallel_loop3A_310 = vector.broadcast %parallel_loop3A_309 : i32 to vector<16xi32>
      %parallel_loop3A_311 = arith.addi %parallel_loop3A_308, %parallel_loop3A_310 : vector<16xi32>
      tpu.vector_store_idx %arg9[%parallel_loop3A_311, %parallel_loop3A_263], %parallel_loop3A_114 : memref<14x2048xf32, #tpu.memory_space<vmem>>[vector<16xi32>, vector<16xi32>], vector<16xf32>,
      %parallel_loop3A_312 = arith.constant 0 : i32
      %parallel_loop3A_313 = vector.broadcast %parallel_loop3A_312 : i32 to vector<16xi32>
      %parallel_loop3A_314 = arith.muli %iota3A, %parallel_loop3A_313 : vector<16xi32>
      %parallel_loop3A_315 = arith.constant 8 : i32
      %parallel_loop3A_316 = vector.broadcast %parallel_loop3A_315 : i32 to vector<16xi32>
      %parallel_loop3A_317 = arith.addi %parallel_loop3A_314, %parallel_loop3A_316 : vector<16xi32>
      tpu.vector_store_idx %arg9[%parallel_loop3A_317, %parallel_loop3A_263], %parallel_loop3A_239 : memref<14x2048xf32, #tpu.memory_space<vmem>>[vector<16xi32>, vector<16xi32>], vector<16xf32>,
      %parallel_loop3A_318 = arith.constant 0 : i32
      %parallel_loop3A_319 = vector.broadcast %parallel_loop3A_318 : i32 to vector<16xi32>
      %parallel_loop3A_320 = arith.muli %iota3A, %parallel_loop3A_319 : vector<16xi32>
      %parallel_loop3A_321 = arith.constant 9 : i32
      %parallel_loop3A_322 = vector.broadcast %parallel_loop3A_321 : i32 to vector<16xi32>
      %parallel_loop3A_323 = arith.addi %parallel_loop3A_320, %parallel_loop3A_322 : vector<16xi32>
      tpu.vector_store_idx %arg9[%parallel_loop3A_323, %parallel_loop3A_263], %parallel_loop3A_242 : memref<14x2048xf32, #tpu.memory_space<vmem>>[vector<16xi32>, vector<16xi32>], vector<16xf32>,
      %parallel_loop3A_324 = arith.constant 0 : i32
      %parallel_loop3A_325 = vector.broadcast %parallel_loop3A_324 : i32 to vector<16xi32>
      %parallel_loop3A_326 = arith.muli %iota3A, %parallel_loop3A_325 : vector<16xi32>
      %parallel_loop3A_327 = arith.constant 10 : i32
      %parallel_loop3A_328 = vector.broadcast %parallel_loop3A_327 : i32 to vector<16xi32>
      %parallel_loop3A_329 = arith.addi %parallel_loop3A_326, %parallel_loop3A_328 : vector<16xi32>
      tpu.vector_store_idx %arg9[%parallel_loop3A_329, %parallel_loop3A_263], %parallel_loop3A_245 : memref<14x2048xf32, #tpu.memory_space<vmem>>[vector<16xi32>, vector<16xi32>], vector<16xf32>,
      %parallel_loop3A_330 = arith.constant 0 : i32
      %parallel_loop3A_331 = vector.broadcast %parallel_loop3A_330 : i32 to vector<16xi32>
      %parallel_loop3A_332 = arith.muli %iota3A, %parallel_loop3A_331 : vector<16xi32>
      %parallel_loop3A_333 = arith.constant 11 : i32
      %parallel_loop3A_334 = vector.broadcast %parallel_loop3A_333 : i32 to vector<16xi32>
      %parallel_loop3A_335 = arith.addi %parallel_loop3A_332, %parallel_loop3A_334 : vector<16xi32>
      tpu.vector_store_idx %arg9[%parallel_loop3A_335, %parallel_loop3A_263], %parallel_loop3A_115 : memref<14x2048xf32, #tpu.memory_space<vmem>>[vector<16xi32>, vector<16xi32>], vector<16xf32>,
      %parallel_loop3A_336 = arith.constant 0 : i32
      %parallel_loop3A_337 = vector.broadcast %parallel_loop3A_336 : i32 to vector<16xi32>
      %parallel_loop3A_338 = arith.muli %iota3A, %parallel_loop3A_337 : vector<16xi32>
      %parallel_loop3A_339 = arith.constant 12 : i32
      %parallel_loop3A_340 = vector.broadcast %parallel_loop3A_339 : i32 to vector<16xi32>
      %parallel_loop3A_341 = arith.addi %parallel_loop3A_338, %parallel_loop3A_340 : vector<16xi32>
      tpu.vector_store_idx %arg9[%parallel_loop3A_341, %parallel_loop3A_263], %add3A_39 : memref<14x2048xf32, #tpu.memory_space<vmem>>[vector<16xi32>, vector<16xi32>], vector<16xf32>,
      %parallel_loop3A_342 = arith.constant 0 : i32
      %parallel_loop3A_343 = vector.broadcast %parallel_loop3A_342 : i32 to vector<16xi32>
      %parallel_loop3A_344 = arith.muli %iota3A, %parallel_loop3A_343 : vector<16xi32>
      %parallel_loop3A_345 = arith.constant 13 : i32
      %parallel_loop3A_346 = vector.broadcast %parallel_loop3A_345 : i32 to vector<16xi32>
      %parallel_loop3A_347 = arith.addi %parallel_loop3A_344, %parallel_loop3A_346 : vector<16xi32>
      tpu.vector_store_idx %arg9[%parallel_loop3A_347, %parallel_loop3A_263], %add3A_46 : memref<14x2048xf32, #tpu.memory_space<vmem>>[vector<16xi32>, vector<16xi32>], vector<16xf32>,
    } {sc.loop_unroll_factor = 8 : i64, sc.parallel_access}
    %mul3A_82 = arith.constant 4 : i32
    %mul3A_83 = arith.muli %add3A, %mul3A_82 : i32
    %add3A_84 = arith.constant 2 : i32
    %add3A_85 = arith.addi %mul3A_83, %add3A_84 : i32
    %mul3A_86 = arith.constant 8 : i32
    %mul3A_87 = arith.muli %add3A_85, %mul3A_86 : i32
    %mul3A_88 = arith.constant 128 : i32
    %mul3A_89 = arith.muli %mul3A_87, %mul3A_88 : i32
    %dma_start3A_90 = arith.constant 0 : i32
    %dma_start3A_91 = tpu.memref_slice %arg4[%dma_start3A_90, %mul3A_89] : memref<14x131072xf32, #tpu.memory_space<hbm>> -> memref<14x2048xf32, #tpu.memory_space<hbm>>
    %dma_start3A_92 = arith.constant 0 : i32
    %dma_start3A_93 = tpu.memref_slice %arg4[%dma_start3A_92, %mul3A_89] : memref<14x131072xf32, #tpu.memory_space<hbm>> -> memref<14x2048xf32, #tpu.memory_space<hbm>>
    tpu.enqueue_dma source(%arg9 : memref<14x2048xf32, #tpu.memory_space<vmem>>) target(%dma_start3A_93 : memref<14x2048xf32, #tpu.memory_space<hbm>>) target_semaphore(%arg12 : memref<!tpu.dma_semaphore, #tpu.memory_space<semaphore_mem>>)
    %dma_wait3A_94 = arith.constant 0 : i32
    %dma_wait3A_95 = tpu.memref_slice %arg4[%dma_wait3A_94, %mul3A_69] : memref<14x131072xf32, #tpu.memory_space<hbm>> -> memref<14x2048xf32, #tpu.memory_space<hbm>>
    %dma_wait3A_96 = arith.constant 0 : i32
    %dma_wait3A_97 = tpu.memref_slice %arg4[%dma_wait3A_96, %mul3A_69] : memref<14x131072xf32, #tpu.memory_space<hbm>> -> memref<14x2048xf32, #tpu.memory_space<hbm>>
    tpu.wait_dma2 semaphore(%arg12 : memref<!tpu.dma_semaphore, #tpu.memory_space<semaphore_mem>>) src(%arg8 : memref<14x2048xf32, #tpu.memory_space<vmem>>) dst(%dma_wait3A_97 : memref<14x2048xf32, #tpu.memory_space<hbm>>)
    %dma_wait3A_98 = arith.constant 0 : i32
    %dma_wait3A_99 = tpu.memref_slice %arg4[%dma_wait3A_98, %mul3A_89] : memref<14x131072xf32, #tpu.memory_space<hbm>> -> memref<14x2048xf32, #tpu.memory_space<hbm>>
    %dma_wait3A_100 = arith.constant 0 : i32
    %dma_wait3A_101 = tpu.memref_slice %arg4[%dma_wait3A_100, %mul3A_89] : memref<14x131072xf32, #tpu.memory_space<hbm>> -> memref<14x2048xf32, #tpu.memory_space<hbm>>
    tpu.wait_dma2 semaphore(%arg12 : memref<!tpu.dma_semaphore, #tpu.memory_space<semaphore_mem>>) src(%arg9 : memref<14x2048xf32, #tpu.memory_space<vmem>>) dst(%dma_wait3A_101 : memref<14x2048xf32, #tpu.memory_space<hbm>>)
    return
  }
}

module attributes {stable_mosaic.version = 14 : i64} {
  func.func @body(%arg0: i32, %arg1: memref<6x8x8192xf32, #tpu.memory_space<vmem>>, %arg2: memref<3x8x8192xf32, #tpu.memory_space<vmem>>, %arg3: memref<8192x128xf32, #tpu.memory_space<vmem>>) attributes {dimension_semantics = [#tpu.dimension_semantics<arbitrary>], iteration_bounds = array<i64: 13>, scalar_prefetch = 0 : i64, scratch_operands = 0 : i64, tpu.core_type = #tpu.core_type<tc>, window_params = [{transform_indices = @transform_0, window_bounds = array<i64: 6, 8, 8192>}, {transform_indices = @transform_1, window_bounds = array<i64: 3, 8, 8192>}, {transform_indices = @transform_2, window_bounds = array<i64: 8192, 128>}]} {
    %get3A = arith.constant 0 : index
    %get3A_0 = arith.constant 0 : index
    %get3A_1 = arith.constant 0 : index
    %get3A_2 = vector.load %arg1[%get3A, %get3A_0, %get3A_1] : memref<6x8x8192xf32, #tpu.memory_space<vmem>>, vector<6x8x8192xf32>
    %reshape3A = vector.shape_cast %get3A_2 : vector<6x8x8192xf32> to vector<48x8192xf32>
    %get3A_3 = arith.constant 0 : index
    %get3A_4 = arith.constant 0 : index
    %get3A_5 = arith.constant 0 : index
    %get3A_6 = vector.load %arg2[%get3A_3, %get3A_4, %get3A_5] : memref<3x8x8192xf32, #tpu.memory_space<vmem>>, vector<3x8x8192xf32>
    %reshape3A_7 = vector.shape_cast %get3A_6 : vector<3x8x8192xf32> to vector<24x8192xf32>
    %concatenate3A = tpu.concatenate %reshape3A, %reshape3A_7 in 0 : vector<48x8192xf32>, vector<24x8192xf32> -> vector<72x8192xf32>
    %transpose3A = tpu.transpose %concatenate3A, [1, 0] : vector<72x8192xf32> -> vector<8192x72xf32>
    %swap3A = arith.constant 0 : index
    %swap3A_8 = arith.constant 0 : index
    %swap3A_9 = vector.load %arg3[%swap3A, %swap3A_8] : memref<8192x128xf32, #tpu.memory_space<vmem>>, vector<8192x72xf32>
    tpu.vector_store %arg3[%swap3A, %swap3A_8], %transpose3A {strides = array<i32>} : memref<8192x128xf32, #tpu.memory_space<vmem>>, vector<8192x72xf32>,
    return
  }
  func.func @transform_0(%arg0: i32) -> (i32, i32, i32) {
    %c0_i32 = arith.constant 0 : i32
    %c0_i32_0 = arith.constant 0 : i32
    %c0_i32_1 = arith.constant 0 : i32
    return %c0_i32, %c0_i32_0, %arg0 : i32, i32, i32
  }
  func.func @transform_1(%arg0: i32) -> (i32, i32, i32) {
    %c0_i32 = arith.constant 0 : i32
    %c0_i32_0 = arith.constant 0 : i32
    %c0_i32_1 = arith.constant 0 : i32
    return %c0_i32, %c0_i32_0, %arg0 : i32, i32, i32
  }
  func.func @transform_2(%arg0: i32) -> (i32, i32) {
    %c0_i32 = arith.constant 0 : i32
    %c0_i32_0 = arith.constant 0 : i32
    return %arg0, %c0_i32 : i32, i32
  }
}

</mosaic_0001>

<sc_bundles>
// kernel: kernel.4.cloned.1.call-start
scs
__scs_entry_jumppad:
0x0: {  	(pc) =	sbr.rel $0x88, $3  }
0x1: {  	(tag) =	ssettag $0x0;
	lr =	simm.s32 $0x1  }
0x2: {  	[smem:$0x3F9E] =	sst lr;
	_ =	strace $0xD0000000  }
0x3: {  	_ = 	snop  }
0x4: {  	_ = 	snop  }
0x5: {  	_ = 	snop  }
0x6: {  	_ = 	snop  }
0x7: {  	_ = 	snop  }
__scs_overlays_trampoline_lowered:
0x8: {  	[smem:$0x3FAD] =	sst s0  }
0x9: {  	[smem:$0x3FAE] =	sst s1  }
0xa: {  	[smem:$0x3FAF] =	sst s2  }
0xb: {  	[smem:$0x3FB0] =	sst s3  }
0xc: {  	[smem:$0x3FB1] =	sst s4  }
0xd: {  	[smem:$0x3FB2] =	sst s5  }
0xe: {  	[smem:$0x3FB3] =	sst s6  }
0xf: {  	[smem:$0x3FB4] =	sst s7  }
0x10: {  	[smem:$0x3FB5] =	sst s8  }
0x11: {  	[smem:$0x3FB6] =	sst s9;
	s0 =	simm.s32 @!p0 $0x0  }
0x12: {  	s1 =	sld [smem:$0x3F9C];
	s0 =	simm.s32 @p0 $0x1  }
0x13: {  	[smem:$0x3FB7] =	sst s0;
	s0 =	simm.s32 @!p1 $0x0  }
0x14: {  	s2 =	sld [smem:$0x3F9B];
	s0 =	simm.s32 @p1 $0x1  }
0x15: {  	[smem:$0x3FB8] =	sst s0;
	s0 =	simm.s32 @!p2 $0x0  }
0x16: {  	s3 =	sld [smem:$0x3FDB];
	s0 =	simm.s32 @p2 $0x1  }
0x17: {  	s4 =	simm.s32 $0x1BF5;
	[smem:$0x3FBA] =	sst s0  }
0x18: {  	s0 =	sld [smem:$0x3F9D];
	_ =	swait.ge [sflag:s4], $0x0  }
0x19: {  	s7 =	sld [smem:$0x3F9E]  }
0x1a: {  	s8 =	sadd.s32 $0xFFFFE003, lr  }
0x1b: {  	s9 =	sadd.s32 $0xFFFFFEF7, lr;
	s5 =	simm.s32 $0xFFFFFFFF;
	p2 =	slt.u32 s8, $0xFFFFF086  }
0x1c: {  	p1 =	slt.u32 s9, $0xF7A;
	s5 =	simm.s32 @!p2 $0x0  }
0x1d: {  	s5 =	simm.s32 @p1 $0x1;
	p0 =	seq.s32 s7, s2  }
0x1e: {  	s7 =	smul.u32 @!p0 $0xF7A, s2;
	p2 =	seq.s32 @!p0 s5, $0x0  }
0x1f: {  	s9 =	smul.u32 $0xF7A, s1;
	s8 =	simm.s32 @!p0 $0x1BF5;
	p2 =	por !p2, p0  }
0x20: {  	[sflag:s8] =	ssyncset.s32 @!p0 $0xFFFFF086;
	s6 =	sadd.s32 @!p0 s3, s7;
	s7 =	simm.s32 @!p0 $0x108  }
0x21: {  	s3 =	sadd.s32 s3, s9;
	s6 =	sadd.s32 @!p0 $0x88, s6;
	s7 =	simm.s32 @p2 $0x1082  }
0x22: {  	[simem:s7], [sflag:s8] =	dma.local @!p0 [hbm:s6], $0xF7A  }
0x23: {  	s9 =	sor.u32 $0xD0000000, s2;
	s6 =	simm.s32 $0x108;
	_ =	swait.ge @!p0 [sflag:s8], $0x0  }
0x24: {  	s3 =	sadd.s32 $0x88, s3;
	s6 =	simm.s32 @!p1 $0x1082;
	[sflag:s4] =	ssyncset.s32 $0xFFFFF086  }
0x25: {  	[simem:s6], [sflag:s4] =	dma.local [hbm:s3], $0xF7A  }
0x26: {  	[smem:$0x3F9E] =	sst s1;
	(tag) =	ssettag s2;
	_ =	strace s9  }
0x27: {  	s1 =	sld [smem:$0x3FAE]  }
0x28: {  	s2 =	sld [smem:$0x3FAF]  }
0x29: {  	s4 =	sld [smem:$0x3FB1]  }
0x2a: {  	p0 =	seq.s32 s5, $0x0;
	s5 =	sld [smem:$0x3FB2]  }
0x2b: {  	s6 =	sld [smem:$0x3FB3]  }
0x2c: {  	s7 =	sld [smem:$0x3FB4]  }
0x2d: {  	s3 =	simm.s32 $0x108;
	s8 =	sld [smem:$0x3FB5]  }
0x2e: {  	s3 =	simm.s32 @!p0 $0x1082;
	s9 =	sld [smem:$0x3FB6]  }
0x2f: {  	lr =	sadd.s32 s0, s3;
	s0 =	sld [smem:$0x3FAD]  }
0x30: {  	s3 =	sld [smem:$0x3FB0]  }
0x31: {  	[smem:$0x3FB9] =	sst s10  }
0x32: {  	s10 =	sld [smem:$0x3FB7];
	_ =	sdelay $0x3  }
0x33: {  	p0 =	seq.s32 s10, $0x1;
	s10 =	sld [smem:$0x3FB9];
	_ =	sdelay $0x3  }
0x34: {  	[smem:$0x3FB9] =	sst s10  }
0x35: {  	s10 =	sld [smem:$0x3FB8];
	_ =	sdelay $0x3  }
0x36: {  	p1 =	seq.s32 s10, $0x1;
	s10 =	sld [smem:$0x3FB9];
	_ =	sdelay $0x3  }
0x37: {  	[smem:$0x3FB9] =	sst s10  }
0x38: {  	s10 =	sld [smem:$0x3FBA]  }
0x39: {  	_ = 	snop;
	(pc) =	sbr.ind lr, $3  }
0x3a: {  	_ = 	snop  }
0x3b: {  	_ = 	snop  }
0x3c: {  	p2 =	seq.s32 s10, $0x1;
	s10 =	sld [smem:$0x3FB9]  }
0x3d: {  	_ =	shalt  }
0x3e: {  	_ =	shalt  }
0x3f: {  	_ =	shalt  }
0x40: {  	_ =	shalt  }
0x41: {  	_ =	shalt  }
0x42: {  	_ =	shalt  }
0x43: {  	_ =	shalt  }
0x44: {  	_ =	shalt  }
0x45: {  	_ =	shalt  }
0x46: {  	_ =	shalt  }
0x47: {  	_ =	shalt  }
0x48: {  	_ =	shalt  }
0x49: {  	_ =	shalt  }
0x4a: {  	_ =	shalt  }
0x4b: {  	_ =	shalt  }
0x4c: {  	_ =	shalt  }
0x4d: {  	_ =	shalt  }
0x4e: {  	_ =	shalt  }
0x4f: {  	_ =	shalt  }
0x50: {  	_ =	shalt  }
0x51: {  	_ =	shalt  }
0x52: {  	_ =	shalt  }
0x53: {  	_ =	shalt  }
0x54: {  	_ =	shalt  }
0x55: {  	_ =	shalt  }
0x56: {  	_ =	shalt  }
0x57: {  	_ =	shalt  }
0x58: {  	_ =	shalt  }
0x59: {  	_ =	shalt  }
0x5a: {  	_ =	shalt  }
0x5b: {  	_ =	shalt  }
0x5c: {  	_ =	shalt  }
0x5d: {  	_ =	shalt  }
0x5e: {  	_ =	shalt  }
0x5f: {  	_ =	shalt  }
0x60: {  	_ =	shalt  }
0x61: {  	_ =	shalt  }
0x62: {  	_ =	shalt  }
0x63: {  	_ =	shalt  }
0x64: {  	_ =	shalt  }
0x65: {  	_ =	shalt  }
0x66: {  	_ =	shalt  }
0x67: {  	_ =	shalt  }
0x68: {  	_ =	shalt  }
0x69: {  	_ =	shalt  }
0x6a: {  	_ =	shalt  }
0x6b: {  	_ =	shalt  }
0x6c: {  	_ =	shalt  }
0x6d: {  	_ =	shalt  }
0x6e: {  	_ =	shalt  }
0x6f: {  	_ =	shalt  }
0x70: {  	_ =	shalt  }
0x71: {  	_ =	shalt  }
0x72: {  	_ =	shalt  }
0x73: {  	_ =	shalt  }
0x74: {  	_ =	shalt  }
0x75: {  	_ =	shalt  }
0x76: {  	_ =	shalt  }
0x77: {  	_ =	shalt  }
0x78: {  	_ =	shalt  }
0x79: {  	_ =	shalt  }
0x7a: {  	_ =	shalt  }
0x7b: {  	_ =	shalt  }
0x7c: {  	_ =	shalt  }
0x7d: {  	_ =	shalt  }
0x7e: {  	_ =	shalt  }
0x7f: {  	_ =	shalt  }
0x80: {  	_ =	shalt  }
0x81: {  	_ =	shalt  }
0x82: {  	_ =	shalt  }
0x83: {  	_ =	shalt  }
0x84: {  	_ =	shalt  }
0x85: {  	_ =	shalt  }
0x86: {  	_ =	shalt  }
0x87: {  	_ =	shalt  }
.Lfunc_end0:
.L_simem_size_0:
called_computation_lowered:
.L_overlay_start_0:
0x88: {  	s2 =	sld [smem:$0x3FD9]  }
0x89: {  	s3 =	sld [smem:$0x3FFE];
	_ =	sdelay $0x1  }
0x8a: {  	s1 =	srdreg.scid  }
0x8b: {  	s0 =	sand.u32 $0x1, s1  }
0x8c: {  	s17 =	sshll.u32 s0, $0xA;
	s2 =	sadd.s32 s3, s2  }
0x8d: {  	s2 =	sadd.s32 s2, s17  }
0x8e: {  	[smem:$0x3FC5] =	sst s2  }
0x8f: {  	_ = 	snop  }
0x90: {  	s2 =	sld [smem:$0x3FC9]  }
0x91: {  	s18 =	sld [smem:$0x3FD0];
	(tm) =	ssettm $0x1  }
0x92: {  	s4 =	sld [smem:$0x3FFB];
	_ =	sdelay $0x3  }
0x93: {  	_ =	strace s4  }
0x94: {  	s4 =	sld [smem:$0x3FFC];
	_ =	sdelay $0x3  }
0x95: {  	_ =	strace s4  }
0x96: {  	s4 =	sld [smem:$0x3FFD];
	_ =	sdelay $0x3  }
0x97: {  	_ =	strace s4  }
0x98: {  	_ =	strace $0x8FFFFFFF  }
0x99: {  	s19 =	sld [smem:$0x3FDB];
	_ =	sdelay $0x1  }
0x9a: {  	s5 =	simm.s32 $_scs_section_size  }
0x9b: {  	s6 =	simm.s32 $_size__tile_overlayer_lowered;
	s7 =	simm.s32 $_tile_overlayer_lowered  }
0x9c: {  	s22 =	simm.s32 $0x1BFF;
	s21 =	sshll.u32 s7, $0x1;
	s4 =	sadd.s32 s5, s19  }
0x9d: {  	s8 =	simm.s32 $0x0;
	s20 =	sshll.u32 s6, $0x1;
	s6 =	sadd.s32 s21, s4  }
0x9e: {  	[timem:s8], [sflag:s22] =	dma.local [hbm:s6], s20  }
0x9f: {  	_ =	swait.ge [sflag:s22], s20  }
0xa0: {  	s5 =	ssub.s32 $0x0, s20;
	[sflag:s22] =	ssyncset.done $0x0  }
0xa1: {  	[sflag:s22] =	ssyncadd.s32 s5;
	_ =	sdelay $0x1  }
0xa2: {  	s23 =	simm.s32 $0x1B8B  }
0xa3: {  	_ =	swait.ge [sflag:s23], $0x1  }
0xa4: {  	[sflag:s23] =	ssyncset.done $0x0  }
0xa5: {  	s25 =	simm.s32 $0x1B8E;
	s24 =	sld [smem:$0x3FFE];
	[sflag:s23] =	ssyncadd.s32 $0xFFFFFFFF  }
0xa6: {  	s26 =	simm.s32 $execute0_lowered;
	[smem:$0x3FD2] =	sst s25  }
0xa7: {  	s6 =	sshll.u32 s26, $0x1;
	_ =	strace $0x80000046;
	[dreg:$0x1] =	wrdreg $0xFFFFFFFF  }
0xa8: {  	s28 =	simm.s32 $_size_execute0_lowered;
	s4 =	sadd.s32 s4, s6;
	[dreg:$0x0] =	wrdreg $0x0  }
0xa9: {  	s6 =	sshll.u32 s28, $0x1;
	[dreg:$0x2] =	wrdreg s4  }
0xaa: {  	[dreg:$0x3] =	wrdreg s6  }
0xab: {  	[dreg:$0x4] =	wrdreg $0xC0  }
0xac: {  	_ =	task [dreg:s8], $0x5FFFF  }
0xad: {  	[dreg:$0x1] =	wrdreg $0xFFFFFFFF  }
0xae: {  	[dreg:$0x0] =	wrdreg $0x60  }
0xaf: {  	[dreg:$0x2] =	wrdreg s2  }
0xb0: {  	[dreg:$0x3] =	wrdreg s24  }
0xb1: {  	[dreg:$0x4] =	wrdreg s18  }
0xb2: {  	[dreg:$0x5] =	wrdreg $0x9  }
0xb3: {  	_ =	task.clear_ibuf [dreg:s8], $0x6FFFF;
	_ =	strace $0x90000046  }
0xb4: {  	s29 =	simm.s32 $0x9;
	_ =	strace $0x80000048  }
0xb5: {  	_ =	swait.ge [sflag:s29], $0x1  }
0xb6: {  	[sflag:s29] =	ssyncadd.s32 $0xFFFFFFFF  }
0xb7: {  	_ =	strace $0x90000048  }
0xb8: {  	_ =	sfence  }
0xb9: {  	s30 =	sld [smem:$0x0];
	_ =	sdelay $0x2  }
0xba: {  	s31 =	sshll.u32 s1, $0xD;
	s1 =	sshrl.u32 s1, $0x2  }
0xbb: {  	s3 =	sand.u32 $0x4000, s31;
	s1 =	sadd.s32 s1, s30  }
0xbc: {  	s0 =	sor.u32 s3, s0;
	s1 =	sshll.u32 s1, $0x11  }
0xbd: {  	s0 =	sor.u32 s1, s0  }
0xbe: {  	s0 =	sadd.s32 $0x8F2B, s0  }
0xbf: {  	[sflag:s0] =	ssyncadd.remote.s32 $0x1  }
0xc0: {  	_ =	sfence.sel $0xFFFF  }
0xc1: {  	[dreg:$0x0] =	wrdreg $0xFFFFFFFF;
	(pc) =	sbr.abs _section_cstart, $3  }
0xc2: {  	[dreg:$0x1] =	wrdreg $0xFFFFFFFF  }
0xc3: {  	_ =	task.clear_ibuf [dreg:s8], $0x2FFFF;
	_ =	strace $0x9FFFFFFF  }
0xc4: {  	(tm) =	ssettm $0x7FFFFFFF  }
0xc5: {  	_ =	shalt  }
tec
execute0_lowered:
.L_overlay_start_1:
0x0: {  	(tag) =	ssettag $0x1  }
0x1: {  	vm14 =	vcmask $0x300;
	v0 =	vimm.s32 $0x381  }
0x2: {  	vm13 =	vcmask $0x704;
	v0 =	vsel vm14, $0x0, v0  }
0x3: {  	vm12 =	vcmask $0xB08;
	v0 =	vsel vm13, $0x80, v0  }
0x4: {  	vm11 =	vcmask $0xF0C;
	v0 =	vsel vm12, $0x100, v0  }
0x5: {  	vm10 =	vcmask $0x1310;
	v0 =	vsel vm11, $0x180, v0  }
0x6: {  	vm9 =	vcmask $0x1714;
	v0 =	vsel vm10, $0x200, v0  }
0x7: {  	vm8 =	vcmask $0x1B18;
	v0 =	vsel vm9, $0x280, v0  }
0x8: {  	vm7 =	vcmask $0x1F1C;
	v0 =	vsel vm8, $0x300, v0  }
0x9: {  	vm6 =	vcmask $0x2320;
	v0 =	vsel vm7, $0x380, v0  }
0xa: {  	vm5 =	vcmask $0x2724;
	v0 =	vsel vm6, $0x1, v0  }
0xb: {  	vm4 =	vcmask $0x2B28;
	v0 =	vsel vm5, $0x81, v0  }
0xc: {  	v1 =	vlaneseq.u32;
	vm3 =	vcmask $0x2F2C;
	v0 =	vsel vm4, $0x101, v0  }
0xd: {  	vm2 =	vcmask $0x3330;
	vm1 =	vcmask $0x3734;
	v0 =	vsel vm3, $0x181, v0  }
0xe: {  	vm0 =	vcmask $0x3B38;
	v7 =	vshrl.u32 v1, $0x3;
	v0 =	vsel vm2, $0x201, v0  }
0xf: {  	v2 =	vand.u32 $0x7, v1;
	v1 =	vimm.s32 $0xB81;
	v0 =	vsel vm1, $0x281, v0  }
0x10: {  	v56 =	vsel vm0, $0x301, v0;
	v0 =	vsel vm14, $0x800, v1  }
0x11: {  	v0 =	vsel vm13, $0x880, v0  }
0x12: {  	v0 =	vsel vm12, $0x900, v0  }
0x13: {  	v0 =	vsel vm11, $0x980, v0  }
0x14: {  	v1 =	vor.u32 $0x800, v7;
	v0 =	vsel vm10, $0xA00, v0  }
0x15: {  	[tilespmem:$0x1FCC0] =	vst v1;
	v1 =	vor.u32 $0x1000, v7;
	v0 =	vsel vm9, $0xA80, v0  }
0x16: {  	[tilespmem:$0x1FCD0] =	vst v1;
	v1 =	vor.u32 $0x1800, v7;
	v0 =	vsel vm8, $0xB00, v0  }
0x17: {  	[tilespmem:$0x1FCE0] =	vst v1;
	v1 =	vor.u32 $0x2000, v7;
	v0 =	vsel vm7, $0xB80, v0  }
0x18: {  	[tilespmem:$0x1FCF0] =	vst v1;
	v1 =	vor.u32 $0x2800, v7;
	v0 =	vsel vm6, $0x801, v0  }
0x19: {  	[tilespmem:$0x1FD00] =	vst v1;
	v1 =	vor.u32 $0x3000, v7;
	v0 =	vsel vm5, $0x881, v0  }
0x1a: {  	[tilespmem:$0x1FD10] =	vst v1;
	v1 =	vor.u32 $0x3800, v7;
	v0 =	vsel vm4, $0x901, v0  }
0x1b: {  	[tilespmem:$0x1FD20] =	vst v1;
	v1 =	vor.u32 $0x4000, v7;
	v0 =	vsel vm3, $0x981, v0  }
0x1c: {  	[tilespmem:$0x1FD30] =	vst v1;
	v1 =	vor.u32 $0x4800, v7;
	v0 =	vsel vm2, $0xA01, v0  }
0x1d: {  	v12 =	vimm.s32 $0x2381;
	[tilespmem:$0x1FD40] =	vst v1;
	v1 =	vor.u32 $0x5000, v7;
	v0 =	vsel vm1, $0xA81, v0  }
0x1e: {  	[tilespmem:$0x1FD50] =	vst v1;
	v1 =	vor.u32 $0x5800, v7;
	v59 =	vsel vm0, $0xB01, v0;
	v0 =	vimm.s32 $0x1381  }
0x1f: {  	v61 =	vimm.s32 $0x3B81;
	[tilespmem:$0x1FD60] =	vst v1;
	v1 =	vimm.s32 $0x1B81;
	v0 =	vsel vm14, $0x1000, v0  }
0x20: {  	v12 =	vsel vm14, $0x2000, v12;
	v1 =	vsel vm14, $0x1800, v1;
	v0 =	vsel vm13, $0x1080, v0  }
0x21: {  	v12 =	vsel vm13, $0x2080, v12;
	v1 =	vsel vm13, $0x1880, v1;
	v0 =	vsel vm12, $0x1100, v0  }
0x22: {  	v12 =	vsel vm12, $0x2100, v12;
	v1 =	vsel vm12, $0x1900, v1;
	v0 =	vsel vm11, $0x1180, v0  }
0x23: {  	v12 =	vsel vm11, $0x2180, v12;
	v1 =	vsel vm11, $0x1980, v1;
	v0 =	vsel vm10, $0x1200, v0  }
0x24: {  	v12 =	vsel vm10, $0x2200, v12;
	v1 =	vsel vm10, $0x1A00, v1;
	v0 =	vsel vm9, $0x1280, v0  }
0x25: {  	v12 =	vsel vm9, $0x2280, v12;
	v1 =	vsel vm9, $0x1A80, v1;
	v0 =	vsel vm8, $0x1300, v0  }
0x26: {  	v12 =	vsel vm8, $0x2300, v12;
	v1 =	vsel vm8, $0x1B00, v1;
	v0 =	vsel vm7, $0x1380, v0  }
0x27: {  	v12 =	vsel vm7, $0x2380, v12;
	v1 =	vsel vm7, $0x1B80, v1;
	v0 =	vsel vm6, $0x1001, v0  }
0x28: {  	v12 =	vsel vm6, $0x2001, v12;
	v1 =	vsel vm6, $0x1801, v1;
	v0 =	vsel vm5, $0x1081, v0  }
0x29: {  	v12 =	vsel vm5, $0x2081, v12;
	v1 =	vsel vm5, $0x1881, v1;
	v0 =	vsel vm4, $0x1101, v0  }
0x2a: {  	v12 =	vsel vm4, $0x2101, v12;
	v1 =	vsel vm4, $0x1901, v1;
	v0 =	vsel vm3, $0x1181, v0  }
0x2b: {  	v12 =	vsel vm3, $0x2181, v12;
	v1 =	vsel vm3, $0x1981, v1;
	v0 =	vsel vm2, $0x1201, v0  }
0x2c: {  	v12 =	vsel vm2, $0x2201, v12;
	v1 =	vsel vm2, $0x1A01, v1;
	v0 =	vsel vm1, $0x1281, v0  }
0x2d: {  	v12 =	vsel vm1, $0x2281, v12;
	v1 =	vsel vm1, $0x1A81, v1;
	v0 =	vsel vm0, $0x1301, v0  }
0x2e: {  	v57 =	vsel vm0, $0x1B01, v1;
	v1 =	vimm.s32 $0x3381;
	[tilespmem:$0x1FD70] =	vst v0;
	v0 =	vimm.s32 $0x2B81  }
0x2f: {  	v51 =	vsel vm0, $0x2301, v12;
	v1 =	vsel vm14, $0x3000, v1;
	v0 =	vsel vm14, $0x2800, v0  }
0x30: {  	v12 =	vsel vm14, $0x3800, v61;
	v1 =	vsel vm13, $0x3080, v1;
	v0 =	vsel vm13, $0x2880, v0  }
0x31: {  	v12 =	vsel vm13, $0x3880, v12;
	v1 =	vsel vm12, $0x3100, v1;
	v0 =	vsel vm12, $0x2900, v0  }
0x32: {  	v12 =	vsel vm12, $0x3900, v12;
	v1 =	vsel vm11, $0x3180, v1;
	v0 =	vsel vm11, $0x2980, v0  }
0x33: {  	v12 =	vsel vm11, $0x3980, v12;
	v1 =	vsel vm10, $0x3200, v1;
	v0 =	vsel vm10, $0x2A00, v0  }
0x34: {  	v12 =	vsel vm10, $0x3A00, v12;
	v1 =	vsel vm9, $0x3280, v1;
	v0 =	vsel vm9, $0x2A80, v0  }
0x35: {  	v12 =	vsel vm9, $0x3A80, v12;
	v1 =	vsel vm8, $0x3300, v1;
	v0 =	vsel vm8, $0x2B00, v0  }
0x36: {  	v12 =	vsel vm8, $0x3B00, v12;
	v1 =	vsel vm7, $0x3380, v1;
	v0 =	vsel vm7, $0x2B80, v0  }
0x37: {  	v12 =	vsel vm7, $0x3B80, v12;
	v1 =	vsel vm6, $0x3001, v1;
	v0 =	vsel vm6, $0x2801, v0  }
0x38: {  	v12 =	vsel vm6, $0x3801, v12;
	v1 =	vsel vm5, $0x3081, v1;
	v0 =	vsel vm5, $0x2881, v0  }
0x39: {  	v12 =	vsel vm5, $0x3881, v12;
	v1 =	vsel vm4, $0x3101, v1;
	v0 =	vsel vm4, $0x2901, v0  }
0x3a: {  	v12 =	vsel vm4, $0x3901, v12;
	v1 =	vsel vm3, $0x3181, v1;
	v0 =	vsel vm3, $0x2981, v0  }
0x3b: {  	v12 =	vsel vm3, $0x3981, v12;
	v1 =	vsel vm2, $0x3201, v1;
	v0 =	vsel vm2, $0x2A01, v0  }
0x3c: {  	v12 =	vsel vm2, $0x3A01, v12;
	v1 =	vsel vm1, $0x3281, v1;
	v0 =	vsel vm1, $0x2A81, v0  }
0x3d: {  	v12 =	vsel vm1, $0x3A81, v12;
	v49 =	vsel vm0, $0x2B01, v0;
	v0 =	vsel vm0, $0x3301, v1  }
0x3e: {  	[tilespmem:$0x1FD80] =	vst v0;
	v0 =	vsel vm0, $0x3B01, v12  }
0x3f: {  	[tilespmem:$0x1FD90] =	vst v0;
	v0 =	vimm.s32 $0x4381  }
0x40: {  	v1 =	vimm.s32 $0x4B81;
	v0 =	vsel vm14, $0x4000, v0  }
0x41: {  	v62 =	vimm.s32 $0x5381;
	v1 =	vsel vm14, $0x4800, v1;
	v0 =	vsel vm13, $0x4080, v0  }
0x42: {  	v12 =	vsel vm14, $0x5000, v62;
	v1 =	vsel vm13, $0x4880, v1;
	v0 =	vsel vm12, $0x4100, v0  }
0x43: {  	v12 =	vsel vm13, $0x5080, v12;
	v1 =	vsel vm12, $0x4900, v1;
	v0 =	vsel vm11, $0x4180, v0  }
0x44: {  	v12 =	vsel vm12, $0x5100, v12;
	v1 =	vsel vm11, $0x4980, v1;
	v0 =	vsel vm10, $0x4200, v0  }
0x45: {  	v12 =	vsel vm11, $0x5180, v12;
	v1 =	vsel vm10, $0x4A00, v1;
	v0 =	vsel vm9, $0x4280, v0  }
0x46: {  	v12 =	vsel vm10, $0x5200, v12;
	v1 =	vsel vm9, $0x4A80, v1;
	v0 =	vsel vm8, $0x4300, v0  }
0x47: {  	v12 =	vsel vm9, $0x5280, v12;
	v1 =	vsel vm8, $0x4B00, v1;
	v0 =	vsel vm7, $0x4380, v0  }
0x48: {  	v12 =	vsel vm8, $0x5300, v12;
	v1 =	vsel vm7, $0x4B80, v1;
	v0 =	vsel vm6, $0x4001, v0  }
0x49: {  	v12 =	vsel vm7, $0x5380, v12;
	v1 =	vsel vm6, $0x4801, v1;
	v0 =	vsel vm5, $0x4081, v0  }
0x4a: {  	v12 =	vsel vm6, $0x5001, v12;
	v1 =	vsel vm5, $0x4881, v1;
	v0 =	vsel vm4, $0x4101, v0  }
0x4b: {  	v12 =	vsel vm5, $0x5081, v12;
	v1 =	vsel vm4, $0x4901, v1;
	v0 =	vsel vm3, $0x4181, v0  }
0x4c: {  	v12 =	vsel vm4, $0x5101, v12;
	v1 =	vsel vm3, $0x4981, v1;
	v0 =	vsel vm2, $0x4201, v0  }
0x4d: {  	v12 =	vsel vm3, $0x5181, v12;
	v1 =	vsel vm2, $0x4A01, v1;
	v0 =	vsel vm1, $0x4281, v0  }
0x4e: {  	s5 =	rddreg [dreg:$0x0];
	v12 =	vsel vm2, $0x5201, v12;
	v1 =	vsel vm1, $0x4A81, v1;
	v0 =	vsel vm0, $0x4301, v0  }
0x4f: {  	s3 =	rddreg [dreg:$0x1];
	v12 =	vsel vm1, $0x5281, v12;
	[tilespmem:$0x1FDA0] =	vst v0;
	v0 =	vsel vm0, $0x4B01, v1  }
0x50: {  	s4 =	rddreg [dreg:$0x2];
	s2 =	simm.s32 $0x0;
	[tilespmem:$0x1FDB0] =	vst v0;
	v0 =	vsel vm0, $0x5301, v12  }
0x51: {  	[smem:$0x7FF] =	sst s2;
	v47 =	vmul.u32 $0x80, v7;
	[tilespmem:$0x1FDC0] =	vst v0  }
0x52: {  	s0 =	rddreg [dreg:$0x3];
	_ =	strace $0x80000047;
	[tilespmem:$0x1FDE0] =	vst v7  }
0x53: {  	[tilespmem:$0x1FDF0] =	vst v47  }
0x54: {  	v3 =	vor.u32 $0x8, v2;
	[tilespmem:$0x1FE00] =	vst v2  }
0x55: {  	v4 =	vor.u32 $0x10, v2;
	[tilespmem:$0x1FE10] =	vst v3  }
0x56: {  	v52 =	vor.u32 $0x18, v2;
	[tilespmem:$0x1FE20] =	vst v4  }
0x57: {  	v60 =	vor.u32 $0x20, v2;
	[tilespmem:$0x1FE30] =	vst v52  }
0x58: {  	v50 =	vor.u32 $0x28, v2;
	[tilespmem:$0x1FE40] =	vst v60  }
0x59: {  	v48 =	vor.u32 $0x30, v2;
	[tilespmem:$0x1FE50] =	vst v50  }
0x5a: {  	v40 =	vor.u32 $0x38, v2;
	[tilespmem:$0x1FE60] =	vst v48  }
0x5b: {  	v53 =	vor.u32 $0x40, v2;
	v58 =	vmul.u32 $0x80, v2;
	[tilespmem:$0x1FE70] =	vst v40  }
0x5c: {  	[tilespmem:$0x1FE80] =	vst v53  }
0x5d: {  	[tilespmem:$0x1FE90] =	vst v58  }
0x5e: {  	v63 =	vimm.s32 $0x6B81;
	v16 =	vor.u32 $0x6000, v7;
	v10 =	vor.u32 $0x6800, v7;
	[tilespmem:$0x1FEA0] =	vst v56  }
0x5f: {  	v18 =	vor.u32 $0x800, v58;
	v19 =	vor.u32 $0x1000, v58;
	v26 =	vor.u32 $0x1800, v58;
	[tilespmem:$0x1FEB0] =	vst v16  }
0x60: {  	v20 =	vor.u32 $0x2000, v58;
	v24 =	vor.u32 $0x2800, v58;
	v23 =	vor.u32 $0x3000, v58;
	[tilespmem:$0x1FEC0] =	vst v10  }
0x61: {  	v25 =	vor.u32 $0x3800, v58;
	v27 =	vor.u32 $0x4000, v58;
	v28 =	vor.u32 $0x4800, v58;
	[tilespmem:$0x1FED0] =	vst v18  }
0x62: {  	v29 =	vor.u32 $0x5000, v58;
	v21 =	vor.u32 $0x5800, v58;
	v1 =	vimm.s32 $0x6381;
	[tilespmem:$0x1FEE0] =	vst v19  }
0x63: {  	v13 =	vor.u32 $0x6000, v58;
	v15 =	vor.u32 $0x6800, v58;
	v1 =	vsel vm14, $0x6000, v1;
	[tilespmem:$0x1FEF0] =	vst v26  }
0x64: {  	v12 =	vsel vm14, $0x6800, v63;
	v0 =	vimm.s32 $0x5B81;
	v1 =	vsel vm13, $0x6080, v1;
	[tilespmem:$0x1FF00] =	vst v20  }
0x65: {  	v12 =	vsel vm13, $0x6880, v12;
	v0 =	vsel vm14, $0x5800, v0;
	v1 =	vsel vm12, $0x6100, v1;
	[tilespmem:$0x1FF10] =	vst v24  }
0x66: {  	v12 =	vsel vm12, $0x6900, v12;
	[tilespmem:$0x1FF20] =	vst v23;
	v0 =	vsel vm13, $0x5880, v0;
	v1 =	vsel vm11, $0x6180, v1  }
0x67: {  	[tilespmem:$0x1FF30] =	vst v25;
	v12 =	vsel vm11, $0x6980, v12;
	v0 =	vsel vm12, $0x5900, v0;
	v1 =	vsel vm10, $0x6200, v1  }
0x68: {  	[tilespmem:$0x1FF40] =	vst v27;
	v12 =	vsel vm10, $0x6A00, v12;
	v0 =	vsel vm11, $0x5980, v0;
	v1 =	vsel vm9, $0x6280, v1  }
0x69: {  	[tilespmem:$0x1FF50] =	vst v28;
	v12 =	vsel vm9, $0x6A80, v12;
	v0 =	vsel vm10, $0x5A00, v0;
	v1 =	vsel vm8, $0x6300, v1  }
0x6a: {  	[tilespmem:$0x1FF60] =	vst v29;
	v12 =	vsel vm8, $0x6B00, v12;
	v0 =	vsel vm9, $0x5A80, v0;
	v1 =	vsel vm7, $0x6380, v1  }
0x6b: {  	[tilespmem:$0x1FF70] =	vst v21;
	v12 =	vsel vm7, $0x6B80, v12;
	v0 =	vsel vm8, $0x5B00, v0;
	v1 =	vsel vm6, $0x6001, v1  }
0x6c: {  	s6 =	srdreg.scid;
	s1 =	stileid.u32;
	s10 =	simm.s32 $0x200;
	[tilespmem:$0x1FF80] =	vst v13;
	v12 =	vsel vm6, $0x6801, v12;
	v0 =	vsel vm7, $0x5B80, v0;
	v1 =	vsel vm5, $0x6081, v1  }
0x6d: {  	s11 =	simm.s32 $0x8200;
	s12 =	simm.s32 $0x1;
	s13 =	simm.s32 $0x10200;
	[tilespmem:$0x1FF90] =	vst v15;
	v12 =	vsel vm5, $0x6881, v12;
	v0 =	vsel vm6, $0x5801, v0;
	v1 =	vsel vm4, $0x6101, v1  }
0x6e: {  	s14 =	simm.s32 $0x800;
	s15 =	simm.s32 $0x20000;
	s16 =	simm.s32 $0x2;
	[tilespmem:$0x1FFA0] =	vst v59;
	v12 =	vsel vm4, $0x6901, v12;
	v0 =	vsel vm5, $0x5881, v0;
	v1 =	vsel vm3, $0x6181, v1  }
0x6f: {  	s17 =	simm.s32 $0x17200;
	s18 =	simm.s32 $0x3;
	s6 =	sand.u32 $0x1, s6;
	[tilespmem:$0x1FFB0] =	vst v57;
	v12 =	vsel vm3, $0x6981, v12;
	v0 =	vsel vm4, $0x5901, v0;
	v1 =	vsel vm2, $0x6201, v1  }
0x70: {  	s19 =	simm.s32 $0x0;
	s7 =	sshll.u32 s1, $0x1;
	s8 =	ssub.s32 $0x2, s6;
	[tilespmem:$0x1FFC0] =	vst v51;
	v12 =	vsel vm2, $0x6A01, v12;
	v0 =	vsel vm3, $0x5981, v0;
	v1 =	vsel vm1, $0x6281, v1  }
0x71: {  	s3 =	sadd.s32 $0x600, s3;
	s6 =	sor.u32 s6, s7;
	s31 =	sshrl.u32 s8, $0x1;
	[tilespmem:$0x1FFD0] =	vst v49;
	v12 =	vsel vm1, $0x6A81, v12;
	v0 =	vsel vm2, $0x5A01, v0;
	v17 =	vsel vm0, $0x6301, v1  }
0x72: {  	s9 =	sshll.u32 s6, $0x9;
	s6 =	sshll.u32 s6, $0x6;
	s7 =	ssub.s32 s8, s31;
	v12 =	vsel vm0, $0x6B01, v12;
	v0 =	vsel vm1, $0x5A81, v0;
	[tilespmem:$0x1FFE0] =	vst v17  }
0x73: {  	s4 =	sadd.s32 s4, s9;
	s5 =	sadd.s32 s5, s6;
	s8 =	simm.s32 $0x4;
	[tilespmem:$0x1FFF0] =	vst v12;
	v0 =	vsel vm0, $0x5B01, v0  }
0x74: {  	s9 =	simm.s32 $0x100;
	s6 =	sadd.s32 $0x100, s4;
	s7 =	smax.u32 s7, $0x1;
	[tilespmem:$0x1FDD0] =	vst v0  }
.LBB2_1:
0x75: {  	[tilespmem:s2], [sflag:$0x4] =	stream.linear.gather [hbm4b:s5+s2], $0x200, $0x38;
	[tilespmem:$0x1E200] =	vst v63  }
0x76: {  	_ =	swait.ge [sflag:s8], $0x200  }
0x77: {  	[sflag:s8] =	ssyncset.done $0x0  }
0x78: {  	[sflag:s8] =	ssyncadd.s32 $0xFFFFFE00  }
0x79: {  	[tilespmem:s10], [sflag:$0x1] =	stream.indirect.gather [hbm4b:s3+s9], $0x80, s2, s9, $0xb8;
	[tilespmem:$0x1E200] =	vst v63  }
0x7a: {  	_ = 	snop  }
0x7b: {  	[tilespmem:s11], [sflag:$0x2] =	stream.indirect.gather [hbm4b:s3+s9], $0x80, s9, s9, $0xb8;
	[tilespmem:$0x1E200] =	vst v63  }
0x7c: {  	_ =	swait.ge [sflag:s12], $0x8000  }
0x7d: {  	[sflag:s12] =	ssyncset.done $0x0  }
0x7e: {  	s20 =	simm.s32 $0xFFFFFFF8;
	s21 =	simm.s32 $0xE;
	[sflag:s12] =	ssyncadd.s32 $0xFFFF8000  }
.LBB2_2:
0x7f: {  	s22 =	sadd.s32 $0xFFFFFFF2, s21  }
0x80: {  	v22 =	vmov s22  }
0x81: {  	v0 =	vshll.u32 v22, $0x7  }
0x82: {  	v14 =	vor.u32 v47, v0  }
0x83: {  	v0 =	vor.u32 v2, v14  }
0x84: {  	v1 =	vor.u32 v3, v14;
	_ =	sdelay $0x1  }
0x85: {  	v12 =	vor.u32 v4, v14;
	_ =	sdelay $0x1  }
0x86: {  	v0 =	vld.idx.msk [tilespmem:v0+s10+$0x0], $0xffff  }
0x87: {  	v1 =	vld.idx.msk [tilespmem:v1+s10+$0x0], $0xffff;
	_ =	sdelay $0x1  }
0x88: {  	v12 =	vld.idx.msk [tilespmem:v12+s10+$0x0], $0xffff;
	_ =	sdelay $0x2  }
0x89: {  	v13 =	vmul.f32 v0, v0;
	v15 =	vmul.f32 v1, v1;
	_ =	sdelay $0x1  }
0x8a: {  	v51 =	vmul.f32 v12, v12;
	v13 =	vadd.f32 v15, v13;
	_ =	sdelay $0x1  }
0x8b: {  	v13 =	vadd.f32 v51, v13;
	_ =	sdelay $0x1  }
0x8c: {  	v15 =	vshra.s32 v13, $0x1;
	v16 =	vmul.f32 $5.000000000e-01, v13  }
0x8d: {  	v15 =	vsub.s32 $0x5F3759DF, v15  }
0x8e: {  	v17 =	vmul.f32 v15, v16;
	_ =	sdelay $0x1  }
0x8f: {  	v17 =	vmul.f32 v15, v17;
	_ =	sdelay $0x1  }
0x90: {  	v17 =	vsub.f32 $1.500000000e+00, v17;
	_ =	sdelay $0x1  }
0x91: {  	v15 =	vmul.f32 v15, v17;
	_ =	sdelay $0x1  }
0x92: {  	v16 =	vmul.f32 v15, v16;
	_ =	sdelay $0x1  }
0x93: {  	v16 =	vmul.f32 v16, v15;
	_ =	sdelay $0x1  }
0x94: {  	s29 =	sadd.s32 $0xFFFFFFF4, s21;
	v53 =	vsub.f32 $1.500000000e+00, v16  }
0x95: {  	v56 =	vor.u32 s29, v7  }
0x96: {  	v63 =	vshll.u32 v56, $0x7;
	v15 =	vmul.f32 v53, v15  }
0x97: {  	v59 =	vor.u32 v3, v63  }
0x98: {  	v58 =	vor.u32 v2, v63;
	v13 =	vmul.f32 v15, v13;
	_ =	sdelay $0x1  }
0x99: {  	v18 =	vor.u32 v4, v63;
	v13 =	vadd.f32 $9.999999930e-09, v13;
	_ =	sdelay $0x1  }
0x9a: {  	v21 =	vld.idx.msk [tilespmem:v59+s10+$0x0], $0xffff;
	v19 =	vsub.s32 $0x7EF311C3, v13  }
0x9b: {  	v17 =	vld.idx.msk [tilespmem:v58+s10+$0x0], $0xffff;
	v20 =	vmul.f32 v19, v13;
	_ =	sdelay $0x1  }
0x9c: {  	v18 =	vld.idx.msk [tilespmem:v18+s10+$0x0], $0xffff;
	v61 =	vsub.f32 $2.000000000e+00, v20;
	_ =	sdelay $0x1  }
0x9d: {  	v15 =	vmul.f32 v19, v61  }
0x9e: {  	v9 =	vmul.f32 v21, v21;
	v62 =	vmul.f32 v17, v17  }
0x9f: {  	v23 =	vmul.f32 v15, v13  }
0xa0: {  	v10 =	vmul.f32 v18, v18;
	v19 =	vadd.f32 v9, v62  }
0xa1: {  	v23 =	vsub.f32 $2.000000000e+00, v23  }
0xa2: {  	v24 =	vor.u32 v52, v14;
	v19 =	vadd.f32 v10, v19  }
0xa3: {  	v11 =	vor.u32 v60, v14;
	v15 =	vmul.f32 v23, v15  }
0xa4: {  	v29 =	vshra.s32 v19, $0x1;
	v25 =	vmul.f32 $5.000000000e-01, v19  }
0xa5: {  	v26 =	vor.u32 v50, v14;
	v23 =	vsub.s32 $0x5F3759DF, v29;
	v13 =	vmul.f32 v15, v13  }
0xa6: {  	v27 =	vmul.f32 v23, v25  }
0xa7: {  	v24 =	vld.idx.msk [tilespmem:v24+s10+$0x0], $0xffff;
	v13 =	vsub.f32 $2.000000000e+00, v13  }
0xa8: {  	v28 =	vld.idx.msk [tilespmem:v11+s10+$0x0], $0xffff;
	v30 =	vmul.f32 v23, v27  }
0xa9: {  	v13 =	vmul.f32 v13, v15  }
0xaa: {  	v26 =	vld.idx.msk [tilespmem:v26+s10+$0x0], $0xffff;
	v31 =	vsub.f32 $1.500000000e+00, v30  }
0xab: {  	v43 =	vmul.f32 v13, v0;
	v55 =	vmul.f32 v13, v1  }
0xac: {  	v20 =	vmul.f32 v13, v12;
	v0 =	vmul.f32 v23, v31  }
0xad: {  	s23 =	sadd.s32 $0xFFFFFFF6, s21;
	v1 =	vmul.f32 v43, v24;
	v32 =	vmul.f32 v55, v28  }
0xae: {  	v5 =	vor.u32 s23, v7;
	v33 =	vmul.f32 v0, v25  }
0xaf: {  	v13 =	vshll.u32 v5, $0x7;
	v34 =	vmul.f32 v20, v26;
	v1 =	vadd.f32 v32, v1  }
0xb0: {  	v36 =	vor.u32 v3, v13;
	v15 =	vmul.f32 v33, v0  }
0xb1: {  	v35 =	vor.u32 v2, v13;
	v12 =	vadd.f32 v1, v34  }
0xb2: {  	v1 =	vsub.f32 $1.500000000e+00, v15  }
0xb3: {  	v29 =	vor.u32 v4, v13;
	v37 =	vmul.f32 v12, v43  }
0xb4: {  	v38 =	vmul.f32 v12, v55;
	v0 =	vmul.f32 v1, v0  }
0xb5: {  	v30 =	vld.idx.msk [tilespmem:v36+s10+$0x0], $0xffff;
	v12 =	vmul.f32 v12, v20  }
0xb6: {  	v15 =	vsub.f32 v24, v37;
	v1 =	vsub.f32 v28, v38;
	v39 =	vmul.f32 v0, v19;
	v0 =	vld.idx.msk [tilespmem:v35+s10+$0x0], $0xffff;
	_ =	sdelay $0x1  }
0xb7: {  	v31 =	vld.idx.msk [tilespmem:v29+s10+$0x0], $0xffff;
	v19 =	vsub.f32 v26, v12;
	v40 =	vmul.f32 v15, v15;
	v41 =	vmul.f32 v1, v1  }
0xb8: {  	v24 =	vadd.f32 $9.999999930e-09, v39  }
0xb9: {  	v42 =	vmul.f32 v19, v19;
	v12 =	vadd.f32 v41, v40  }
0xba: {  	v49 =	vmul.f32 v30, v30;
	v44 =	vsub.s32 $0x7EF311C3, v24;
	v46 =	vmul.f32 v0, v0  }
0xbb: {  	v45 =	vmul.f32 v44, v24;
	v12 =	vadd.f32 v12, v42  }
0xbc: {  	v54 =	vmul.f32 v31, v31;
	v26 =	vadd.f32 v49, v46  }
0xbd: {  	v23 =	vsub.f32 $2.000000000e+00, v45;
	v51 =	vshra.s32 v12, $0x1;
	v53 =	vmul.f32 $5.000000000e-01, v12  }
0xbe: {  	v28 =	vsub.s32 $0x5F3759DF, v51;
	v27 =	vadd.f32 v54, v26  }
0xbf: {  	v23 =	vmul.f32 v44, v23;
	v32 =	vmul.f32 v28, v53  }
0xc0: {  	v59 =	vshra.s32 v27, $0x1;
	v33 =	vmul.f32 $5.000000000e-01, v27  }
0xc1: {  	v58 =	vmul.f32 v23, v24;
	v57 =	vmul.f32 v28, v32;
	v32 =	vsub.s32 $0x5F3759DF, v59  }
0xc2: {  	v34 =	vmul.f32 v32, v33  }
0xc3: {  	v26 =	vsub.f32 $2.000000000e+00, v58  }
0xc4: {  	v61 =	vor.u32 v52, v63;
	v25 =	vsub.f32 $1.500000000e+00, v57;
	v34 =	vmul.f32 v32, v34  }
0xc5: {  	v62 =	vor.u32 v60, v63;
	v23 =	vmul.f32 v26, v23  }
0xc6: {  	s24 =	sadd.s32 $0xFFFFFFF8, s21;
	v25 =	vmul.f32 v28, v25;
	v34 =	vsub.f32 $1.500000000e+00, v34  }
0xc7: {  	[tilespmem:$0x1FC80] =	vst v5;
	v5 =	vor.u32 s24, v7;
	v35 =	vor.u32 v50, v63;
	v24 =	vmul.f32 v23, v24  }
0xc8: {  	v59 =	vshll.u32 v5, $0x7;
	v29 =	vmul.f32 v25, v53;
	v9 =	vmul.f32 v32, v34  }
0xc9: {  	v36 =	vld.idx.msk [tilespmem:v61+s10+$0x0], $0xffff;
	v44 =	vor.u32 v3, v59;
	v24 =	vsub.f32 $2.000000000e+00, v24  }
0xca: {  	v49 =	vor.u32 v4, v59;
	v32 =	vld.idx.msk [tilespmem:v62+s10+$0x0], $0xffff;
	v29 =	vmul.f32 v29, v25;
	v10 =	vmul.f32 v9, v33  }
0xcb: {  	v23 =	vmul.f32 v24, v23  }
0xcc: {  	v11 =	vld.idx.msk [tilespmem:v35+s10+$0x0], $0xffff;
	v38 =	vor.u32 v2, v59;
	v29 =	vsub.f32 $1.500000000e+00, v29;
	v40 =	vmul.f32 v10, v9  }
0xcd: {  	v42 =	vmul.f32 v23, v17;
	v41 =	vmul.f32 v23, v21  }
0xce: {  	v28 =	vld.idx.msk [tilespmem:v44+s10+$0x0], $0xffff;
	v26 =	vmul.f32 v23, v18;
	v25 =	vmul.f32 v29, v25;
	v21 =	vsub.f32 $1.500000000e+00, v40  }
0xcf: {  	v29 =	vld.idx.msk [tilespmem:v49+s10+$0x0], $0xffff;
	v45 =	vmul.f32 v42, v36;
	v46 =	vmul.f32 v41, v32  }
0xd0: {  	v21 =	vmul.f32 v21, v9  }
0xd1: {  	v51 =	vmul.f32 v26, v11;
	v12 =	vmul.f32 v25, v12;
	v25 =	vld.idx.msk [tilespmem:v38+s10+$0x0], $0xffff;
	v18 =	vadd.f32 v46, v45  }
0xd2: {  	v54 =	vmul.f32 v21, v27  }
0xd3: {  	v53 =	vadd.f32 v18, v51  }
0xd4: {  	v38 =	vmul.f32 v28, v28;
	v16 =	vmul.f32 v29, v29;
	v18 =	vadd.f32 $9.999999930e-09, v54  }
0xd5: {  	v17 =	vadd.f32 $9.999999930e-09, v12;
	v23 =	vmul.f32 v53, v42;
	v61 =	vmul.f32 v53, v41  }
0xd6: {  	v62 =	vmul.f32 v53, v26;
	v37 =	vmul.f32 v25, v25;
	v9 =	vsub.s32 $0x7EF311C3, v18  }
0xd7: {  	v12 =	vsub.f32 v36, v23;
	v23 =	vsub.f32 v32, v61;
	v10 =	vmul.f32 v9, v18  }
0xd8: {  	v57 =	vsub.s32 $0x7EF311C3, v17;
	v27 =	vsub.f32 v11, v62;
	v11 =	vadd.f32 v38, v37  }
0xd9: {  	v58 =	vmul.f32 v57, v17;
	v32 =	vsub.f32 $2.000000000e+00, v10  }
0xda: {  	v36 =	vmul.f32 v12, v12;
	v40 =	vmul.f32 v23, v23;
	v33 =	vadd.f32 v16, v11  }
0xdb: {  	v24 =	vsub.f32 $2.000000000e+00, v58;
	v45 =	vmul.f32 v27, v27;
	v32 =	vmul.f32 v9, v32  }
0xdc: {  	v44 =	vadd.f32 v40, v36;
	v46 =	vshra.s32 v33, $0x1;
	v49 =	vmul.f32 $5.000000000e-01, v33  }
0xdd: {  	v21 =	vmul.f32 v57, v24;
	v24 =	vsub.s32 $0x5F3759DF, v46;
	v51 =	vmul.f32 v32, v18  }
0xde: {  	v36 =	vadd.f32 v44, v45;
	v53 =	vmul.f32 v24, v49  }
0xdf: {  	v54 =	vmul.f32 v21, v17;
	v44 =	vor.u32 v52, v13;
	v34 =	vsub.f32 $2.000000000e+00, v51  }
0xe0: {  	v39 =	vshra.s32 v36, $0x1;
	v40 =	vmul.f32 $5.000000000e-01, v36;
	v37 =	vmul.f32 v24, v53  }
0xe1: {  	v45 =	vor.u32 v60, v13;
	v39 =	vsub.s32 $0x5F3759DF, v39;
	v32 =	vmul.f32 v34, v32  }
0xe2: {  	v57 =	vmul.f32 v39, v40;
	v37 =	vsub.f32 $1.500000000e+00, v37  }
0xe3: {  	v46 =	vor.u32 v50, v13;
	v38 =	vsub.f32 $2.000000000e+00, v54;
	v18 =	vmul.f32 v32, v18  }
0xe4: {  	v34 =	vmul.f32 v39, v57;
	v24 =	vmul.f32 v24, v37  }
0xe5: {  	v58 =	vmul.f32 v38, v21;
	v38 =	vld.idx.msk [tilespmem:v44+s10+$0x0], $0xffff;
	v18 =	vsub.f32 $2.000000000e+00, v18  }
0xe6: {  	v44 =	vld.idx.msk [tilespmem:v45+s10+$0x0], $0xffff;
	v62 =	vsub.f32 $1.500000000e+00, v34;
	v9 =	vmul.f32 v24, v49  }
0xe7: {  	v10 =	vmul.f32 v58, v17;
	v11 =	vmul.f32 v18, v32  }
0xe8: {  	v49 =	vld.idx.msk [tilespmem:v46+s10+$0x0], $0xffff;
	v45 =	vmul.f32 v39, v62;
	v34 =	vmul.f32 v9, v24  }
0xe9: {  	v21 =	vmul.f32 v11, v0;
	v18 =	vmul.f32 v11, v30  }
0xea: {  	v50 =	vsub.f32 $1.500000000e+00, v34;
	v0 =	vmul.f32 v45, v40;
	v61 =	vmul.f32 v11, v31  }
0xeb: {  	v51 =	vmul.f32 v21, v38;
	v53 =	vmul.f32 v18, v44  }
0xec: {  	v24 =	vmul.f32 v50, v24;
	v0 =	vmul.f32 v0, v45  }
0xed: {  	v54 =	vsub.f32 $2.000000000e+00, v10;
	v57 =	vmul.f32 v61, v49;
	v31 =	vadd.f32 v53, v51  }
0xee: {  	s25 =	sadd.s32 $0xFFFFFFFA, s21;
	v24 =	vmul.f32 v24, v33;
	v0 =	vsub.f32 $1.500000000e+00, v0  }
0xef: {  	[tilespmem:$0x1FC90] =	vst v5;
	v5 =	vmov s25;
	v30 =	vmul.f32 v54, v58;
	v31 =	vadd.f32 v31, v57  }
0xf0: {  	v58 =	vshll.u32 v5, $0x7;
	v32 =	vadd.f32 $9.999999930e-09, v24;
	v0 =	vmul.f32 v0, v45  }
0xf1: {  	v57 =	vor.u32 v47, v58;
	v62 =	vmul.f32 v31, v21;
	v9 =	vmul.f32 v31, v18  }
0xf2: {  	v10 =	vor.u32 v2, v57;
	v11 =	vsub.s32 $0x7EF311C3, v32;
	v31 =	vmul.f32 v31, v61  }
0xf3: {  	v54 =	vmul.f32 v11, v32;
	v34 =	vsub.f32 v38, v62;
	v24 =	vsub.f32 v44, v9  }
0xf4: {  	v53 =	vor.u32 v3, v57;
	v0 =	vmul.f32 v0, v36;
	v44 =	vsub.f32 v49, v31  }
0xf5: {  	v33 =	vsub.f32 $2.000000000e+00, v54;
	v62 =	vmul.f32 v34, v34;
	v9 =	vmul.f32 v24, v24  }
0xf6: {  	v58 =	vor.u32 v4, v57;
	v39 =	vadd.f32 $9.999999930e-09, v0  }
0xf7: {  	v49 =	vld.idx.msk [tilespmem:v10+s10+$0x0], $0xffff;
	v10 =	vmul.f32 v44, v44;
	v11 =	vmul.f32 v11, v33;
	v0 =	vadd.f32 v9, v62;
	_ =	sdelay $0x1  }
0xf8: {  	v38 =	vld.idx.msk [tilespmem:v53+s10+$0x0], $0xffff;
	v35 =	vadd.f32 v0, v10;
	v0 =	vmul.f32 v11, v32;
	_ =	sdelay $0x1  }
0xf9: {  	v51 =	vld.idx.msk [tilespmem:v58+s10+$0x0], $0xffff;
	v0 =	vsub.f32 $2.000000000e+00, v0  }
0xfa: {  	v50 =	vmul.f32 v30, v15;
	v17 =	vmul.f32 v30, v1  }
0xfb: {  	v45 =	vmul.f32 v30, v19;
	v0 =	vmul.f32 v0, v11  }
0xfc: {  	v40 =	vor.u32 v52, v59;
	v58 =	vmul.f32 v49, v49;
	v62 =	vmul.f32 v38, v38  }
0xfd: {  	v1 =	vld [tilespmem:$0x1FE50];
	v54 =	vshra.s32 v35, $0x1;
	v46 =	vmul.f32 $5.000000000e-01, v35;
	v32 =	vmul.f32 v0, v32  }
0xfe: {  	v36 =	vsub.s32 $0x5F3759DF, v54;
	v47 =	vadd.f32 v62, v58;
	v11 =	vmul.f32 v51, v51  }
0xff: {  	v33 =	vsub.s32 $0x7EF311C3, v39;
	v10 =	vmul.f32 v36, v46;
	v58 =	vsub.f32 $2.000000000e+00, v32  }
0x100: {  	v15 =	vmul.f32 v33, v39;
	v9 =	vor.u32 v60, v59;
	v47 =	vadd.f32 v11, v47  }
0x101: {  	v19 =	vmul.f32 v36, v10;
	v58 =	vmul.f32 v58, v0;
	v0 =	vld [tilespmem:$0x1FE70]  }
0x102: {  	v53 =	vor.u32 v1, v59;
	v60 =	vld.idx.msk [tilespmem:v40+s10+$0x0], $0xffff;
	v40 =	vshra.s32 v47, $0x1;
	v62 =	vmul.f32 $5.000000000e-01, v47  }
0x103: {  	v15 =	vsub.f32 $2.000000000e+00, v15;
	v19 =	vsub.f32 $1.500000000e+00, v19;
	v2 =	vsub.s32 $0x5F3759DF, v40  }
0x104: {  	v30 =	vmul.f32 v45, v55;
	v32 =	vmul.f32 v2, v62  }
0x105: {  	v33 =	vmul.f32 v33, v15;
	v52 =	vld.idx.msk [tilespmem:v9+s10+$0x0], $0xffff;
	v36 =	vmul.f32 v36, v19  }
0x106: {  	v19 =	vmul.f32 v58, v25;
	v25 =	vmul.f32 v2, v32;
	v40 =	vor.u32 v0, v14;
	v0 =	vld [tilespmem:$0x1FE80]  }
0x107: {  	v37 =	vor.u32 v48, v14;
	v48 =	vmul.f32 v45, v43;
	v31 =	vmul.f32 v17, v20  }
0x108: {  	v53 =	vld.idx.msk [tilespmem:v53+s10+$0x0], $0xffff;
	v54 =	vmul.f32 v50, v20;
	v11 =	vmul.f32 v33, v39;
	v25 =	vsub.f32 $1.500000000e+00, v25  }
0x109: {  	v15 =	vmul.f32 v58, v28;
	v46 =	vmul.f32 v36, v46  }
0x10a: {  	v11 =	vsub.f32 $2.000000000e+00, v11;
	v28 =	vmul.f32 v19, v60;
	v2 =	vmul.f32 v2, v25  }
0x10b: {  	v16 =	vor.u32 v0, v14;
	v14 =	vmul.f32 v58, v29;
	v58 =	vmul.f32 v15, v52  }
0x10c: {  	v32 =	vsub.f32 v54, v48;
	v54 =	vmul.f32 v46, v36;
	v62 =	vmul.f32 v2, v62  }
0x10d: {  	v30 =	vsub.f32 v30, v31;
	v28 =	vadd.f32 v58, v28;
	v10 =	vmul.f32 v14, v53  }
0x10e: {  	v11 =	vmul.f32 v11, v33;
	v33 =	vsub.f32 $1.500000000e+00, v54;
	v62 =	vmul.f32 v62, v2  }
0x10f: {  	v31 =	vmul.f32 v17, v43;
	v0 =	vld [tilespmem:$0x1FE90];
	v58 =	vshll.u32 v22, $0x3;
	v28 =	vadd.f32 v28, v10  }
0x110: {  	v33 =	vmul.f32 v33, v36;
	v54 =	vand.u32 $0x400, v58;
	v58 =	vsub.f32 $1.500000000e+00, v62  }
0x111: {  	v22 =	vand.u32 $0x70, v22;
	v9 =	vmul.f32 v28, v19;
	v10 =	vmul.f32 v28, v15  }
0x112: {  	v29 =	vmul.f32 v11, v39;
	v22 =	vor.u32 v54, v22;
	v2 =	vmul.f32 v58, v2  }
0x113: {  	v48 =	vsub.f32 v60, v9;
	v52 =	vsub.f32 v52, v10;
	v9 =	vmul.f32 v28, v14  }
0x114: {  	v54 =	vor.u32 v0, v22;
	v10 =	vsub.f32 $2.000000000e+00, v29;
	v29 =	vmul.f32 v33, v35  }
0x115: {  	v0 =	vld [tilespmem:$0x1FEA0];
	v25 =	vsub.f32 v53, v9;
	v60 =	vmul.f32 v48, v48;
	v62 =	vmul.f32 v52, v52  }
0x116: {  	v2 =	vmul.f32 v2, v47;
	v11 =	vmul.f32 v10, v11;
	v53 =	vadd.f32 $9.999999930e-09, v29  }
0x117: {  	v46 =	vmul.f32 v50, v55;
	v58 =	vadd.f32 v62, v60;
	v60 =	vmul.f32 v25, v25  }
0x118: {  	v2 =	vadd.f32 $9.999999930e-09, v2;
	v29 =	vmul.f32 v11, v27;
	v27 =	vsub.s32 $0x7EF311C3, v53  }
0x119: {  	v39 =	vsub.f32 v31, v46;
	v62 =	vmul.f32 v27, v53;
	v58 =	vadd.f32 v58, v60  }
0x11a: {  	v46 =	vsub.s32 $0x7EF311C3, v2;
	v33 =	vmul.f32 v11, v23;
	v60 =	vor.u32 v0, v22  }
0x11b: {  	v0 =	vld [tilespmem:$0x1FCC0];
	v23 =	vsub.f32 $2.000000000e+00, v62;
	v9 =	vshra.s32 v58, $0x1;
	v35 =	vmul.f32 $5.000000000e-01, v58  }
0x11c: {  	v62 =	vmul.f32 v46, v2;
	v31 =	vsub.s32 $0x5F3759DF, v9  }
0x11d: {  	v23 =	vmul.f32 v27, v23;
	v10 =	vmul.f32 v31, v35;
	_ =	sdelay $0x1  }
0x11e: {  	s30 =	sadd.s32 $0xFFFFFFFC, s21;
	v22 =	vmul.f32 v31, v10;
	v10 =	vsub.f32 $2.000000000e+00, v62;
	v62 =	vmul.f32 v23, v53  }
0x11f: {  	v3 =	vor.u32 v0, v54;
	v0 =	vor.u32 s30, v7  }
0x120: {  	v36 =	vmul.f32 v11, v12;
	[tilespmem:$0x1FCB0] =	vst v0;
	v12 =	vsub.f32 $2.000000000e+00, v62;
	v62 =	vshll.u32 v0, $0x7;
	v0 =	vld [tilespmem:$0x1FE00];
	_ =	sdelay $0x4  }
0x121: {  	v47 =	vor.u32 v0, v62;
	v0 =	vld [tilespmem:$0x1FE10];
	_ =	sdelay $0x4  }
0x122: {  	v23 =	vmul.f32 v12, v23;
	v12 =	vor.u32 v0, v62;
	v0 =	vld [tilespmem:$0x1FE30];
	_ =	sdelay $0x4  }
0x123: {  	v6 =	vor.u32 v0, v57;
	v0 =	vld [tilespmem:$0x1FE20];
	_ =	sdelay $0x4  }
0x124: {  	v27 =	vmul.f32 v46, v10;
	v46 =	vor.u32 v0, v62;
	v0 =	vld [tilespmem:$0x1FE40];
	_ =	sdelay $0x2  }
0x125: {  	v28 =	vmul.f32 v29, v41  }
0x126: {  	v9 =	vmul.f32 v33, v26;
	v10 =	vmul.f32 v27, v2  }
0x127: {  	[tilespmem:$0x1FCA0] =	vst v5;
	v5 =	vmul.f32 v29, v42;
	v22 =	vsub.f32 $1.500000000e+00, v22;
	v8 =	vor.u32 v0, v57;
	v0 =	vld [tilespmem:$0x1FCD0]  }
0x128: {  	v28 =	vsub.f32 v28, v9;
	v9 =	vmul.f32 v36, v26;
	v7 =	vsub.f32 $2.000000000e+00, v10  }
0x129: {  	v22 =	vmul.f32 v31, v22  }
0x12a: {  	v31 =	vsub.f32 v9, v5;
	v5 =	vmul.f32 v23, v53;
	v7 =	vmul.f32 v7, v27  }
0x12b: {  	v9 =	vmul.f32 v36, v41;
	v35 =	vmul.f32 v22, v35;
	v12 =	vld.idx.msk [tilespmem:v12+s10+$0x0], $0xffff  }
0x12c: {  	v5 =	vsub.f32 $2.000000000e+00, v5;
	v2 =	vmul.f32 v7, v2;
	v10 =	vor.u32 v0, v54;
	v0 =	vld [tilespmem:$0x1FE50]  }
0x12d: {  	v35 =	vmul.f32 v35, v22;
	v27 =	vmul.f32 v33, v42;
	v53 =	vld.idx.msk [tilespmem:v47+s10+$0x0], $0xffff  }
0x12e: {  	v4 =	vmov s29;
	v5 =	vmul.f32 v5, v23;
	v2 =	vsub.f32 $2.000000000e+00, v2  }
0x12f: {  	v11 =	vshll.u32 v4, $0x3;
	v47 =	vsub.f32 $1.500000000e+00, v35;
	v35 =	vsub.f32 v27, v9;
	v27 =	vld.idx.msk [tilespmem:v46+s10+$0x0], $0xffff  }
0x130: {  	v4 =	vand.u32 $0x70, v4;
	v7 =	vmul.f32 v2, v7;
	v46 =	vmul.f32 v5, v44  }
0x131: {  	v1 =	vld [tilespmem:$0x1FCE0];
	v44 =	vmul.f32 v12, v12;
	v9 =	vor.u32 v0, v57;
	v0 =	vmul.f32 v47, v22  }
0x132: {  	v23 =	vand.u32 $0x400, v11;
	v8 =	vld.idx.msk [tilespmem:v8+s10+$0x0], $0xffff;
	v47 =	vmul.f32 v5, v34;
	v34 =	vmul.f32 v53, v53  }
0x133: {  	v56 =	vand.u32 $0x3, v56;
	v4 =	vor.u32 v23, v4;
	v6 =	vld.idx.msk [tilespmem:v6+s10+$0x0], $0xffff  }
0x134: {  	v2 =	vmul.f32 v7, v38;
	v38 =	vmul.f32 v27, v27;
	v34 =	vadd.f32 v44, v34  }
0x135: {  	v37 =	vld.idx.msk [tilespmem:v37+s10+$0x0], $0xffff;
	v4 =	vor.u32 v56, v4;
	v23 =	vmul.f32 v7, v49  }
0x136: {  	v49 =	vmul.f32 v5, v24;
	v24 =	vmul.f32 v7, v51;
	v5 =	vadd.f32 v38, v34;
	v9 =	vld.idx.msk [tilespmem:v9+s10+$0x0], $0xffff  }
0x137: {  	v16 =	vld.idx.msk [tilespmem:v16+s10+$0x0], $0xffff;
	v22 =	vor.u32 v1, v54;
	v11 =	vmul.f32 v2, v8;
	v0 =	vmul.f32 v0, v58  }
0x138: {  	v7 =	vld.idx.msk [tilespmem:v40+s10+$0x0], $0xffff;
	[tilespmem:v60+s13+$0x0] =	vst.idx.msk $0xffff, v43;
	v44 =	vmul.f32 v23, v6;
	v51 =	vshra.s32 v5, $0x1;
	v56 =	vmul.f32 $5.000000000e-01, v5  }
0x139: {  	[tilespmem:v3+s13+$0x0] =	vst.idx.msk $0xffff, v55;
	v1 =	vld [tilespmem:$0x1FCF0];
	v34 =	vmul.f32 v46, v18;
	v0 =	vadd.f32 $9.999999930e-09, v0;
	v60 =	vsub.s32 $0x5F3759DF, v51  }
0x13a: {  	v55 =	vld [tilespmem:$0x1FD10];
	v38 =	vadd.f32 v11, v44;
	v11 =	vmul.f32 v49, v61;
	v44 =	vmul.f32 v60, v56  }
0x13b: {  	v40 =	vmul.f32 v24, v9  }
0x13c: {  	v58 =	vsub.s32 $0x7EF311C3, v0;
	v11 =	vsub.f32 v34, v11;
	v34 =	vmul.f32 v60, v44  }
0x13d: {  	v38 =	vadd.f32 v38, v40;
	v40 =	vmul.f32 v58, v0  }
0x13e: {  	v51 =	vor.u32 v1, v54;
	v1 =	vld [tilespmem:$0x1FD00];
	v34 =	vsub.f32 $1.500000000e+00, v34  }
0x13f: {  	[tilespmem:v10+s13+$0x0] =	vst.idx.msk $0xffff, v20;
	v20 =	vsub.f32 $2.000000000e+00, v40;
	v40 =	vor.u32 v55, v54;
	v55 =	vld [tilespmem:$0x1FD20]  }
0x140: {  	[tilespmem:v22+s13+$0x0] =	vst.idx.msk $0xffff, v37;
	v43 =	vmul.f32 v38, v23;
	v37 =	vmul.f32 v60, v34;
	v60 =	vld [tilespmem:$0x1FE90];
	_ =	sdelay $0x1  }
0x141: {  	v10 =	vmul.f32 v38, v2;
	v43 =	vsub.f32 v6, v43;
	v6 =	vld [tilespmem:$0x1FD30]  }
0x142: {  	v1 =	vor.u32 v1, v54;
	v20 =	vmul.f32 v58, v20;
	v58 =	vld [tilespmem:$0x1FD50]  }
0x143: {  	v44 =	vsub.f32 v8, v10;
	v10 =	vld [tilespmem:$0x1FE70]  }
0x144: {  	v22 =	vor.u32 v55, v54;
	v55 =	vor.u32 v60, v4;
	v4 =	vld [tilespmem:$0x1FE60]  }
0x145: {  	v60 =	vld [tilespmem:$0x1FE80]  }
0x146: {  	[tilespmem:v51+s13+$0x0] =	vst.idx.msk $0xffff, v50;
	v8 =	vld [tilespmem:$0x1FD40]  }
0x147: {  	[tilespmem:v1+s13+$0x0] =	vst.idx.msk $0xffff, v17  }
0x148: {  	v34 =	vor.u32 v58, v54;
	v58 =	vor.u32 v10, v63;
	v10 =	vmul.f32 v37, v56  }
0x149: {  	v1 =	vmul.f32 v38, v24;
	[tilespmem:v40+s13+$0x0] =	vst.idx.msk $0xffff, v45;
	v4 =	vor.u32 v4, v63  }
0x14a: {  	v6 =	vor.u32 v6, v54;
	v40 =	vmul.f32 v10, v37;
	v50 =	vor.u32 v60, v63;
	v63 =	vld [tilespmem:$0x1FD60]  }
0x14b: {  	v8 =	vor.u32 v8, v54  }
0x14c: {  	v45 =	vsub.f32 v9, v1;
	v9 =	vsub.f32 $1.500000000e+00, v40;
	_ =	sdelay $0x1  }
0x14d: {  	[tilespmem:v22+s13+$0x0] =	vst.idx.msk $0xffff, v7;
	v9 =	vmul.f32 v9, v37;
	v37 =	vld.idx.msk [tilespmem:v4+s10+$0x0], $0xffff  }
0x14e: {  	[tilespmem:v6+s13+$0x0] =	vst.idx.msk $0xffff, v30;
	v51 =	vor.u32 v63, v54;
	v4 =	vld [tilespmem:$0x1FE60]  }
0x14f: {  	v22 =	vmul.f32 v47, v61;
	v40 =	vld.idx.msk [tilespmem:v58+s10+$0x0], $0xffff;
	[tilespmem:v8+s13+$0x0] =	vst.idx.msk $0xffff, v32  }
0x150: {  	v10 =	vmov v61;
	v61 =	vmul.f32 v44, v44;
	v58 =	vld [tilespmem:$0x1FE70];
	[tilespmem:v34+s13+$0x0] =	vst.idx.msk $0xffff, v39;
	v39 =	vmul.f32 v43, v43  }
0x151: {  	v5 =	vmul.f32 v9, v5;
	v9 =	vld.idx.msk [tilespmem:v50+s10+$0x0], $0xffff  }
0x152: {  	v50 =	vld [tilespmem:$0x1FE80];
	v61 =	vadd.f32 v61, v39  }
0x153: {  	v60 =	vor.u32 $0x800, v55;
	[tilespmem:v51+s13+$0x0] =	vst.idx.msk $0xffff, v16;
	v51 =	vmul.f32 v45, v45;
	v39 =	vor.u32 v4, v13;
	v4 =	vld [tilespmem:$0x1FDE0]  }
0x154: {  	v17 =	vor.u32 $0x1000, v55  }
0x155: {  	v32 =	vmul.f32 v20, v0;
	v51 =	vadd.f32 v61, v51;
	v61 =	vld [tilespmem:$0x1FE00];
	_ =	sdelay $0x1  }
0x156: {  	s31 =	sadd.s32 $0xFFFFFFFE, s21;
	v30 =	vmul.f32 v46, v21;
	[tilespmem:v55+s13+$0x0] =	vst.idx.msk $0xffff, v42;
	v58 =	vor.u32 v58, v13;
	v16 =	vsub.f32 $2.000000000e+00, v32  }
0x157: {  	[tilespmem:v60+s13+$0x0] =	vst.idx.msk $0xffff, v41;
	v13 =	vor.u32 v50, v13;
	v50 =	vshra.s32 v51, $0x1;
	v4 =	vor.u32 s31, v4  }
0x158: {  	[tilespmem:v17+s13+$0x0] =	vst.idx.msk $0xffff, v26;
	v20 =	vmul.f32 v16, v20;
	v17 =	vsub.s32 $0x5F3759DF, v50;
	v50 =	vld [tilespmem:$0x1FE20];
	v16 =	vshll.u32 v4, $0x7  }
0x159: {  	v34 =	vsub.f32 v22, v30;
	v30 =	vor.u32 v61, v16;
	v61 =	vld [tilespmem:$0x1FE10]  }
0x15a: {  	v38 =	vor.u32 $0x1800, v55  }
0x15b: {  	v56 =	vor.u32 $0x2000, v55;
	v0 =	vmul.f32 v20, v0;
	v60 =	vmul.f32 $5.000000000e-01, v51  }
0x15c: {  	v3 =	vmov s23;
	v63 =	vor.u32 $0x2800, v55  }
0x15d: {  	v0 =	vsub.f32 $2.000000000e+00, v0;
	v41 =	vor.u32 v50, v16;
	v50 =	vmul.f32 v17, v60  }
0x15e: {  	v5 =	vadd.f32 $9.999999930e-09, v5;
	v32 =	vor.u32 v61, v16;
	v61 =	vshll.u32 v3, $0x3  }
0x15f: {  	[tilespmem:v38+s13+$0x0] =	vst.idx.msk $0xffff, v37;
	v0 =	vmul.f32 v0, v20;
	v37 =	vmul.f32 v17, v50;
	v20 =	vand.u32 $0x400, v61;
	v61 =	vld [tilespmem:$0x1FC80]  }
0x160: {  	[tilespmem:v56+s13+$0x0] =	vst.idx.msk $0xffff, v36;
	v56 =	vsub.s32 $0x7EF311C3, v5  }
0x161: {  	v50 =	vmul.f32 v0, v25;
	v25 =	vsub.f32 $1.500000000e+00, v37;
	v37 =	vmul.f32 v56, v5  }
0x162: {  	v1 =	vor.u32 $0x3000, v55;
	v38 =	vmul.f32 v47, v18;
	v36 =	vmul.f32 v49, v21  }
0x163: {  	v7 =	vor.u32 $0x3800, v55;
	[tilespmem:v63+s13+$0x0] =	vst.idx.msk $0xffff, v33;
	v3 =	vand.u32 $0x70, v3;
	v63 =	vsub.f32 $2.000000000e+00, v37  }
0x164: {  	v36 =	vsub.f32 v36, v38;
	v38 =	vld [tilespmem:$0x1FE90];
	v3 =	vor.u32 v20, v3;
	v20 =	vand.u32 $0x5, v61  }
0x165: {  	v30 =	vld.idx.msk [tilespmem:v30+s10+$0x0], $0xffff;
	v61 =	vor.u32 v20, v3;
	v3 =	vmul.f32 v17, v25;
	v17 =	vmul.f32 v56, v63  }
0x166: {  	v6 =	vor.u32 $0x4000, v55;
	v52 =	vmul.f32 v0, v52;
	v33 =	vld.idx.msk [tilespmem:v41+s10+$0x0], $0xffff  }
0x167: {  	[tilespmem:v1+s13+$0x0] =	vst.idx.msk $0xffff, v29;
	v29 =	vmul.f32 v0, v48;
	v32 =	vld.idx.msk [tilespmem:v32+s10+$0x0], $0xffff;
	v0 =	vmul.f32 v17, v5  }
0x168: {  	v41 =	vld [tilespmem:$0x1FED0]  }
0x169: {  	v8 =	vor.u32 $0x4800, v55;
	v0 =	vsub.f32 $2.000000000e+00, v0  }
0x16a: {  	[tilespmem:v7+s13+$0x0] =	vst.idx.msk $0xffff, v40  }
0x16b: {  	v42 =	vor.u32 $0x5000, v55;
	[tilespmem:v6+s13+$0x0] =	vst.idx.msk $0xffff, v28;
	v1 =	vmul.f32 v50, v15;
	v17 =	vmul.f32 v0, v17;
	v0 =	vld [tilespmem:$0x1FE40]  }
0x16c: {  	v20 =	vmul.f32 v30, v30;
	v37 =	vor.u32 v38, v61;
	v25 =	vmul.f32 v32, v32  }
0x16d: {  	v58 =	vld.idx.msk [tilespmem:v58+s10+$0x0], $0xffff;
	v38 =	vor.u32 v41, v61;
	v41 =	vmul.f32 v52, v14;
	v63 =	vmul.f32 v3, v60  }
0x16e: {  	[tilespmem:v8+s13+$0x0] =	vst.idx.msk $0xffff, v31;
	v8 =	vld [tilespmem:$0x1FE30];
	v60 =	vmul.f32 v33, v33;
	v20 =	vadd.f32 v25, v20  }
0x16f: {  	v26 =	vor.u32 $0x5800, v55;
	v48 =	vsub.f32 v1, v41;
	v41 =	vld [tilespmem:$0x1FE50];
	v63 =	vmul.f32 v63, v3  }
0x170: {  	[tilespmem:v42+s13+$0x0] =	vst.idx.msk $0xffff, v35;
	v42 =	vld [tilespmem:$0x1FE00];
	v56 =	vadd.f32 v60, v20;
	v60 =	vor.u32 v0, v62  }
0x171: {  	v6 =	vsub.f32 $1.500000000e+00, v63;
	v0 =	vld [tilespmem:$0x1FDE0]  }
0x172: {  	v7 =	vmul.f32 v29, v14;
	v1 =	vld [tilespmem:$0x1FEE0]  }
0x173: {  	v3 =	vmul.f32 v6, v3;
	v6 =	vld [tilespmem:$0x1FE10];
	v20 =	vshra.s32 v56, $0x1;
	v40 =	vmul.f32 $5.000000000e-01, v56  }
0x174: {  	[tilespmem:v26+s13+$0x0] =	vst.idx.msk $0xffff, v9;
	v25 =	vmul.f32 v50, v19;
	v9 =	vor.u32 v41, v62;
	v41 =	vld [tilespmem:$0x1FF00];
	v28 =	vsub.s32 $0x5F3759DF, v20  }
0x175: {  	v8 =	vor.u32 v8, v62;
	v3 =	vmul.f32 v3, v51;
	v63 =	vmul.f32 v28, v40;
	v51 =	vld.idx.msk [tilespmem:v60+s10+$0x0], $0xffff  }
0x176: {  	v5 =	vmul.f32 v17, v5;
	v0 =	vor.u32 s21, v0;
	v60 =	vld [tilespmem:$0x1FE20]  }
0x177: {  	v25 =	vsub.f32 v7, v25;
	v7 =	vmul.f32 v28, v63;
	v63 =	vld [tilespmem:$0x1FEF0];
	v20 =	vshll.u32 v0, $0x7  }
0x178: {  	v39 =	vld.idx.msk [tilespmem:v39+s10+$0x0], $0xffff;
	v5 =	vsub.f32 $2.000000000e+00, v5;
	v42 =	vor.u32 v42, v20  }
0x179: {  	v31 =	vld [tilespmem:$0x1FF20];
	v6 =	vor.u32 v6, v20  }
0x17a: {  	v26 =	vmul.f32 v52, v19;
	v8 =	vld.idx.msk [tilespmem:v8+s10+$0x0], $0xffff;
	v5 =	vmul.f32 v5, v17  }
0x17b: {  	v1 =	vor.u32 v1, v61;
	v9 =	vld.idx.msk [tilespmem:v9+s10+$0x0], $0xffff;
	v7 =	vsub.f32 $1.500000000e+00, v7;
	v17 =	vor.u32 v60, v20  }
0x17c: {  	v60 =	vor.u32 v63, v61;
	v63 =	vor.u32 v41, v61;
	v41 =	vmul.f32 v5, v53;
	v53 =	vld [tilespmem:$0x1FF10]  }
0x17d: {  	v35 =	vmul.f32 v29, v15;
	v7 =	vmul.f32 v28, v7;
	v28 =	vld.idx.msk [tilespmem:v42+s10+$0x0], $0xffff  }
0x17e: {  	v42 =	vmul.f32 v5, v27;
	v27 =	vld.idx.msk [tilespmem:v6+s10+$0x0], $0xffff  }
0x17f: {  	v35 =	vsub.f32 v26, v35;
	v6 =	vld.idx.msk [tilespmem:v13+s10+$0x0], $0xffff;
	[tilespmem:v37+s13+$0x0] =	vst.idx.msk $0xffff, v21  }
0x180: {  	v22 =	vmov s24;
	v26 =	vmul.f32 v5, v12;
	v5 =	vmul.f32 v7, v40;
	[tilespmem:v38+s13+$0x0] =	vst.idx.msk $0xffff, v18  }
0x181: {  	v13 =	vor.u32 v31, v61;
	[tilespmem:v1+s13+$0x0] =	vst.idx.msk $0xffff, v10;
	v1 =	vld [tilespmem:$0x1FF40];
	v12 =	vor.u32 v53, v61;
	v53 =	vshll.u32 v22, $0x3  }
0x182: {  	v5 =	vmul.f32 v5, v7;
	v22 =	vand.u32 $0x70, v22;
	v31 =	vld.idx.msk [tilespmem:v17+s10+$0x0], $0xffff;
	v37 =	vand.u32 $0x400, v53  }
0x183: {  	v53 =	vmul.f32 v41, v8;
	v17 =	vor.u32 v37, v22;
	v37 =	vmul.f32 v26, v51  }
0x184: {  	v18 =	vmul.f32 v42, v9;
	v5 =	vsub.f32 $1.500000000e+00, v5  }
0x185: {  	v22 =	vmul.f32 v28, v28;
	v21 =	vadd.f32 v37, v53;
	v53 =	vmul.f32 v27, v27  }
0x186: {  	v40 =	vld [tilespmem:$0x1FF30];
	v38 =	vor.u32 v1, v61;
	v1 =	vmul.f32 v5, v7  }
0x187: {  	v10 =	vmul.f32 v31, v31;
	v7 =	vadd.f32 v21, v18;
	v18 =	vadd.f32 v53, v22;
	v53 =	vld [tilespmem:$0x1FF50]  }
0x188: {  	v1 =	vmul.f32 v1, v56;
	v56 =	vld [tilespmem:$0x1FF60]  }
0x189: {  	v18 =	vadd.f32 v10, v18;
	v10 =	vld [tilespmem:$0x1FF70]  }
0x18a: {  	v3 =	vadd.f32 $9.999999930e-09, v3  }
0x18b: {  	[tilespmem:v60+s13+$0x0] =	vst.idx.msk $0xffff, v39  }
0x18c: {  	v60 =	vld [tilespmem:$0x1FE70];
	[tilespmem:v63+s13+$0x0] =	vst.idx.msk $0xffff, v47;
	v5 =	vsub.s32 $0x7EF311C3, v3  }
0x18d: {  	v40 =	vor.u32 v40, v61;
	v37 =	vmul.f32 v5, v3;
	v21 =	vor.u32 v56, v61;
	v56 =	vld [tilespmem:$0x1FE60]  }
0x18e: {  	[tilespmem:v12+s13+$0x0] =	vst.idx.msk $0xffff, v49;
	v22 =	vor.u32 v53, v61;
	v53 =	vor.u32 v10, v61;
	v10 =	vld [tilespmem:$0x1FC90]  }
0x18f: {  	[tilespmem:v13+s13+$0x0] =	vst.idx.msk $0xffff, v46;
	v37 =	vsub.f32 $2.000000000e+00, v37;
	v13 =	vmul.f32 v7, v26  }
0x190: {  	v63 =	vld [tilespmem:$0x1FE80]  }
0x191: {  	v5 =	vmul.f32 v5, v37;
	v46 =	vsub.f32 v51, v13;
	v51 =	vld [tilespmem:$0x1FED0]  }
0x192: {  	v39 =	vor.u32 v56, v59;
	v56 =	vor.u32 v60, v59;
	v60 =	vadd.f32 $9.999999930e-09, v1  }
0x193: {  	[tilespmem:v40+s13+$0x0] =	vst.idx.msk $0xffff, v58;
	v58 =	vld [tilespmem:$0x1FEE0];
	v49 =	vmul.f32 $5.000000000e-01, v18;
	v1 =	vmul.f32 v7, v41;
	v47 =	vand.u32 $0x7, v10  }
0x194: {  	v12 =	vsub.s32 $0x7EF311C3, v60;
	v17 =	vor.u32 v47, v17;
	v47 =	vshra.s32 v18, $0x1  }
0x195: {  	v59 =	vor.u32 v63, v59;
	v63 =	vmul.f32 v12, v60;
	v37 =	vsub.s32 $0x5F3759DF, v47  }
0x196: {  	v47 =	vsub.f32 v8, v1;
	v1 =	vmul.f32 v7, v42;
	v40 =	vor.u32 v51, v17  }
0x197: {  	v51 =	vmul.f32 v46, v46;
	v7 =	vmul.f32 v37, v49;
	v63 =	vsub.f32 $2.000000000e+00, v63  }
0x198: {  	v1 =	vsub.f32 v9, v1;
	v9 =	vor.u32 v58, v17;
	v10 =	vmul.f32 v47, v47;
	v58 =	vld [tilespmem:$0x1FEF0]  }
0x199: {  	v12 =	vmul.f32 v12, v63;
	v63 =	vmul.f32 v5, v3  }
0x19a: {  	v10 =	vadd.f32 v51, v10;
	v51 =	vmul.f32 v1, v1  }
0x19b: {  	[tilespmem:v38+s13+$0x0] =	vst.idx.msk $0xffff, v11;
	v38 =	vld [tilespmem:$0x1FE30];
	v7 =	vmul.f32 v37, v7;
	v13 =	vsub.f32 $2.000000000e+00, v63;
	v63 =	vmul.f32 v12, v60  }
0x19c: {  	v10 =	vadd.f32 v10, v51;
	v51 =	vld [tilespmem:$0x1FE40]  }
0x19d: {  	[tilespmem:v22+s13+$0x0] =	vst.idx.msk $0xffff, v34;
	v7 =	vsub.f32 $1.500000000e+00, v7;
	v22 =	vor.u32 v58, v17;
	v58 =	vld [tilespmem:$0x1FF00];
	v63 =	vsub.f32 $2.000000000e+00, v63;
	_ =	sdelay $0x1  }
0x19e: {  	v7 =	vmul.f32 v37, v7;
	v12 =	vmul.f32 v63, v12;
	v63 =	vld [tilespmem:$0x1FE50]  }
0x19f: {  	v11 =	vld [tilespmem:$0x1FF10];
	[tilespmem:v21+s13+$0x0] =	vst.idx.msk $0xffff, v36  }
0x1a0: {  	v34 =	vor.u32 v38, v16;
	[tilespmem:v53+s13+$0x0] =	vst.idx.msk $0xffff, v6;
	v8 =	vld [tilespmem:$0x1FE90];
	v38 =	vmul.f32 $5.000000000e-01, v10;
	v49 =	vmul.f32 v7, v49  }
0x1a1: {  	v6 =	vld.idx.msk [tilespmem:v39+s10+$0x0], $0xffff;
	v37 =	vor.u32 v51, v16;
	v21 =	vor.u32 v58, v17;
	v58 =	vshra.s32 v10, $0x1  }
0x1a2: {  	v39 =	vld.idx.msk [tilespmem:v56+s10+$0x0], $0xffff;
	v5 =	vmul.f32 v13, v5;
	v13 =	vsub.s32 $0x5F3759DF, v58  }
0x1a3: {  	v36 =	vmul.f32 v49, v7;
	v49 =	vor.u32 v63, v16;
	v58 =	vmul.f32 v13, v38;
	v63 =	vld [tilespmem:$0x1FF30]  }
0x1a4: {  	v53 =	vld.idx.msk [tilespmem:v59+s10+$0x0], $0xffff;
	v56 =	vor.u32 v11, v17;
	v51 =	vmul.f32 v12, v60  }
0x1a5: {  	v34 =	vld.idx.msk [tilespmem:v34+s10+$0x0], $0xffff;
	v8 =	vor.u32 v8, v17;
	v36 =	vsub.f32 $1.500000000e+00, v36;
	v11 =	vmul.f32 v13, v58  }
0x1a6: {  	v3 =	vmul.f32 v5, v3;
	v59 =	vsub.f32 $2.000000000e+00, v51;
	v37 =	vld.idx.msk [tilespmem:v37+s10+$0x0], $0xffff  }
0x1a7: {  	v7 =	vmul.f32 v36, v7;
	v51 =	vsub.f32 $1.500000000e+00, v11;
	v11 =	vld [tilespmem:$0x1FF60]  }
0x1a8: {  	v3 =	vsub.f32 $2.000000000e+00, v3;
	v12 =	vmul.f32 v59, v12;
	v36 =	vor.u32 v63, v17;
	v63 =	vld [tilespmem:$0x1FF50]  }
0x1a9: {  	v7 =	vmul.f32 v7, v18;
	v13 =	vmul.f32 v13, v51;
	v51 =	vld [tilespmem:$0x1FF70]  }
0x1aa: {  	[tilespmem:v8+s13+$0x0] =	vst.idx.msk $0xffff, v19;
	v3 =	vmul.f32 v3, v5;
	v18 =	vmul.f32 v12, v32;
	v49 =	vld.idx.msk [tilespmem:v49+s10+$0x0], $0xffff  }
0x1ab: {  	v8 =	vld [tilespmem:$0x1FF20];
	[tilespmem:v40+s13+$0x0] =	vst.idx.msk $0xffff, v15;
	v19 =	vmul.f32 v12, v30;
	v15 =	vmul.f32 v12, v33;
	v7 =	vadd.f32 $9.999999930e-09, v7  }
0x1ac: {  	[tilespmem:v9+s13+$0x0] =	vst.idx.msk $0xffff, v14;
	v40 =	vmul.f32 v18, v37;
	v14 =	vmul.f32 v13, v38  }
0x1ad: {  	v5 =	vld [tilespmem:$0x1FF40];
	[tilespmem:v22+s13+$0x0] =	vst.idx.msk $0xffff, v6;
	v33 =	vsub.s32 $0x7EF311C3, v7;
	v58 =	vor.u32 v63, v17;
	v63 =	vmul.f32 v19, v34  }
0x1ae: {  	v59 =	vor.u32 v11, v17;
	v11 =	vld [tilespmem:$0x1FE60];
	v14 =	vmul.f32 v14, v13;
	v32 =	vor.u32 v51, v17  }
0x1af: {  	v51 =	vmul.f32 v15, v49;
	v12 =	vadd.f32 v40, v63;
	v63 =	vmul.f32 v33, v7  }
0x1b0: {  	v8 =	vor.u32 v8, v17;
	v9 =	vmul.f32 v3, v44;
	[tilespmem:v21+s13+$0x0] =	vst.idx.msk $0xffff, v29;
	v29 =	vld [tilespmem:$0x1FE80];
	v14 =	vsub.f32 $1.500000000e+00, v14  }
0x1b1: {  	v45 =	vmul.f32 v3, v45;
	v6 =	vadd.f32 v12, v51;
	v44 =	vsub.f32 $2.000000000e+00, v63;
	v63 =	vld [tilespmem:$0x1FE70]  }
0x1b2: {  	v3 =	vmul.f32 v3, v43;
	v5 =	vor.u32 v5, v17;
	v13 =	vmul.f32 v14, v13  }
0x1b3: {  	v40 =	vor.u32 v11, v57;
	v11 =	vmul.f32 v6, v19;
	v33 =	vmul.f32 v33, v44  }
0x1b4: {  	v60 =	vld [tilespmem:$0x1FE40];
	[tilespmem:v56+s13+$0x0] =	vst.idx.msk $0xffff, v52;
	v30 =	vmul.f32 v6, v18;
	v6 =	vmul.f32 v6, v15  }
0x1b5: {  	v52 =	vld [tilespmem:$0x1FE30];
	v10 =	vmul.f32 v13, v10;
	v12 =	vsub.f32 v34, v11;
	v43 =	vmul.f32 v33, v7  }
0x1b6: {  	v51 =	vor.u32 v63, v57;
	v57 =	vor.u32 v29, v57;
	v29 =	vsub.f32 v37, v30;
	v63 =	vld [tilespmem:$0x1FE50]  }
0x1b7: {  	[tilespmem:v8+s13+$0x0] =	vst.idx.msk $0xffff, v50;
	v11 =	vld [tilespmem:$0x1FCA0];
	v30 =	vsub.f32 v49, v6;
	v6 =	vsub.f32 $2.000000000e+00, v43  }
0x1b8: {  	[tilespmem:v36+s13+$0x0] =	vst.idx.msk $0xffff, v39;
	v8 =	vadd.f32 $9.999999930e-09, v10;
	v44 =	vmul.f32 v12, v12  }
0x1b9: {  	v10 =	vor.u32 v60, v20;
	v14 =	vmul.f32 v29, v29;
	v6 =	vmul.f32 v6, v33  }
0x1ba: {  	v56 =	vld [tilespmem:$0x1FEA0];
	[tilespmem:v5+s13+$0x0] =	vst.idx.msk $0xffff, v48;
	v49 =	vor.u32 v52, v20;
	v36 =	vsub.s32 $0x7EF311C3, v8;
	v50 =	vmul.f32 v30, v30  }
0x1bb: {  	v13 =	vadd.f32 v14, v44;
	v39 =	vor.u32 v63, v20;
	v7 =	vmul.f32 v6, v7;
	v63 =	vld [tilespmem:$0x1FFA0]  }
0x1bc: {  	[tilespmem:v58+s13+$0x0] =	vst.idx.msk $0xffff, v25;
	v5 =	vshll.u32 v11, $0x3;
	v44 =	vmul.f32 v36, v8;
	v25 =	vand.u32 $0x78, v11  }
0x1bd: {  	[tilespmem:v59+s13+$0x0] =	vst.idx.msk $0xffff, v35;
	v59 =	vld [tilespmem:$0x1FD70];
	v5 =	vand.u32 $0x400, v5;
	v13 =	vadd.f32 v13, v50;
	v7 =	vsub.f32 $2.000000000e+00, v7  }
0x1be: {  	v10 =	vld.idx.msk [tilespmem:v10+s10+$0x0], $0xffff;
	v43 =	vsub.f32 $2.000000000e+00, v44;
	v14 =	vor.u32 v5, v25  }
0x1bf: {  	v48 =	vld.idx.msk [tilespmem:v49+s10+$0x0], $0xffff;
	v44 =	vshra.s32 v13, $0x1;
	v6 =	vmul.f32 v7, v6;
	v7 =	vor.u32 v56, v14  }
0x1c0: {  	v49 =	vmul.f32 $5.000000000e-01, v13;
	v25 =	vmul.f32 v36, v43;
	v35 =	vld.idx.msk [tilespmem:v39+s10+$0x0], $0xffff;
	v36 =	vor.u32 v63, v14  }
0x1c1: {  	v5 =	vsub.s32 $0x5F3759DF, v44;
	v39 =	vld.idx.msk [tilespmem:v57+s10+$0x0], $0xffff  }
0x1c2: {  	v56 =	vmul.f32 v5, v49;
	v43 =	vmul.f32 v6, v27;
	v27 =	vld.idx.msk [tilespmem:v40+s10+$0x0], $0xffff  }
0x1c3: {  	v21 =	vmul.f32 v6, v28;
	v44 =	vmul.f32 v6, v31;
	v6 =	vld.idx.msk [tilespmem:v51+s10+$0x0], $0xffff  }
0x1c4: {  	v51 =	vld [tilespmem:$0x1FFB0];
	[tilespmem:v7+s13+$0x0] =	vst.idx.msk $0xffff, v23  }
0x1c5: {  	v28 =	vmul.f32 v5, v56;
	[tilespmem:v36+s13+$0x0] =	vst.idx.msk $0xffff, v2;
	v36 =	vld [tilespmem:$0x1FFC0]  }
0x1c6: {  	v63 =	vmul.f32 v21, v48;
	v11 =	vmul.f32 v43, v10  }
0x1c7: {  	v22 =	vmul.f32 v45, v2;
	v57 =	vmul.f32 v25, v8;
	v31 =	vor.u32 v59, v14  }
0x1c8: {  	v38 =	vmul.f32 v9, v24;
	v7 =	vsub.f32 $1.500000000e+00, v28;
	v59 =	vadd.f32 v11, v63  }
0x1c9: {  	v63 =	vmul.f32 v44, v35;
	v11 =	vsub.f32 $2.000000000e+00, v57;
	v57 =	vld [tilespmem:$0x1FD80];
	v56 =	vor.u32 v51, v14  }
0x1ca: {  	v22 =	vsub.f32 v22, v38;
	v34 =	vmul.f32 v3, v24;
	v28 =	vor.u32 v36, v14  }
0x1cb: {  	v37 =	vmul.f32 v45, v23;
	v5 =	vmul.f32 v5, v7;
	v7 =	vadd.f32 v59, v63  }
0x1cc: {  	v38 =	vld [tilespmem:$0x1FFD0];
	v40 =	vmul.f32 v3, v2;
	[tilespmem:v31+s13+$0x0] =	vst.idx.msk $0xffff, v24;
	v31 =	vmul.f32 v11, v25  }
0x1cd: {  	v2 =	vsub.f32 v34, v37;
	v37 =	vmul.f32 v5, v49;
	v49 =	vld [tilespmem:$0x1FD90];
	v59 =	vmul.f32 v7, v43  }
0x1ce: {  	v34 =	vor.u32 v57, v14;
	v57 =	vld [tilespmem:$0x1FDB0];
	[tilespmem:v56+s13+$0x0] =	vst.idx.msk $0xffff, v27;
	v56 =	vmul.f32 v7, v21  }
0x1cf: {  	v33 =	vmul.f32 v9, v23;
	v8 =	vmul.f32 v31, v8;
	[tilespmem:v28+s13+$0x0] =	vst.idx.msk $0xffff, v3;
	v3 =	vld [tilespmem:$0x1FDA0]  }
0x1d0: {  	v24 =	vsub.f32 v10, v59;
	v7 =	vmul.f32 v7, v44;
	v23 =	vsub.f32 v48, v56  }
0x1d1: {  	v63 =	vmul.f32 v37, v5;
	v27 =	vor.u32 v38, v14;
	v8 =	vsub.f32 $2.000000000e+00, v8  }
0x1d2: {  	v11 =	vld [tilespmem:$0x1FDD0];
	v25 =	vsub.f32 v35, v7;
	v56 =	vmul.f32 v24, v24;
	v7 =	vmul.f32 v23, v23  }
0x1d3: {  	v51 =	vsub.f32 $1.500000000e+00, v63;
	v48 =	vld [tilespmem:$0x1FE60];
	v37 =	vor.u32 v49, v14;
	v35 =	vor.u32 v57, v14  }
0x1d4: {  	v63 =	vmul.f32 v25, v25;
	v57 =	vld [tilespmem:$0x1FCB0];
	v7 =	vadd.f32 v56, v7;
	v3 =	vor.u32 v3, v14  }
0x1d5: {  	[tilespmem:v32+s13+$0x0] =	vst.idx.msk $0xffff, v53;
	v32 =	vmov s30  }
0x1d6: {  	v8 =	vmul.f32 v8, v31;
	v49 =	vshll.u32 v32, $0x3;
	[tilespmem:v27+s13+$0x0] =	vst.idx.msk $0xffff, v9;
	v7 =	vadd.f32 v7, v63  }
0x1d7: {  	v31 =	vor.u32 v11, v14;
	v32 =	vand.u32 $0x78, v32;
	v27 =	vand.u32 $0x400, v49;
	[tilespmem:v34+s13+$0x0] =	vst.idx.msk $0xffff, v45  }
0x1d8: {  	v58 =	vld [tilespmem:$0x1FE90];
	v36 =	vor.u32 v48, v62;
	[tilespmem:v37+s13+$0x0] =	vst.idx.msk $0xffff, v6;
	v6 =	vshra.s32 v7, $0x1;
	v56 =	vmul.f32 $5.000000000e-01, v7  }
0x1d9: {  	v59 =	vld [tilespmem:$0x1FDC0];
	v11 =	vand.u32 $0x3, v57;
	v6 =	vsub.s32 $0x5F3759DF, v6;
	[tilespmem:v3+s13+$0x0] =	vst.idx.msk $0xffff, v22;
	v3 =	vor.u32 v27, v32  }
0x1da: {  	v53 =	vld [tilespmem:$0x1FE80];
	v22 =	vor.u32 v11, v3;
	v3 =	vmul.f32 v6, v56  }
0x1db: {  	v33 =	vsub.f32 v33, v40;
	v40 =	vld [tilespmem:$0x1FE70];
	v5 =	vmul.f32 v51, v5  }
0x1dc: {  	v63 =	vld [tilespmem:$0x1FED0];
	v3 =	vmul.f32 v6, v3  }
0x1dd: {  	v5 =	vmul.f32 v5, v13;
	v13 =	vld.idx.msk [tilespmem:v36+s10+$0x0], $0xffff  }
0x1de: {  	v10 =	vor.u32 v59, v14;
	v36 =	vld [tilespmem:$0x1FEE0];
	v3 =	vsub.f32 $1.500000000e+00, v3  }
0x1df: {  	v37 =	vld [tilespmem:$0x1FEF0]  }
0x1e0: {  	v38 =	vor.u32 v40, v62;
	v3 =	vmul.f32 v6, v3;
	v6 =	vld [tilespmem:$0x1FF00]  }
0x1e1: {  	v51 =	vor.u32 v53, v62;
	v59 =	vor.u32 v58, v22  }
0x1e2: {  	v5 =	vadd.f32 $9.999999930e-09, v5;
	[tilespmem:v35+s13+$0x0] =	vst.idx.msk $0xffff, v2;
	v32 =	vor.u32 v63, v22  }
0x1e3: {  	[tilespmem:v10+s13+$0x0] =	vst.idx.msk $0xffff, v33;
	v33 =	vor.u32 v36, v22  }
0x1e4: {  	v2 =	vsub.s32 $0x7EF311C3, v5;
	v35 =	vor.u32 v37, v22  }
0x1e5: {  	v9 =	vld.idx.msk [tilespmem:v38+s10+$0x0], $0xffff;
	v62 =	vmul.f32 v2, v5;
	v6 =	vor.u32 v6, v22  }
0x1e6: {  	v28 =	vld.idx.msk [tilespmem:v51+s10+$0x0], $0xffff;
	[tilespmem:v59+s13+$0x0] =	vst.idx.msk $0xffff, v41  }
0x1e7: {  	v11 =	vsub.f32 $2.000000000e+00, v62;
	[tilespmem:v32+s13+$0x0] =	vst.idx.msk $0xffff, v26;
	v49 =	vmul.f32 v3, v56  }
0x1e8: {  	v27 =	vmul.f32 v8, v47;
	[tilespmem:v33+s13+$0x0] =	vst.idx.msk $0xffff, v42  }
0x1e9: {  	v57 =	vld [tilespmem:$0x1FF10];
	v2 =	vmul.f32 v2, v11;
	[tilespmem:v35+s13+$0x0] =	vst.idx.msk $0xffff, v13;
	v33 =	vmul.f32 v49, v3  }
0x1ea: {  	[tilespmem:v6+s13+$0x0] =	vst.idx.msk $0xffff, v27;
	v6 =	vld [tilespmem:$0x1FF20]  }
0x1eb: {  	v45 =	vmul.f32 v2, v5;
	v63 =	vsub.f32 $1.500000000e+00, v33;
	v33 =	vld [tilespmem:$0x1FF30]  }
0x1ec: {  	v1 =	vmul.f32 v8, v1;
	v34 =	vld [tilespmem:$0x1FF40]  }
0x1ed: {  	[tilespmem:v31+s13+$0x0] =	vst.idx.msk $0xffff, v39;
	v36 =	vld [tilespmem:$0x1FF50];
	v31 =	vsub.f32 $2.000000000e+00, v45  }
0x1ee: {  	v38 =	vmul.f32 v1, v26;
	v8 =	vmul.f32 v8, v46;
	v35 =	vor.u32 v57, v22  }
0x1ef: {  	v46 =	vmul.f32 v27, v42;
	v2 =	vmul.f32 v31, v2;
	v6 =	vor.u32 v6, v22  }
0x1f0: {  	v39 =	vmul.f32 v8, v42;
	v26 =	vmul.f32 v27, v26;
	v27 =	vor.u32 v33, v22  }
0x1f1: {  	v31 =	vor.u32 v34, v22;
	v5 =	vmul.f32 v2, v5  }
0x1f2: {  	v51 =	vmul.f32 v1, v41;
	v37 =	vld [tilespmem:$0x1FF60];
	v10 =	vsub.f32 v38, v39;
	v32 =	vor.u32 v36, v22  }
0x1f3: {  	v56 =	vmul.f32 v8, v41;
	v3 =	vmul.f32 v63, v3;
	v5 =	vsub.f32 $2.000000000e+00, v5;
	[tilespmem:v35+s13+$0x0] =	vst.idx.msk $0xffff, v8;
	v8 =	vld [tilespmem:$0x1FF70]  }
0x1f4: {  	v38 =	vmov s31;
	v39 =	vor.u32 v48, v16;
	v59 =	vsub.f32 v46, v51;
	[tilespmem:v6+s13+$0x0] =	vst.idx.msk $0xffff, v1  }
0x1f5: {  	v51 =	vld [tilespmem:$0x1FED0];
	v3 =	vmul.f32 v3, v7;
	v2 =	vmul.f32 v5, v2;
	v5 =	vshll.u32 v38, $0x3;
	[tilespmem:v27+s13+$0x0] =	vst.idx.msk $0xffff, v9  }
0x1f6: {  	v57 =	vld [tilespmem:$0x1FEE0];
	v7 =	vor.u32 v40, v16;
	v5 =	vand.u32 $0x400, v5;
	v6 =	vand.u32 $0x78, v38;
	[tilespmem:v31+s13+$0x0] =	vst.idx.msk $0xffff, v10  }
0x1f7: {  	v4 =	vand.u32 $0x5, v4;
	v33 =	vor.u32 v37, v22;
	v5 =	vor.u32 v5, v6;
	[tilespmem:v32+s13+$0x0] =	vst.idx.msk $0xffff, v59;
	v59 =	vld [tilespmem:$0x1FEF0]  }
0x1f8: {  	v63 =	vld [tilespmem:$0x1FF00];
	v8 =	vor.u32 v8, v22;
	v4 =	vor.u32 v4, v5  }
0x1f9: {  	v1 =	vor.u32 v53, v16;
	v42 =	vor.u32 v58, v4  }
0x1fa: {  	v62 =	vsub.f32 v56, v26;
	v41 =	vmul.f32 v2, v29;
	v26 =	vor.u32 v51, v4  }
0x1fb: {  	v56 =	vld.idx.msk [tilespmem:v39+s10+$0x0], $0xffff;
	v6 =	vmul.f32 v2, v30;
	v2 =	vmul.f32 v2, v12;
	v12 =	vor.u32 v57, v4  }
0x1fc: {  	v3 =	vadd.f32 $9.999999930e-09, v3;
	v7 =	vld.idx.msk [tilespmem:v7+s10+$0x0], $0xffff;
	[tilespmem:v33+s13+$0x0] =	vst.idx.msk $0xffff, v62;
	v13 =	vor.u32 v59, v4  }
0x1fd: {  	v33 =	vld [tilespmem:$0x1FF10];
	[tilespmem:v8+s13+$0x0] =	vst.idx.msk $0xffff, v28;
	v28 =	vor.u32 v63, v4  }
0x1fe: {  	v5 =	vsub.s32 $0x7EF311C3, v3;
	v1 =	vld.idx.msk [tilespmem:v1+s10+$0x0], $0xffff;
	[tilespmem:v42+s13+$0x0] =	vst.idx.msk $0xffff, v19  }
0x1ff: {  	v35 =	vld [tilespmem:$0x1FF20];
	v45 =	vmul.f32 v5, v3;
	[tilespmem:v26+s13+$0x0] =	vst.idx.msk $0xffff, v18  }
0x200: {  	v36 =	vld [tilespmem:$0x1FF30];
	[tilespmem:v12+s13+$0x0] =	vst.idx.msk $0xffff, v15  }
0x201: {  	v38 =	vld [tilespmem:$0x1FF50];
	v46 =	vmul.f32 v6, v18;
	v11 =	vsub.f32 $2.000000000e+00, v45;
	[tilespmem:v13+s13+$0x0] =	vst.idx.msk $0xffff, v56  }
0x202: {  	v37 =	vmov s21;
	v62 =	vmul.f32 v2, v15;
	v18 =	vmul.f32 v2, v18;
	[tilespmem:v28+s13+$0x0] =	vst.idx.msk $0xffff, v2;
	v2 =	vld [tilespmem:$0x1FF40]  }
0x203: {  	v29 =	vld [tilespmem:$0x1FF60];
	v49 =	vmul.f32 v41, v15;
	v5 =	vmul.f32 v5, v11;
	v10 =	vor.u32 v33, v4  }
0x204: {  	v39 =	vshll.u32 v37, $0x3;
	v12 =	vor.u32 v35, v4  }
0x205: {  	v32 =	vmul.f32 v6, v19;
	v8 =	vsub.f32 v46, v49;
	v34 =	vmul.f32 v5, v3  }
0x206: {  	v30 =	vld [tilespmem:$0x1FEE0];
	v27 =	vor.u32 v38, v4;
	v46 =	vand.u32 $0x78, v37;
	v13 =	vor.u32 v36, v4  }
0x207: {  	v42 =	vand.u32 $0x400, v39;
	v26 =	vsub.f32 $2.000000000e+00, v34;
	v56 =	vld [tilespmem:$0x1FF70];
	v2 =	vor.u32 v2, v4  }
0x208: {  	v31 =	vld [tilespmem:$0x1FED0];
	v49 =	vor.u32 v29, v4;
	v9 =	vor.u32 v42, v46;
	[tilespmem:v10+s13+$0x0] =	vst.idx.msk $0xffff, v41  }
0x209: {  	v0 =	vand.u32 $0x7, v0;
	v45 =	vld [tilespmem:$0x1FF50];
	v5 =	vmul.f32 v26, v5;
	[tilespmem:v12+s13+$0x0] =	vst.idx.msk $0xffff, v6;
	v6 =	vor.u32 v40, v20  }
0x20a: {  	v51 =	vor.u32 v48, v20;
	v19 =	vmul.f32 v41, v19;
	v0 =	vor.u32 v0, v9;
	v41 =	vld [tilespmem:$0x1FEF0]  }
0x20b: {  	v38 =	vld [tilespmem:$0x1FF30];
	v3 =	vmul.f32 v5, v3;
	[tilespmem:v13+s13+$0x0] =	vst.idx.msk $0xffff, v7;
	v7 =	vsub.f32 v62, v32  }
0x20c: {  	v59 =	vld [tilespmem:$0x1FF00];
	v9 =	vor.u32 v56, v4;
	[tilespmem:v2+s13+$0x0] =	vst.idx.msk $0xffff, v8;
	v2 =	vsub.f32 v19, v18  }
0x20d: {  	v57 =	vor.u32 v53, v20;
	v35 =	vld [tilespmem:$0x1FF10];
	v63 =	vor.u32 v58, v0;
	v3 =	vsub.f32 $2.000000000e+00, v3;
	[tilespmem:v27+s13+$0x0] =	vst.idx.msk $0xffff, v7  }
0x20e: {  	v8 =	vor.u32 v31, v0;
	[tilespmem:v49+s13+$0x0] =	vst.idx.msk $0xffff, v2;
	v2 =	vld.idx.msk [tilespmem:v6+s10+$0x0], $0xffff  }
0x20f: {  	v3 =	vmul.f32 v3, v5;
	v5 =	vor.u32 v30, v0;
	v6 =	vor.u32 v41, v0;
	v41 =	vld [tilespmem:$0x1FF20]  }
0x210: {  	v7 =	vld.idx.msk [tilespmem:v51+s10+$0x0], $0xffff  }
0x211: {  	v32 =	vld [tilespmem:$0x1FF40];
	[tilespmem:v9+s13+$0x0] =	vst.idx.msk $0xffff, v1  }
0x212: {  	v45 =	vor.u32 v45, v0;
	v36 =	vor.u32 v59, v0;
	v1 =	vld.idx.msk [tilespmem:v57+s10+$0x0], $0xffff;
	[tilespmem:v63+s13+$0x0] =	vst.idx.msk $0xffff, v21  }
0x213: {  	v39 =	vor.u32 v35, v0;
	v34 =	vmul.f32 v3, v24;
	v49 =	vld [tilespmem:$0x1FF70];
	[tilespmem:v8+s13+$0x0] =	vst.idx.msk $0xffff, v43  }
0x214: {  	v37 =	vmul.f32 v3, v25;
	[tilespmem:v5+s13+$0x0] =	vst.idx.msk $0xffff, v44;
	v8 =	vor.u32 v41, v0  }
0x215: {  	v62 =	vld [tilespmem:$0x1FEB0];
	v3 =	vmul.f32 v3, v23;
	[tilespmem:v6+s13+$0x0] =	vst.idx.msk $0xffff, v7;
	v6 =	vor.u32 v38, v0  }
0x216: {  	v46 =	vor.u32 v29, v0;
	v42 =	vmul.f32 v37, v43;
	v9 =	vmul.f32 v34, v21  }
0x217: {  	v56 =	vld [tilespmem:$0x1FEC0];
	v5 =	vmul.f32 v34, v44;
	v7 =	vor.u32 v32, v0;
	[tilespmem:v36+s13+$0x0] =	vst.idx.msk $0xffff, v3  }
0x218: {  	v44 =	vmul.f32 v3, v44;
	v51 =	vor.u32 v49, v0;
	[tilespmem:v39+s13+$0x0] =	vst.idx.msk $0xffff, v34  }
0x219: {  	v5 =	vsub.f32 v42, v5;
	[tilespmem:v8+s13+$0x0] =	vst.idx.msk $0xffff, v37;
	v8 =	vmul.f32 v37, v21  }
0x21a: {  	v3 =	vmul.f32 v3, v43;
	[tilespmem:v6+s13+$0x0] =	vst.idx.msk $0xffff, v2;
	v6 =	vor.u32 v62, v54;
	v62 =	vld [tilespmem:$0x1FF80]  }
0x21b: {  	v33 =	vld [tilespmem:$0x1FF90];
	v2 =	vsub.f32 v44, v8  }
0x21c: {  	v3 =	vsub.f32 v9, v3;
	[tilespmem:v7+s13+$0x0] =	vst.idx.msk $0xffff, v5;
	v5 =	vor.u32 v56, v54  }
0x21d: {  	[tilespmem:v45+s13+$0x0] =	vst.idx.msk $0xffff, v2;
	v2 =	vor.u32 $0x6000, v55  }
0x21e: {  	v63 =	vld [tilespmem:$0x1FFE0];
	[tilespmem:v46+s13+$0x0] =	vst.idx.msk $0xffff, v3;
	v3 =	vor.u32 $0x6800, v55  }
0x21f: {  	v59 =	vld [tilespmem:$0x1FFF0];
	v8 =	vimm.f32 $8.000017700e+02;
	[tilespmem:v51+s13+$0x0] =	vst.idx.msk $0xffff, v1;
	v1 =	vor.u32 v62, v61  }
0x220: {  	v57 =	vimm.f32 $1.250000000e-01;
	[tilespmem:v6+s13+$0x0] =	vst.idx.msk $0xffff, v8;
	v6 =	vor.u32 v33, v61  }
0x221: {  	[tilespmem:v5+s13+$0x0] =	vst.idx.msk $0xffff, v57;
	v5 =	vor.u32 v62, v17  }
0x222: {  	[tilespmem:v2+s13+$0x0] =	vst.idx.msk $0xffff, v8;
	v2 =	vor.u32 v33, v17  }
0x223: {  	[tilespmem:v3+s13+$0x0] =	vst.idx.msk $0xffff, v57;
	v3 =	vor.u32 v63, v14  }
0x224: {  	[tilespmem:v1+s13+$0x0] =	vst.idx.msk $0xffff, v8;
	v1 =	vor.u32 v59, v14  }
0x225: {  	[tilespmem:v6+s13+$0x0] =	vst.idx.msk $0xffff, v57;
	v6 =	vor.u32 v62, v22  }
0x226: {  	[tilespmem:v5+s13+$0x0] =	vst.idx.msk $0xffff, v8;
	v5 =	vor.u32 v33, v22  }
0x227: {  	[tilespmem:v2+s13+$0x0] =	vst.idx.msk $0xffff, v57;
	v2 =	vor.u32 v62, v4  }
0x228: {  	[tilespmem:v3+s13+$0x0] =	vst.idx.msk $0xffff, v8;
	v3 =	vor.u32 v33, v4  }
0x229: {  	s20 =	sadd.s32 $0x8, s20;
	[tilespmem:v1+s13+$0x0] =	vst.idx.msk $0xffff, v57;
	v1 =	vor.u32 v62, v0  }
0x22a: {  	p0 =	slt.u32 s20, $0x78;
	v50 =	vld [tilespmem:$0x1FE50];
	v0 =	vor.u32 v33, v0;
	[tilespmem:v6+s13+$0x0] =	vst.idx.msk $0xffff, v8  }
.Ltmp0:
0x22b: {  	v47 =	vld [tilespmem:$0x1FDF0];
	[tilespmem:v5+s13+$0x0] =	vst.idx.msk $0xffff, v57;
	(pc) =	sbr.rel @p0 .LBB2_2-.Ltmp0, $4  }
0x22c: {  	v7 =	vld [tilespmem:$0x1FDE0];
	[tilespmem:v2+s13+$0x0] =	vst.idx.msk $0xffff, v8  }
0x22d: {  	v4 =	vld [tilespmem:$0x1FE20];
	[tilespmem:v3+s13+$0x0] =	vst.idx.msk $0xffff, v57  }
0x22e: {  	v2 =	vld [tilespmem:$0x1FE00];
	[tilespmem:v1+s13+$0x0] =	vst.idx.msk $0xffff, v8  }
0x22f: {  	s21 =	sadd.s32 $0x10, s21;
	v3 =	vld [tilespmem:$0x1FE10];
	[tilespmem:v0+s13+$0x0] =	vst.idx.msk $0xffff, v57  }
0x230: {  	[hbm4b:s4+s14] =	stream.strided.scatter [tilespmem:s13], [sflag:$0x3], $0x7000, s15, s14, $0x38;
	[tilespmem:$0x1E200] =	vst v63  }
0x231: {  	_ =	swait.ge [sflag:s16], $0x8000  }
0x232: {  	[sflag:s16] =	ssyncset.done $0x0  }
0x233: {  	s20 =	simm.s32 $0xFFFFFFF8;
	s21 =	simm.s32 $0xE;
	[sflag:s16] =	ssyncadd.s32 $0xFFFF8000  }
.LBB2_4:
0x234: {  	s22 =	sadd.s32 $0xFFFFFFF2, s21  }
0x235: {  	v22 =	vmov s22  }
0x236: {  	v0 =	vshll.u32 v22, $0x7  }
0x237: {  	v14 =	vor.u32 v47, v0  }
0x238: {  	v0 =	vor.u32 v2, v14  }
0x239: {  	v1 =	vor.u32 v3, v14;
	_ =	sdelay $0x1  }
0x23a: {  	v2 =	vor.u32 v4, v14;
	_ =	sdelay $0x1  }
0x23b: {  	v0 =	vld.idx.msk [tilespmem:v0+s11+$0x0], $0xffff  }
0x23c: {  	v1 =	vld.idx.msk [tilespmem:v1+s11+$0x0], $0xffff;
	_ =	sdelay $0x1  }
0x23d: {  	v2 =	vld.idx.msk [tilespmem:v2+s11+$0x0], $0xffff;
	_ =	sdelay $0x2  }
0x23e: {  	v3 =	vmul.f32 v0, v0;
	v4 =	vmul.f32 v1, v1;
	_ =	sdelay $0x1  }
0x23f: {  	v3 =	vadd.f32 v4, v3;
	v4 =	vmul.f32 v2, v2;
	_ =	sdelay $0x1  }
0x240: {  	v3 =	vadd.f32 v4, v3;
	_ =	sdelay $0x1  }
0x241: {  	v4 =	vshra.s32 v3, $0x1;
	v5 =	vmul.f32 $5.000000000e-01, v3  }
0x242: {  	v4 =	vsub.s32 $0x5F3759DF, v4  }
0x243: {  	v6 =	vmul.f32 v4, v5;
	_ =	sdelay $0x1  }
0x244: {  	v6 =	vmul.f32 v4, v6;
	_ =	sdelay $0x1  }
0x245: {  	v6 =	vsub.f32 $1.500000000e+00, v6;
	_ =	sdelay $0x1  }
0x246: {  	v4 =	vmul.f32 v4, v6;
	_ =	sdelay $0x1  }
0x247: {  	v5 =	vmul.f32 v4, v5;
	_ =	sdelay $0x1  }
0x248: {  	v5 =	vmul.f32 v5, v4;
	_ =	sdelay $0x1  }
0x249: {  	v5 =	vsub.f32 $1.500000000e+00, v5;
	_ =	sdelay $0x1  }
0x24a: {  	v4 =	vmul.f32 v5, v4  }
0x24b: {  	v5 =	vld [tilespmem:$0x1FE00]  }
0x24c: {  	v3 =	vmul.f32 v4, v3;
	v4 =	vld [tilespmem:$0x1FE10]  }
0x24d: {  	s29 =	sadd.s32 $0xFFFFFFF4, s21  }
0x24e: {  	v56 =	vor.u32 s29, v7;
	v6 =	vld [tilespmem:$0x1FE20]  }
0x24f: {  	v13 =	vshll.u32 v56, $0x7;
	v3 =	vadd.f32 $9.999999930e-09, v3  }
0x250: {  	v5 =	vor.u32 v5, v13  }
0x251: {  	v7 =	vsub.s32 $0x7EF311C3, v3;
	v4 =	vor.u32 v4, v13  }
0x252: {  	v8 =	vmul.f32 v7, v3  }
0x253: {  	v6 =	vor.u32 v6, v13  }
0x254: {  	v8 =	vsub.f32 $2.000000000e+00, v8  }
0x255: {  	v5 =	vld.idx.msk [tilespmem:v5+s11+$0x0], $0xffff  }
0x256: {  	v7 =	vmul.f32 v7, v8;
	v4 =	vld.idx.msk [tilespmem:v4+s11+$0x0], $0xffff;
	_ =	sdelay $0x1  }
0x257: {  	v6 =	vld.idx.msk [tilespmem:v6+s11+$0x0], $0xffff;
	v10 =	vmul.f32 v7, v3;
	_ =	sdelay $0x1  }
0x258: {  	v10 =	vsub.f32 $2.000000000e+00, v10  }
0x259: {  	v11 =	vor.u32 v52, v14;
	v8 =	vmul.f32 v5, v5;
	v9 =	vmul.f32 v4, v4  }
0x25a: {  	v61 =	vor.u32 v60, v14;
	v7 =	vmul.f32 v10, v7  }
0x25b: {  	v59 =	vmul.f32 v6, v6;
	v8 =	vadd.f32 v9, v8  }
0x25c: {  	v15 =	vor.u32 v50, v14;
	v3 =	vmul.f32 v7, v3  }
0x25d: {  	v8 =	vadd.f32 v59, v8  }
0x25e: {  	v11 =	vld.idx.msk [tilespmem:v11+s11+$0x0], $0xffff;
	v3 =	vsub.f32 $2.000000000e+00, v3  }
0x25f: {  	v9 =	vld.idx.msk [tilespmem:v61+s11+$0x0], $0xffff;
	v62 =	vshra.s32 v8, $0x1;
	v12 =	vmul.f32 $5.000000000e-01, v8  }
0x260: {  	v3 =	vmul.f32 v3, v7;
	v10 =	vsub.s32 $0x5F3759DF, v62  }
0x261: {  	v7 =	vld.idx.msk [tilespmem:v15+s11+$0x0], $0xffff;
	v17 =	vmul.f32 v10, v12  }
0x262: {  	v43 =	vmul.f32 v3, v0;
	v55 =	vmul.f32 v3, v1  }
0x263: {  	v20 =	vmul.f32 v3, v2;
	v17 =	vmul.f32 v10, v17  }
0x264: {  	v1 =	vmul.f32 v43, v11;
	v2 =	vmul.f32 v55, v9  }
0x265: {  	v63 =	vsub.f32 $1.500000000e+00, v17  }
0x266: {  	v21 =	vld [tilespmem:$0x1FDE0];
	v1 =	vadd.f32 v2, v1;
	v2 =	vmul.f32 v20, v7  }
0x267: {  	v0 =	vmul.f32 v10, v63  }
0x268: {  	v2 =	vadd.f32 v1, v2;
	v1 =	vld [tilespmem:$0x1FE00]  }
0x269: {  	v3 =	vmul.f32 v0, v12  }
0x26a: {  	s23 =	sadd.s32 $0xFFFFFFF6, s21  }
0x26b: {  	v61 =	vor.u32 s23, v21;
	v3 =	vmul.f32 v3, v0  }
0x26c: {  	v63 =	vshll.u32 v61, $0x7  }
0x26d: {  	v23 =	vor.u32 v1, v63;
	v1 =	vsub.f32 $1.500000000e+00, v3;
	_ =	sdelay $0x1  }
0x26e: {  	v0 =	vmul.f32 v1, v0;
	v1 =	vld [tilespmem:$0x1FE20]  }
0x26f: {  	v3 =	vld [tilespmem:$0x1FE10];
	_ =	sdelay $0x1  }
0x270: {  	v24 =	vmul.f32 v2, v43;
	v25 =	vmul.f32 v2, v55  }
0x271: {  	v2 =	vmul.f32 v2, v20  }
0x272: {  	v15 =	vsub.f32 v11, v24;
	v18 =	vor.u32 v1, v63;
	v1 =	vsub.f32 v9, v25  }
0x273: {  	v8 =	vmul.f32 v0, v8;
	v3 =	vor.u32 v3, v63  }
0x274: {  	v19 =	vsub.f32 v7, v2;
	v2 =	vmul.f32 v15, v15;
	v7 =	vmul.f32 v1, v1  }
0x275: {  	v8 =	vadd.f32 $9.999999930e-09, v8  }
0x276: {  	v2 =	vadd.f32 v7, v2;
	v7 =	vmul.f32 v19, v19  }
0x277: {  	v0 =	vld.idx.msk [tilespmem:v23+s11+$0x0], $0xffff;
	v26 =	vsub.s32 $0x7EF311C3, v8  }
0x278: {  	v3 =	vld.idx.msk [tilespmem:v3+s11+$0x0], $0xffff;
	v2 =	vadd.f32 v2, v7;
	v7 =	vmul.f32 v26, v8;
	_ =	sdelay $0x1  }
0x279: {  	v9 =	vld.idx.msk [tilespmem:v18+s11+$0x0], $0xffff;
	v7 =	vsub.f32 $2.000000000e+00, v7;
	_ =	sdelay $0x1  }
0x27a: {  	v7 =	vmul.f32 v26, v7  }
0x27b: {  	v27 =	vmul.f32 v0, v0;
	v28 =	vmul.f32 v3, v3  }
0x27c: {  	v34 =	vmul.f32 v7, v8  }
0x27d: {  	v11 =	vadd.f32 v28, v27;
	v31 =	vmul.f32 v9, v9  }
0x27e: {  	v29 =	vshra.s32 v2, $0x1;
	v30 =	vmul.f32 $5.000000000e-01, v2;
	v12 =	vsub.f32 $2.000000000e+00, v34  }
0x27f: {  	v17 =	vsub.s32 $0x5F3759DF, v29;
	v32 =	vadd.f32 v31, v11  }
0x280: {  	v21 =	vmul.f32 v17, v30;
	v7 =	vmul.f32 v12, v7  }
0x281: {  	v35 =	vshra.s32 v32, $0x1;
	v23 =	vmul.f32 $5.000000000e-01, v32  }
0x282: {  	v33 =	vmul.f32 v17, v21;
	v21 =	vsub.s32 $0x5F3759DF, v35;
	v8 =	vmul.f32 v7, v8  }
0x283: {  	v24 =	vmul.f32 v21, v23  }
0x284: {  	v8 =	vsub.f32 $2.000000000e+00, v8  }
0x285: {  	v24 =	vmul.f32 v21, v24  }
0x286: {  	v37 =	vor.u32 v60, v13;
	v11 =	vsub.f32 $1.500000000e+00, v33;
	v7 =	vmul.f32 v8, v7;
	v8 =	vld [tilespmem:$0x1FDE0]  }
0x287: {  	v24 =	vsub.f32 $1.500000000e+00, v24  }
0x288: {  	v17 =	vmul.f32 v17, v11  }
0x289: {  	v36 =	vor.u32 v52, v13;
	v21 =	vmul.f32 v21, v24  }
0x28a: {  	s24 =	sadd.s32 $0xFFFFFFF8, s21;
	v18 =	vmul.f32 v17, v30  }
0x28b: {  	v38 =	vld.idx.msk [tilespmem:v37+s11+$0x0], $0xffff;
	v25 =	vor.u32 v50, v13;
	v45 =	vor.u32 s24, v8;
	v8 =	vmul.f32 v21, v23  }
0x28c: {  	v18 =	vmul.f32 v18, v17;
	v42 =	vmul.f32 v7, v5;
	v5 =	vld [tilespmem:$0x1FE00]  }
0x28d: {  	v41 =	vmul.f32 v7, v4;
	v4 =	vmul.f32 v8, v21;
	v8 =	vld [tilespmem:$0x1FE10]  }
0x28e: {  	v27 =	vld.idx.msk [tilespmem:v36+s11+$0x0], $0xffff  }
0x28f: {  	v51 =	vld [tilespmem:$0x1FE20];
	v18 =	vsub.f32 $1.500000000e+00, v18  }
0x290: {  	v49 =	vld.idx.msk [tilespmem:v25+s11+$0x0], $0xffff;
	v59 =	vshll.u32 v45, $0x7  }
0x291: {  	v46 =	vmul.f32 v18, v17;
	v5 =	vor.u32 v5, v59  }
0x292: {  	v26 =	vmul.f32 v7, v6;
	v4 =	vsub.f32 $1.500000000e+00, v4;
	v8 =	vor.u32 v8, v59  }
0x293: {  	v6 =	vmul.f32 v42, v27;
	v7 =	vmul.f32 v41, v38  }
0x294: {  	v54 =	vor.u32 v51, v59;
	v4 =	vmul.f32 v4, v21  }
0x295: {  	v2 =	vmul.f32 v46, v2;
	v6 =	vadd.f32 v7, v6;
	v7 =	vmul.f32 v26, v49  }
0x296: {  	v25 =	vld.idx.msk [tilespmem:v5+s11+$0x0], $0xffff;
	v4 =	vmul.f32 v4, v32  }
0x297: {  	v2 =	vadd.f32 $9.999999930e-09, v2;
	v5 =	vadd.f32 v6, v7;
	v28 =	vld.idx.msk [tilespmem:v8+s11+$0x0], $0xffff  }
0x298: {  	v4 =	vadd.f32 $9.999999930e-09, v4  }
0x299: {  	v6 =	vsub.s32 $0x7EF311C3, v2;
	v29 =	vld.idx.msk [tilespmem:v54+s11+$0x0], $0xffff;
	v8 =	vmul.f32 v5, v42  }
0x29a: {  	v7 =	vmul.f32 v6, v2;
	v57 =	vmul.f32 v5, v41;
	v62 =	vsub.s32 $0x7EF311C3, v4  }
0x29b: {  	v5 =	vmul.f32 v5, v26;
	v12 =	vsub.f32 v27, v8;
	v8 =	vmul.f32 v62, v4  }
0x29c: {  	v7 =	vsub.f32 $2.000000000e+00, v7;
	v16 =	vmul.f32 v25, v25;
	v30 =	vmul.f32 v28, v28  }
0x29d: {  	v23 =	vsub.f32 v38, v57;
	v8 =	vsub.f32 $2.000000000e+00, v8  }
0x29e: {  	v33 =	vmul.f32 v29, v29;
	v27 =	vsub.f32 v49, v5;
	v5 =	vadd.f32 v30, v16  }
0x29f: {  	v8 =	vmul.f32 v62, v8  }
0x2a0: {  	v6 =	vmul.f32 v6, v7;
	v35 =	vmul.f32 v23, v23;
	v5 =	vadd.f32 v33, v5  }
0x2a1: {  	v34 =	vmul.f32 v12, v12;
	v39 =	vmul.f32 v8, v4  }
0x2a2: {  	v37 =	vmul.f32 v27, v27;
	v7 =	vshra.s32 v5, $0x1;
	v38 =	vmul.f32 $5.000000000e-01, v5  }
0x2a3: {  	v36 =	vadd.f32 v35, v34;
	v17 =	vsub.f32 $2.000000000e+00, v39;
	v7 =	vsub.s32 $0x5F3759DF, v7  }
0x2a4: {  	v44 =	vmul.f32 v7, v38  }
0x2a5: {  	v32 =	vor.u32 v52, v63;
	v10 =	vadd.f32 v36, v37;
	v8 =	vmul.f32 v17, v8  }
0x2a6: {  	v33 =	vor.u32 v60, v63;
	v21 =	vmul.f32 v7, v44  }
0x2a7: {  	v46 =	vshra.s32 v10, $0x1;
	v31 =	vmul.f32 $5.000000000e-01, v10;
	v4 =	vmul.f32 v8, v4  }
0x2a8: {  	v34 =	vor.u32 v50, v63;
	v30 =	vsub.s32 $0x5F3759DF, v46;
	v21 =	vsub.f32 $1.500000000e+00, v21  }
0x2a9: {  	[tilespmem:$0x1FC50] =	vst v45;
	v45 =	vmul.f32 v6, v2;
	v49 =	vmul.f32 v30, v31;
	v4 =	vsub.f32 $2.000000000e+00, v4  }
0x2aa: {  	v51 =	vld.idx.msk [tilespmem:v32+s11+$0x0], $0xffff;
	v7 =	vmul.f32 v7, v21  }
0x2ab: {  	v24 =	vsub.f32 $2.000000000e+00, v45;
	v17 =	vmul.f32 v30, v49;
	v54 =	vld.idx.msk [tilespmem:v33+s11+$0x0], $0xffff;
	v4 =	vmul.f32 v4, v8  }
0x2ac: {  	v18 =	vmul.f32 v7, v38  }
0x2ad: {  	v6 =	vmul.f32 v24, v6;
	v62 =	vld.idx.msk [tilespmem:v34+s11+$0x0], $0xffff;
	v17 =	vsub.f32 $1.500000000e+00, v17;
	v21 =	vmul.f32 v4, v0  }
0x2ae: {  	v11 =	vmul.f32 v18, v7;
	v18 =	vmul.f32 v4, v3  }
0x2af: {  	v8 =	vmul.f32 v30, v17;
	v17 =	vmul.f32 v4, v9  }
0x2b0: {  	v4 =	vmul.f32 v21, v51;
	v3 =	vsub.f32 $1.500000000e+00, v11;
	v36 =	vmul.f32 v18, v54  }
0x2b1: {  	v2 =	vmul.f32 v6, v2  }
0x2b2: {  	v3 =	vmul.f32 v3, v7;
	v4 =	vadd.f32 v36, v4;
	v7 =	vmul.f32 v17, v62  }
0x2b3: {  	s25 =	sadd.s32 $0xFFFFFFFA, s21;
	v2 =	vsub.f32 $2.000000000e+00, v2  }
0x2b4: {  	v37 =	vmov s25;
	v0 =	vmul.f32 v8, v31;
	v4 =	vadd.f32 v4, v7  }
0x2b5: {  	v2 =	vmul.f32 v2, v6;
	v3 =	vmul.f32 v3, v5;
	v5 =	vshll.u32 v37, $0x7  }
0x2b6: {  	v38 =	vld [tilespmem:$0x1FE10];
	v0 =	vmul.f32 v0, v8;
	v57 =	vor.u32 v47, v5;
	v5 =	vmul.f32 v4, v21  }
0x2b7: {  	v7 =	vld [tilespmem:$0x1FE00];
	v6 =	vmul.f32 v4, v18;
	v4 =	vmul.f32 v4, v17  }
0x2b8: {  	v0 =	vsub.f32 $1.500000000e+00, v0  }
0x2b9: {  	v3 =	vadd.f32 $9.999999930e-09, v3;
	v44 =	vsub.f32 v62, v4;
	v4 =	vld [tilespmem:$0x1FE20]  }
0x2ba: {  	v0 =	vmul.f32 v0, v8  }
0x2bb: {  	v9 =	vor.u32 v38, v57;
	v8 =	vsub.s32 $0x7EF311C3, v3;
	v34 =	vsub.f32 v51, v5  }
0x2bc: {  	v24 =	vsub.f32 v54, v6;
	v7 =	vor.u32 v7, v57;
	v5 =	vmul.f32 v8, v3  }
0x2bd: {  	v0 =	vmul.f32 v0, v10;
	v6 =	vmul.f32 v34, v34  }
0x2be: {  	v39 =	vmul.f32 v24, v24;
	v5 =	vsub.f32 $2.000000000e+00, v5;
	v4 =	vor.u32 v4, v57  }
0x2bf: {  	v50 =	vmul.f32 v2, v15;
	v31 =	vadd.f32 $9.999999930e-09, v0  }
0x2c0: {  	v38 =	vld.idx.msk [tilespmem:v9+s11+$0x0], $0xffff;
	v0 =	vadd.f32 v39, v6;
	v6 =	vmul.f32 v44, v44;
	v5 =	vmul.f32 v8, v5  }
0x2c1: {  	v45 =	vmul.f32 v2, v19;
	v49 =	vld.idx.msk [tilespmem:v7+s11+$0x0], $0xffff  }
0x2c2: {  	[tilespmem:$0x1FC60] =	vst v37;
	v35 =	vmul.f32 v50, v20;
	v6 =	vadd.f32 v0, v6;
	v0 =	vmul.f32 v5, v3  }
0x2c3: {  	v11 =	vmul.f32 v2, v1;
	v37 =	vor.u32 v48, v14;
	v47 =	vor.u32 v52, v59;
	v51 =	vld.idx.msk [tilespmem:v4+s11+$0x0], $0xffff  }
0x2c4: {  	v1 =	vld [tilespmem:$0x1FE50];
	v54 =	vor.u32 v60, v59;
	v7 =	vsub.s32 $0x7EF311C3, v31;
	v0 =	vsub.f32 $2.000000000e+00, v0  }
0x2c5: {  	v46 =	vshra.s32 v6, $0x1;
	v10 =	vmul.f32 $5.000000000e-01, v6;
	v52 =	vmul.f32 v38, v38  }
0x2c6: {  	v9 =	vsub.s32 $0x5F3759DF, v46;
	v48 =	vmul.f32 v49, v49;
	v0 =	vmul.f32 v0, v5  }
0x2c7: {  	v8 =	vmul.f32 v7, v31;
	v5 =	vmul.f32 v9, v10  }
0x2c8: {  	v19 =	vadd.f32 v52, v48;
	v3 =	vmul.f32 v0, v3;
	v60 =	vmul.f32 v51, v51  }
0x2c9: {  	v62 =	vor.u32 v1, v59;
	v8 =	vsub.f32 $2.000000000e+00, v8;
	v5 =	vmul.f32 v9, v5  }
0x2ca: {  	v2 =	vmul.f32 v45, v55;
	v3 =	vsub.f32 $2.000000000e+00, v3;
	v36 =	vadd.f32 v60, v19  }
0x2cb: {  	v46 =	vld.idx.msk [tilespmem:v54+s11+$0x0], $0xffff;
	v4 =	vmul.f32 v11, v20;
	v7 =	vmul.f32 v7, v8;
	v5 =	vsub.f32 $1.500000000e+00, v5  }
0x2cc: {  	v8 =	vld.idx.msk [tilespmem:v47+s11+$0x0], $0xffff;
	v3 =	vmul.f32 v3, v0;
	v48 =	vshra.s32 v36, $0x1;
	v52 =	vmul.f32 $5.000000000e-01, v36  }
0x2cd: {  	v54 =	vmul.f32 v7, v31;
	v5 =	vmul.f32 v9, v5;
	v60 =	vsub.s32 $0x5F3759DF, v48  }
0x2ce: {  	v16 =	vor.u32 v40, v14;
	v9 =	vld.idx.msk [tilespmem:v62+s11+$0x0], $0xffff;
	v19 =	vmul.f32 v3, v25;
	v62 =	vmul.f32 v60, v52  }
0x2cf: {  	v40 =	vor.u32 v53, v14;
	v15 =	vmul.f32 v3, v28;
	v14 =	vmul.f32 v3, v29  }
0x2d0: {  	v30 =	vsub.f32 v2, v4;
	v10 =	vmul.f32 v5, v10;
	v2 =	vmul.f32 v60, v62  }
0x2d1: {  	v3 =	vsub.f32 $2.000000000e+00, v54;
	v4 =	vmul.f32 v19, v8;
	v33 =	vmul.f32 v15, v46  }
0x2d2: {  	v39 =	vmul.f32 v45, v43;
	v10 =	vmul.f32 v10, v5;
	v2 =	vsub.f32 $1.500000000e+00, v2  }
0x2d3: {  	v3 =	vmul.f32 v3, v7;
	v7 =	vmul.f32 v14, v9;
	v4 =	vadd.f32 v33, v4  }
0x2d4: {  	v32 =	vsub.f32 v35, v39;
	v10 =	vsub.f32 $1.500000000e+00, v10;
	v2 =	vmul.f32 v60, v2  }
0x2d5: {  	v0 =	vld [tilespmem:$0x1FEA0];
	v28 =	vmul.f32 v11, v43;
	v4 =	vadd.f32 v4, v7;
	v7 =	vmul.f32 v3, v31  }
0x2d6: {  	v35 =	vshll.u32 v22, $0x3;
	v5 =	vmul.f32 v10, v5;
	v39 =	vmul.f32 v2, v52  }
0x2d7: {  	v22 =	vand.u32 $0x70, v22;
	v53 =	vmul.f32 v4, v19;
	v54 =	vmul.f32 v4, v15  }
0x2d8: {  	v47 =	vand.u32 $0x400, v35;
	v4 =	vmul.f32 v4, v14;
	v60 =	vmul.f32 v39, v2  }
0x2d9: {  	v62 =	vor.u32 v47, v22;
	v7 =	vsub.f32 $2.000000000e+00, v7;
	v5 =	vmul.f32 v5, v6  }
0x2da: {  	v25 =	vsub.f32 v9, v4;
	v9 =	vor.u32 v0, v62;
	v0 =	vld [tilespmem:$0x1FCC0];
	v6 =	vsub.f32 $1.500000000e+00, v60  }
0x2db: {  	v29 =	vmul.f32 v50, v55;
	v48 =	vsub.f32 v8, v53;
	v52 =	vsub.f32 v46, v54  }
0x2dc: {  	v3 =	vmul.f32 v7, v3;
	v2 =	vmul.f32 v6, v2  }
0x2dd: {  	v5 =	vadd.f32 $9.999999930e-09, v5;
	v4 =	vmul.f32 v48, v48;
	v8 =	vmul.f32 v52, v52  }
0x2de: {  	v54 =	vor.u32 v58, v62;
	v39 =	vsub.f32 v28, v29;
	v2 =	vmul.f32 v2, v36  }
0x2df: {  	v4 =	vadd.f32 v8, v4;
	v58 =	vor.u32 v0, v54;
	v0 =	vld [tilespmem:$0x1FDE0];
	v6 =	vmul.f32 v25, v25  }
0x2e0: {  	v29 =	vmul.f32 v3, v27;
	v33 =	vmul.f32 v3, v23;
	v2 =	vadd.f32 $9.999999930e-09, v2  }
0x2e1: {  	v7 =	vsub.s32 $0x7EF311C3, v5;
	v4 =	vadd.f32 v4, v6  }
0x2e2: {  	v8 =	vmul.f32 v29, v41;
	v62 =	vmul.f32 v33, v26;
	v47 =	vsub.s32 $0x7EF311C3, v2  }
0x2e3: {  	s30 =	sadd.s32 $0xFFFFFFFC, s21;
	v6 =	vmul.f32 v7, v5;
	v36 =	vshra.s32 v4, $0x1;
	v60 =	vmul.f32 v47, v2  }
0x2e4: {  	v46 =	vmul.f32 $5.000000000e-01, v4;
	v0 =	vor.u32 s30, v0;
	v10 =	vsub.s32 $0x5F3759DF, v36  }
0x2e5: {  	[tilespmem:$0x1FC70] =	vst v0;
	v28 =	vsub.f32 $2.000000000e+00, v60;
	v60 =	vsub.f32 v8, v62;
	v62 =	vshll.u32 v0, $0x7;
	v0 =	vld [tilespmem:$0x1FE00]  }
0x2e6: {  	v53 =	vmul.f32 v10, v46  }
0x2e7: {  	v6 =	vsub.f32 $2.000000000e+00, v6  }
0x2e8: {  	v27 =	vmul.f32 v10, v53  }
0x2e9: {  	v6 =	vmul.f32 v7, v6  }
0x2ea: {  	v8 =	vsub.f32 $1.500000000e+00, v27;
	v27 =	vor.u32 v0, v62;
	v0 =	vld [tilespmem:$0x1FE10]  }
0x2eb: {  	v36 =	vmul.f32 v3, v12;
	v3 =	vmul.f32 v6, v5;
	_ =	sdelay $0x1  }
0x2ec: {  	v3 =	vsub.f32 $2.000000000e+00, v3;
	_ =	sdelay $0x1  }
0x2ed: {  	v3 =	vmul.f32 v3, v6;
	v6 =	vor.u32 v0, v62;
	v0 =	vld [tilespmem:$0x1FE30];
	_ =	sdelay $0x1  }
0x2ee: {  	v12 =	vmul.f32 v47, v28  }
0x2ef: {  	v1 =	vld [tilespmem:$0x1FCD0];
	v8 =	vmul.f32 v10, v8  }
0x2f0: {  	v35 =	vmul.f32 v12, v2  }
0x2f1: {  	v22 =	vmul.f32 v8, v46;
	v46 =	vor.u32 v0, v57;
	v0 =	vld [tilespmem:$0x1FE20]  }
0x2f2: {  	v10 =	vsub.f32 $2.000000000e+00, v35  }
0x2f3: {  	v23 =	vmul.f32 v36, v26  }
0x2f4: {  	v53 =	vmul.f32 v29, v42;
	v10 =	vmul.f32 v10, v12;
	v12 =	vor.u32 v1, v54;
	v1 =	vld [tilespmem:$0x1FE50];
	_ =	sdelay $0x1  }
0x2f5: {  	v31 =	vsub.f32 v23, v53;
	v23 =	vor.u32 v0, v62;
	v0 =	vld [tilespmem:$0x1FE40]  }
0x2f6: {  	v53 =	vmul.f32 v36, v41;
	v47 =	vmul.f32 v33, v42  }
0x2f7: {  	v22 =	vmul.f32 v22, v8  }
0x2f8: {  	v28 =	vsub.f32 v47, v53;
	v5 =	vmul.f32 v3, v5;
	v53 =	vor.u32 v1, v57;
	v1 =	vld [tilespmem:$0x1FCE0]  }
0x2f9: {  	v22 =	vsub.f32 $1.500000000e+00, v22;
	v6 =	vld.idx.msk [tilespmem:v6+s11+$0x0], $0xffff  }
0x2fa: {  	v35 =	vor.u32 v0, v57;
	v0 =	vsub.f32 $2.000000000e+00, v5;
	v5 =	vld.idx.msk [tilespmem:v27+s11+$0x0], $0xffff;
	v27 =	vmul.f32 v10, v2  }
0x2fb: {  	v7 =	vmov s29  }
0x2fc: {  	v8 =	vmul.f32 v22, v8;
	v0 =	vmul.f32 v0, v3;
	v22 =	vsub.f32 $2.000000000e+00, v27;
	v27 =	vld.idx.msk [tilespmem:v23+s11+$0x0], $0xffff  }
0x2fd: {  	v3 =	vld.idx.msk [tilespmem:v46+s11+$0x0], $0xffff;
	v46 =	vshll.u32 v7, $0x3;
	v23 =	vor.u32 v1, v54  }
0x2fe: {  	v1 =	vand.u32 $0x400, v46;
	v47 =	vmul.f32 v0, v34;
	v46 =	vmul.f32 v0, v44  }
0x2ff: {  	v44 =	vmul.f32 v6, v6;
	v34 =	vld.idx.msk [tilespmem:v35+s11+$0x0], $0xffff;
	v35 =	vmul.f32 v5, v5  }
0x300: {  	v4 =	vmul.f32 v8, v4;
	v7 =	vand.u32 $0x70, v7  }
0x301: {  	v2 =	vld [tilespmem:$0x1FCF0];
	v10 =	vmul.f32 v22, v10;
	v8 =	vadd.f32 v44, v35;
	v35 =	vmul.f32 v27, v27  }
0x302: {  	v1 =	vor.u32 v1, v7  }
0x303: {  	v7 =	vmul.f32 v10, v49;
	v49 =	vmul.f32 v0, v24;
	v0 =	vadd.f32 v35, v8;
	_ =	sdelay $0x1  }
0x304: {  	v24 =	vmul.f32 v10, v51;
	v35 =	vld.idx.msk [tilespmem:v40+s11+$0x0], $0xffff;
	v51 =	vshra.s32 v0, $0x1  }
0x305: {  	v40 =	vsub.s32 $0x5F3759DF, v51;
	v51 =	vor.u32 v2, v54;
	v2 =	vld [tilespmem:$0x1FD00];
	_ =	sdelay $0x2  }
0x306: {  	v37 =	vld.idx.msk [tilespmem:v37+s11+$0x0], $0xffff  }
0x307: {  	v8 =	vld.idx.msk [tilespmem:v16+s11+$0x0], $0xffff;
	[tilespmem:v9+s17+$0x0] =	vst.idx.msk $0xffff, v43  }
0x308: {  	[tilespmem:v58+s17+$0x0] =	vst.idx.msk $0xffff, v55;
	v55 =	vor.u32 v2, v54;
	v2 =	vld [tilespmem:$0x1FD10];
	_ =	sdelay $0x4  }
0x309: {  	[tilespmem:v12+s17+$0x0] =	vst.idx.msk $0xffff, v20;
	v20 =	vor.u32 v2, v54;
	v2 =	vld [tilespmem:$0x1FD20];
	_ =	sdelay $0x3  }
0x30a: {  	v53 =	vld.idx.msk [tilespmem:v53+s11+$0x0], $0xffff  }
0x30b: {  	v22 =	vmul.f32 v10, v38;
	[tilespmem:v23+s17+$0x0] =	vst.idx.msk $0xffff, v37;
	v23 =	vor.u32 v2, v54;
	v2 =	vld [tilespmem:$0x1FD30]  }
0x30c: {  	v56 =	vand.u32 $0x3, v56  }
0x30d: {  	v1 =	vor.u32 v56, v1;
	v38 =	vmul.f32 v7, v3;
	v56 =	vmul.f32 v22, v34;
	_ =	sdelay $0x1  }
0x30e: {  	v16 =	vadd.f32 v56, v38;
	v38 =	vmul.f32 v24, v53;
	v56 =	vmul.f32 $5.000000000e-01, v0  }
0x30f: {  	v37 =	vor.u32 v2, v54;
	v2 =	vld [tilespmem:$0x1FD40]  }
0x310: {  	v16 =	vadd.f32 v16, v38;
	v44 =	vmul.f32 v40, v56;
	_ =	sdelay $0x1  }
0x311: {  	v4 =	vadd.f32 $9.999999930e-09, v4;
	v12 =	vmul.f32 v40, v44;
	v44 =	vmul.f32 v16, v22  }
0x312: {  	v10 =	vmul.f32 v46, v18  }
0x313: {  	v43 =	vsub.s32 $0x7EF311C3, v4;
	v44 =	vsub.f32 v34, v44;
	v34 =	vor.u32 v2, v54;
	v2 =	vld [tilespmem:$0x1FD50]  }
0x314: {  	v9 =	vmul.f32 v49, v17;
	v38 =	vmul.f32 v43, v4;
	_ =	sdelay $0x1  }
0x315: {  	v9 =	vsub.f32 v10, v9;
	v10 =	vsub.f32 $2.000000000e+00, v38;
	v38 =	vmul.f32 v16, v7;
	_ =	sdelay $0x1  }
0x316: {  	v10 =	vmul.f32 v43, v10;
	v43 =	vsub.f32 v3, v38;
	v38 =	vor.u32 v2, v54;
	v2 =	vld [tilespmem:$0x1FE90];
	_ =	sdelay $0x4  }
0x317: {  	v3 =	vor.u32 v2, v1;
	v2 =	vld [tilespmem:$0x1FE70];
	_ =	sdelay $0x2  }
0x318: {  	v12 =	vsub.f32 $1.500000000e+00, v12;
	_ =	sdelay $0x1  }
0x319: {  	[tilespmem:v51+s17+$0x0] =	vst.idx.msk $0xffff, v50;
	v12 =	vmul.f32 v40, v12;
	v40 =	vor.u32 v2, v13;
	v2 =	vld [tilespmem:$0x1FE80]  }
0x31a: {  	[tilespmem:v55+s17+$0x0] =	vst.idx.msk $0xffff, v11  }
0x31b: {  	[tilespmem:v20+s17+$0x0] =	vst.idx.msk $0xffff, v45  }
0x31c: {  	[tilespmem:v23+s17+$0x0] =	vst.idx.msk $0xffff, v8  }
0x31d: {  	[tilespmem:v37+s17+$0x0] =	vst.idx.msk $0xffff, v30;
	v30 =	vmul.f32 v47, v17;
	v1 =	vld [tilespmem:$0x1FE60]  }
0x31e: {  	[tilespmem:v34+s17+$0x0] =	vst.idx.msk $0xffff, v32;
	v32 =	vmul.f32 v46, v21;
	v50 =	vor.u32 v2, v13;
	v2 =	vld [tilespmem:$0x1FD60]  }
0x31f: {  	[tilespmem:v38+s17+$0x0] =	vst.idx.msk $0xffff, v39;
	v38 =	vmul.f32 v43, v43;
	v39 =	vmul.f32 v44, v44  }
0x320: {  	v11 =	vmul.f32 v16, v24  }
0x321: {  	v34 =	vsub.f32 v30, v32;
	v32 =	vadd.f32 v39, v38;
	v39 =	vld [tilespmem:$0x1FDE0]  }
0x322: {  	v45 =	vsub.f32 v53, v11;
	v53 =	vmul.f32 v10, v4  }
0x323: {  	v16 =	vmul.f32 v12, v56;
	v1 =	vor.u32 v1, v13;
	v13 =	vor.u32 v2, v54  }
0x324: {  	v30 =	vsub.f32 $2.000000000e+00, v53  }
0x325: {  	s31 =	sadd.s32 $0xFFFFFFFE, s21;
	v16 =	vmul.f32 v16, v12;
	v38 =	vld [tilespmem:$0x1FE60]  }
0x326: {  	v53 =	vmul.f32 v45, v45;
	v30 =	vmul.f32 v30, v10;
	v10 =	vor.u32 s31, v39;
	v39 =	vld.idx.msk [tilespmem:v40+s11+$0x0], $0xffff  }
0x327: {  	v16 =	vsub.f32 $1.500000000e+00, v16;
	v40 =	vld [tilespmem:$0x1FE70]  }
0x328: {  	[tilespmem:v13+s17+$0x0] =	vst.idx.msk $0xffff, v35;
	v35 =	vadd.f32 v32, v53;
	v53 =	vld [tilespmem:$0x1FE80]  }
0x329: {  	v12 =	vmul.f32 v16, v12;
	_ =	sdelay $0x1  }
0x32a: {  	v0 =	vmul.f32 v12, v0;
	v12 =	vld.idx.msk [tilespmem:v50+s11+$0x0], $0xffff  }
0x32b: {  	v51 =	vor.u32 $0x800, v3;
	v50 =	vld [tilespmem:$0x1FE00]  }
0x32c: {  	v38 =	vor.u32 v38, v63;
	v40 =	vor.u32 v40, v63;
	v53 =	vor.u32 v53, v63;
	v63 =	vld [tilespmem:$0x1FE10]  }
0x32d: {  	v55 =	vor.u32 $0x1000, v3;
	_ =	sdelay $0x2  }
0x32e: {  	v16 =	vshll.u32 v10, $0x7;
	v1 =	vld.idx.msk [tilespmem:v1+s11+$0x0], $0xffff;
	v2 =	vor.u32 $0x1800, v3;
	[tilespmem:v3+s17+$0x0] =	vst.idx.msk $0xffff, v42  }
0x32f: {  	[tilespmem:v51+s17+$0x0] =	vst.idx.msk $0xffff, v41;
	v32 =	vor.u32 v50, v16;
	v50 =	vor.u32 v63, v16;
	v63 =	vshra.s32 v35, $0x1  }
0x330: {  	v4 =	vmul.f32 v30, v4;
	[tilespmem:v55+s17+$0x0] =	vst.idx.msk $0xffff, v26;
	v26 =	vsub.s32 $0x5F3759DF, v63;
	v63 =	vld [tilespmem:$0x1FE20]  }
0x331: {  	v20 =	vor.u32 $0x2000, v3  }
0x332: {  	v4 =	vsub.f32 $2.000000000e+00, v4;
	v51 =	vmul.f32 $5.000000000e-01, v35  }
0x333: {  	v58 =	vmov s23;
	v0 =	vadd.f32 $9.999999930e-09, v0;
	v56 =	vor.u32 $0x2800, v3  }
0x334: {  	v8 =	vor.u32 $0x3000, v3;
	[tilespmem:v2+s17+$0x0] =	vst.idx.msk $0xffff, v1;
	v1 =	vmul.f32 v4, v30;
	v4 =	vmul.f32 v26, v51  }
0x335: {  	v11 =	vor.u32 $0x3800, v3;
	v23 =	vor.u32 $0x4000, v3;
	v55 =	vor.u32 v63, v16  }
0x336: {  	v37 =	vor.u32 $0x4800, v3;
	v2 =	vshll.u32 v58, $0x3;
	[tilespmem:v20+s17+$0x0] =	vst.idx.msk $0xffff, v36;
	v4 =	vmul.f32 v26, v4  }
0x337: {  	v20 =	vmul.f32 v49, v21;
	v30 =	vld.idx.msk [tilespmem:v32+s11+$0x0], $0xffff;
	v63 =	vand.u32 $0x70, v58;
	v58 =	vmul.f32 v47, v18  }
0x338: {  	v2 =	vand.u32 $0x400, v2;
	v52 =	vmul.f32 v1, v52;
	v32 =	vld.idx.msk [tilespmem:v50+s11+$0x0], $0xffff;
	v4 =	vsub.f32 $1.500000000e+00, v4  }
0x339: {  	[tilespmem:v56+s17+$0x0] =	vst.idx.msk $0xffff, v33;
	v2 =	vor.u32 v2, v63;
	v63 =	vsub.s32 $0x7EF311C3, v0;
	v36 =	vsub.f32 v20, v58;
	v58 =	vld [tilespmem:$0x1FED0]  }
0x33a: {  	v56 =	vand.u32 $0x5, v61;
	v50 =	vmul.f32 v1, v25;
	v25 =	vmul.f32 v63, v0;
	v33 =	vld.idx.msk [tilespmem:v55+s11+$0x0], $0xffff  }
0x33b: {  	v42 =	vor.u32 $0x5000, v3;
	[tilespmem:v8+s17+$0x0] =	vst.idx.msk $0xffff, v29;
	v61 =	vor.u32 v56, v2;
	v4 =	vmul.f32 v26, v4  }
0x33c: {  	[tilespmem:v11+s17+$0x0] =	vst.idx.msk $0xffff, v39;
	v2 =	vmul.f32 v50, v15;
	v20 =	vmul.f32 v30, v30;
	v8 =	vsub.f32 $2.000000000e+00, v25  }
0x33d: {  	[tilespmem:v23+s17+$0x0] =	vst.idx.msk $0xffff, v60;
	v29 =	vmul.f32 v32, v32;
	v51 =	vmul.f32 v4, v51  }
0x33e: {  	[tilespmem:v37+s17+$0x0] =	vst.idx.msk $0xffff, v31;
	v26 =	vld [tilespmem:$0x1FE90];
	v8 =	vmul.f32 v63, v8;
	v63 =	vmul.f32 v52, v14  }
0x33f: {  	v37 =	vld [tilespmem:$0x1FE30];
	v20 =	vadd.f32 v29, v20;
	v56 =	vor.u32 v58, v61;
	v58 =	vmul.f32 v33, v33  }
0x340: {  	[tilespmem:v42+s17+$0x0] =	vst.idx.msk $0xffff, v28;
	v29 =	vmul.f32 v1, v48;
	v1 =	vmul.f32 v8, v0  }
0x341: {  	v42 =	vld [tilespmem:$0x1FE40];
	v48 =	vsub.f32 v2, v63;
	v63 =	vmul.f32 v51, v4;
	v51 =	vadd.f32 v58, v20  }
0x342: {  	v25 =	vmul.f32 v50, v19;
	v1 =	vsub.f32 $2.000000000e+00, v1  }
0x343: {  	v55 =	vor.u32 v26, v61;
	v20 =	vshra.s32 v51, $0x1;
	v39 =	vmul.f32 $5.000000000e-01, v51  }
0x344: {  	v26 =	vor.u32 v37, v62;
	v37 =	vld [tilespmem:$0x1FDE0];
	v1 =	vmul.f32 v1, v8;
	v8 =	vsub.s32 $0x5F3759DF, v20  }
0x345: {  	v11 =	vmul.f32 v29, v14;
	v58 =	vmul.f32 v8, v39  }
0x346: {  	v60 =	vld [tilespmem:$0x1FE10];
	v28 =	vor.u32 v42, v62  }
0x347: {  	v25 =	vsub.f32 v11, v25;
	v11 =	vmul.f32 v8, v58;
	v58 =	vld [tilespmem:$0x1FE00];
	_ =	sdelay $0x1  }
0x348: {  	v23 =	vsub.f32 $1.500000000e+00, v63;
	v63 =	vor.u32 s21, v37;
	v0 =	vmul.f32 v1, v0  }
0x349: {  	v41 =	vor.u32 $0x5800, v3;
	v42 =	vld [tilespmem:$0x1FE50];
	v20 =	vshll.u32 v63, $0x7  }
0x34a: {  	v4 =	vmul.f32 v23, v4;
	v0 =	vsub.f32 $2.000000000e+00, v0;
	v23 =	vor.u32 v60, v20;
	v60 =	vld.idx.msk [tilespmem:v28+s11+$0x0], $0xffff  }
0x34b: {  	v28 =	vld [tilespmem:$0x1FEF0];
	v31 =	vor.u32 v58, v20  }
0x34c: {  	v0 =	vmul.f32 v0, v1;
	v1 =	vld [tilespmem:$0x1FE20]  }
0x34d: {  	v2 =	vld [tilespmem:$0x1FEE0]  }
0x34e: {  	v37 =	vld.idx.msk [tilespmem:v38+s11+$0x0], $0xffff  }
0x34f: {  	[tilespmem:v41+s17+$0x0] =	vst.idx.msk $0xffff, v12;
	v38 =	vld.idx.msk [tilespmem:v40+s11+$0x0], $0xffff  }
0x350: {  	v12 =	vor.u32 v42, v62;
	v4 =	vmul.f32 v4, v35;
	v35 =	vor.u32 v28, v61;
	v28 =	vld.idx.msk [tilespmem:v31+s11+$0x0], $0xffff  }
0x351: {  	v1 =	vor.u32 v1, v20;
	v31 =	vld [tilespmem:$0x1FF20]  }
0x352: {  	v42 =	vmul.f32 v0, v27;
	v27 =	vld.idx.msk [tilespmem:v23+s11+$0x0], $0xffff  }
0x353: {  	v41 =	vmul.f32 v29, v15;
	v40 =	vmul.f32 v52, v19;
	v58 =	vld.idx.msk [tilespmem:v26+s11+$0x0], $0xffff  }
0x354: {  	v11 =	vsub.f32 $1.500000000e+00, v11  }
0x355: {  	v13 =	vmov s24;
	v12 =	vld.idx.msk [tilespmem:v12+s11+$0x0], $0xffff;
	v2 =	vor.u32 v2, v61;
	v40 =	vsub.f32 v40, v41  }
0x356: {  	v41 =	vmul.f32 v0, v5;
	v11 =	vmul.f32 v8, v11;
	v23 =	vor.u32 v31, v61;
	v31 =	vld.idx.msk [tilespmem:v1+s11+$0x0], $0xffff  }
0x357: {  	v26 =	vmul.f32 v0, v6;
	v6 =	vld.idx.msk [tilespmem:v53+s11+$0x0], $0xffff;
	v53 =	vshll.u32 v13, $0x3;
	[tilespmem:v55+s17+$0x0] =	vst.idx.msk $0xffff, v21;
	v13 =	vand.u32 $0x70, v13  }
0x358: {  	v8 =	vld [tilespmem:$0x1FF00];
	v55 =	vand.u32 $0x400, v53;
	[tilespmem:v56+s17+$0x0] =	vst.idx.msk $0xffff, v18;
	v56 =	vmul.f32 v27, v27;
	v53 =	vmul.f32 v41, v58  }
0x359: {  	v1 =	vor.u32 v55, v13;
	v55 =	vmul.f32 v26, v60;
	v21 =	vmul.f32 v28, v28  }
0x35a: {  	v5 =	vld [tilespmem:$0x1FF10];
	v0 =	vmul.f32 v11, v39;
	v18 =	vmul.f32 v42, v12  }
0x35b: {  	v13 =	vadd.f32 v55, v53;
	v55 =	vadd.f32 v56, v21;
	v56 =	vmul.f32 v31, v31  }
0x35c: {  	v0 =	vmul.f32 v0, v11;
	v53 =	vld [tilespmem:$0x1FF50]  }
0x35d: {  	v8 =	vor.u32 v8, v61;
	v13 =	vadd.f32 v13, v18;
	v18 =	vadd.f32 v56, v55;
	v55 =	vld [tilespmem:$0x1FF60]  }
0x35e: {  	[tilespmem:v2+s17+$0x0] =	vst.idx.msk $0xffff, v17;
	v0 =	vsub.f32 $1.500000000e+00, v0;
	v56 =	vld [tilespmem:$0x1FF70]  }
0x35f: {  	v4 =	vadd.f32 $9.999999930e-09, v4;
	v5 =	vor.u32 v5, v61;
	[tilespmem:v35+s17+$0x0] =	vst.idx.msk $0xffff, v37;
	v37 =	vld [tilespmem:$0x1FE60]  }
0x360: {  	v39 =	vld [tilespmem:$0x1FF30];
	v0 =	vmul.f32 v0, v11  }
0x361: {  	v2 =	vld [tilespmem:$0x1FF40];
	v11 =	vsub.s32 $0x7EF311C3, v4  }
0x362: {  	v0 =	vmul.f32 v0, v51;
	v51 =	vmul.f32 v11, v4;
	[tilespmem:v8+s17+$0x0] =	vst.idx.msk $0xffff, v47  }
0x363: {  	v21 =	vor.u32 v53, v61;
	v53 =	vor.u32 v55, v61;
	v55 =	vor.u32 v56, v61;
	v56 =	vld [tilespmem:$0x1FC50]  }
0x364: {  	v35 =	vor.u32 v37, v59;
	[tilespmem:v5+s17+$0x0] =	vst.idx.msk $0xffff, v49;
	v37 =	vsub.f32 $2.000000000e+00, v51  }
0x365: {  	v39 =	vor.u32 v39, v61;
	v0 =	vadd.f32 $9.999999930e-09, v0;
	[tilespmem:v23+s17+$0x0] =	vst.idx.msk $0xffff, v46;
	v46 =	vld [tilespmem:$0x1FE90]  }
0x366: {  	v2 =	vor.u32 v2, v61;
	v11 =	vmul.f32 v11, v37  }
0x367: {  	v5 =	vsub.s32 $0x7EF311C3, v0;
	v23 =	vmul.f32 v13, v26;
	v47 =	vshra.s32 v18, $0x1  }
0x368: {  	v49 =	vmul.f32 $5.000000000e-01, v18;
	v17 =	vand.u32 $0x7, v56;
	v56 =	vmul.f32 v5, v0  }
0x369: {  	v37 =	vsub.s32 $0x5F3759DF, v47;
	v17 =	vor.u32 v17, v1;
	v1 =	vmul.f32 v13, v41  }
0x36a: {  	[tilespmem:v39+s17+$0x0] =	vst.idx.msk $0xffff, v38;
	v38 =	vor.u32 v46, v17;
	v46 =	vsub.f32 v60, v23;
	v23 =	vsub.f32 $2.000000000e+00, v56;
	v56 =	vld [tilespmem:$0x1FEE0]  }
0x36b: {  	v8 =	vld [tilespmem:$0x1FE80];
	v47 =	vsub.f32 v58, v1;
	v1 =	vmul.f32 v13, v42;
	v13 =	vmul.f32 v37, v49;
	_ =	sdelay $0x1  }
0x36c: {  	v58 =	vld [tilespmem:$0x1FED0];
	v1 =	vsub.f32 v12, v1;
	v12 =	vmul.f32 v37, v13;
	_ =	sdelay $0x1  }
0x36d: {  	v13 =	vor.u32 v56, v17;
	v12 =	vsub.f32 $1.500000000e+00, v12;
	v56 =	vld [tilespmem:$0x1FEF0]  }
0x36e: {  	v51 =	vld [tilespmem:$0x1FE70];
	v8 =	vor.u32 v8, v59;
	[tilespmem:v2+s17+$0x0] =	vst.idx.msk $0xffff, v9;
	v9 =	vmul.f32 v46, v46  }
0x36f: {  	v2 =	vmul.f32 v47, v47;
	v12 =	vmul.f32 v37, v12;
	v37 =	vld [tilespmem:$0x1FE30]  }
0x370: {  	v60 =	vld [tilespmem:$0x1FE40];
	v5 =	vmul.f32 v5, v23;
	v39 =	vor.u32 v58, v17;
	v58 =	vmul.f32 v11, v4  }
0x371: {  	v2 =	vadd.f32 v9, v2;
	v9 =	vmul.f32 v1, v1  }
0x372: {  	[tilespmem:v21+s17+$0x0] =	vst.idx.msk $0xffff, v34;
	v23 =	vsub.f32 $2.000000000e+00, v58;
	v58 =	vmul.f32 v5, v0;
	v21 =	vor.u32 v56, v17;
	v56 =	vld [tilespmem:$0x1FF00]  }
0x373: {  	v51 =	vor.u32 v51, v59;
	v8 =	vld.idx.msk [tilespmem:v8+s11+$0x0], $0xffff;
	[tilespmem:v53+s17+$0x0] =	vst.idx.msk $0xffff, v36  }
0x374: {  	[tilespmem:v55+s17+$0x0] =	vst.idx.msk $0xffff, v6;
	v55 =	vld [tilespmem:$0x1FE50];
	v2 =	vadd.f32 v2, v9;
	v58 =	vsub.f32 $2.000000000e+00, v58;
	v9 =	vor.u32 v37, v16  }
0x375: {  	v6 =	vld.idx.msk [tilespmem:v35+s11+$0x0], $0xffff;
	v37 =	vor.u32 v60, v16  }
0x376: {  	v49 =	vmul.f32 v12, v49;
	v53 =	vshra.s32 v2, $0x1;
	v5 =	vmul.f32 v58, v5;
	v58 =	vld [tilespmem:$0x1FF20]  }
0x377: {  	v35 =	vmul.f32 $5.000000000e-01, v2;
	v11 =	vmul.f32 v23, v11;
	v36 =	vor.u32 v56, v17;
	v56 =	vld [tilespmem:$0x1FF10]  }
0x378: {  	v23 =	vsub.s32 $0x5F3759DF, v53;
	v34 =	vmul.f32 v49, v12;
	v49 =	vld.idx.msk [tilespmem:v51+s11+$0x0], $0xffff;
	v0 =	vmul.f32 v5, v0  }
0x379: {  	v51 =	vor.u32 v55, v16;
	v55 =	vmul.f32 v23, v35;
	v9 =	vld.idx.msk [tilespmem:v9+s11+$0x0], $0xffff  }
0x37a: {  	[tilespmem:v38+s17+$0x0] =	vst.idx.msk $0xffff, v19;
	v34 =	vsub.f32 $1.500000000e+00, v34;
	v0 =	vsub.f32 $2.000000000e+00, v0;
	v37 =	vld.idx.msk [tilespmem:v37+s11+$0x0], $0xffff  }
0x37b: {  	v4 =	vmul.f32 v11, v4;
	v55 =	vmul.f32 v23, v55;
	v38 =	vor.u32 v58, v17;
	v58 =	vld [tilespmem:$0x1FF60]  }
0x37c: {  	v12 =	vmul.f32 v34, v12;
	v0 =	vmul.f32 v0, v5;
	v53 =	vor.u32 v56, v17;
	v56 =	vld [tilespmem:$0x1FF40]  }
0x37d: {  	v4 =	vsub.f32 $2.000000000e+00, v4  }
0x37e: {  	v55 =	vsub.f32 $1.500000000e+00, v55;
	v12 =	vmul.f32 v12, v18;
	v18 =	vmul.f32 v0, v32  }
0x37f: {  	v4 =	vmul.f32 v4, v11;
	v51 =	vld.idx.msk [tilespmem:v51+s11+$0x0], $0xffff;
	v19 =	vmul.f32 v0, v30  }
0x380: {  	[tilespmem:v39+s17+$0x0] =	vst.idx.msk $0xffff, v15;
	v23 =	vmul.f32 v23, v55;
	v55 =	vld [tilespmem:$0x1FF70];
	v39 =	vmul.f32 v18, v37  }
0x381: {  	v11 =	vor.u32 v56, v17;
	v56 =	vor.u32 v58, v17;
	v58 =	vmul.f32 v19, v9  }
0x382: {  	[tilespmem:v13+s17+$0x0] =	vst.idx.msk $0xffff, v14;
	v14 =	vmul.f32 v23, v35;
	v15 =	vmul.f32 v0, v33;
	v0 =	vadd.f32 $9.999999930e-09, v12  }
0x383: {  	[tilespmem:v21+s17+$0x0] =	vst.idx.msk $0xffff, v6;
	v12 =	vadd.f32 v39, v58;
	v58 =	vld [tilespmem:$0x1FE60]  }
0x384: {  	v34 =	vld [tilespmem:$0x1FF30];
	[tilespmem:v36+s17+$0x0] =	vst.idx.msk $0xffff, v29;
	v14 =	vmul.f32 v14, v23;
	v33 =	vsub.s32 $0x7EF311C3, v0  }
0x385: {  	v5 =	vld [tilespmem:$0x1FF50];
	v32 =	vor.u32 v55, v17;
	v30 =	vmul.f32 v15, v51;
	v55 =	vmul.f32 v33, v0  }
0x386: {  	v13 =	vmul.f32 v4, v44;
	v14 =	vsub.f32 $1.500000000e+00, v14;
	[tilespmem:v53+s17+$0x0] =	vst.idx.msk $0xffff, v52;
	v52 =	vld [tilespmem:$0x1FE30]  }
0x387: {  	v45 =	vmul.f32 v4, v45;
	v44 =	vsub.f32 $2.000000000e+00, v55;
	v6 =	vadd.f32 v12, v30;
	v30 =	vld [tilespmem:$0x1FE80]  }
0x388: {  	v4 =	vmul.f32 v4, v43;
	v14 =	vmul.f32 v14, v23;
	v39 =	vor.u32 v58, v57;
	v58 =	vld [tilespmem:$0x1FE70]  }
0x389: {  	v34 =	vor.u32 v34, v17;
	v33 =	vmul.f32 v33, v44;
	v29 =	vmul.f32 v6, v19  }
0x38a: {  	v5 =	vor.u32 v5, v17;
	[tilespmem:v38+s17+$0x0] =	vst.idx.msk $0xffff, v50;
	v43 =	vmul.f32 v6, v18  }
0x38b: {  	v50 =	vld [tilespmem:$0x1FE50];
	v2 =	vmul.f32 v14, v2;
	v44 =	vmul.f32 v33, v0;
	v12 =	vsub.f32 v9, v29  }
0x38c: {  	v21 =	vor.u32 v52, v20;
	v6 =	vmul.f32 v6, v15;
	v29 =	vsub.f32 v37, v43  }
0x38d: {  	v43 =	vmul.f32 v12, v12;
	v55 =	vor.u32 v58, v57;
	v57 =	vor.u32 v30, v57  }
0x38e: {  	[tilespmem:v34+s17+$0x0] =	vst.idx.msk $0xffff, v49;
	v30 =	vsub.f32 v51, v6;
	v6 =	vsub.f32 $2.000000000e+00, v44;
	v44 =	vmul.f32 v29, v29  }
0x38f: {  	v2 =	vadd.f32 $9.999999930e-09, v2;
	[tilespmem:v11+s17+$0x0] =	vst.idx.msk $0xffff, v48  }
0x390: {  	v38 =	vor.u32 v50, v20;
	v6 =	vmul.f32 v6, v33;
	v9 =	vadd.f32 v44, v43;
	v43 =	vld [tilespmem:$0x1FC60]  }
0x391: {  	v34 =	vsub.s32 $0x7EF311C3, v2;
	[tilespmem:v5+s17+$0x0] =	vst.idx.msk $0xffff, v25;
	v37 =	vor.u32 v60, v20;
	v14 =	vmul.f32 v30, v30  }
0x392: {  	v49 =	vmul.f32 v34, v2;
	[tilespmem:v56+s17+$0x0] =	vst.idx.msk $0xffff, v40;
	v56 =	vld [tilespmem:$0x1FEA0];
	v0 =	vmul.f32 v6, v0  }
0x393: {  	v35 =	vmul.f32 v45, v22;
	v25 =	vld.idx.msk [tilespmem:v21+s11+$0x0], $0xffff;
	v9 =	vadd.f32 v9, v14  }
0x394: {  	v36 =	vmul.f32 v13, v24;
	v21 =	vsub.f32 $2.000000000e+00, v49;
	v49 =	vld [tilespmem:$0x1FD70];
	v0 =	vsub.f32 $2.000000000e+00, v0  }
0x395: {  	v59 =	vld [tilespmem:$0x1FFA0];
	v44 =	vshra.s32 v9, $0x1;
	v48 =	vshll.u32 v43, $0x3;
	v11 =	vand.u32 $0x78, v43  }
0x396: {  	[tilespmem:v32+s17+$0x0] =	vst.idx.msk $0xffff, v8;
	v37 =	vld.idx.msk [tilespmem:v37+s11+$0x0], $0xffff;
	v5 =	vand.u32 $0x400, v48;
	v48 =	vmul.f32 $5.000000000e-01, v9;
	v0 =	vmul.f32 v0, v6  }
0x397: {  	v32 =	vld.idx.msk [tilespmem:v38+s11+$0x0], $0xffff;
	v8 =	vmul.f32 v34, v21;
	v14 =	vor.u32 v5, v11;
	v5 =	vsub.s32 $0x5F3759DF, v44  }
0x398: {  	v51 =	vld [tilespmem:$0x1FFC0];
	v6 =	vor.u32 v56, v14;
	v56 =	vmul.f32 v5, v48;
	v21 =	vmul.f32 v0, v28  }
0x399: {  	v43 =	vmul.f32 v0, v27;
	v44 =	vmul.f32 v0, v31;
	v31 =	vor.u32 v49, v14;
	v49 =	vld [tilespmem:$0x1FFB0]  }
0x39a: {  	v38 =	vld.idx.msk [tilespmem:v57+s11+$0x0], $0xffff;
	v11 =	vmul.f32 v5, v56  }
0x39b: {  	v28 =	vsub.f32 v35, v36;
	v0 =	vld.idx.msk [tilespmem:v55+s11+$0x0], $0xffff;
	v35 =	vmul.f32 v21, v25;
	v55 =	vmul.f32 v43, v37  }
0x39c: {  	v23 =	vmul.f32 v45, v7;
	v33 =	vmul.f32 v13, v7;
	v34 =	vor.u32 v59, v14;
	v27 =	vld.idx.msk [tilespmem:v39+s11+$0x0], $0xffff  }
0x39d: {  	[tilespmem:v6+s17+$0x0] =	vst.idx.msk $0xffff, v7;
	v6 =	vsub.f32 $1.500000000e+00, v11;
	v7 =	vadd.f32 v55, v35;
	v55 =	vmul.f32 v44, v32  }
0x39e: {  	v40 =	vor.u32 v49, v14;
	v49 =	vmul.f32 v8, v2  }
0x39f: {  	v5 =	vmul.f32 v5, v6;
	v6 =	vadd.f32 v7, v55;
	v7 =	vor.u32 v51, v14  }
0x3a0: {  	v39 =	vmul.f32 v4, v22  }
0x3a1: {  	v59 =	vld [tilespmem:$0x1FFD0];
	[tilespmem:v34+s17+$0x0] =	vst.idx.msk $0xffff, v22;
	v57 =	vsub.f32 $2.000000000e+00, v49  }
0x3a2: {  	v58 =	vmul.f32 v4, v24;
	v33 =	vsub.f32 v33, v39;
	[tilespmem:v31+s17+$0x0] =	vst.idx.msk $0xffff, v24;
	v51 =	vld [tilespmem:$0x1FD80]  }
0x3a3: {  	v8 =	vmul.f32 v57, v8;
	v36 =	vmul.f32 v5, v48;
	v57 =	vld [tilespmem:$0x1FD90];
	[tilespmem:v40+s17+$0x0] =	vst.idx.msk $0xffff, v27  }
0x3a4: {  	v39 =	vmul.f32 v6, v21;
	v55 =	vmul.f32 v6, v43;
	[tilespmem:v7+s17+$0x0] =	vst.idx.msk $0xffff, v4;
	v4 =	vld [tilespmem:$0x1FDA0]  }
0x3a5: {  	v22 =	vsub.f32 v58, v23;
	v6 =	vmul.f32 v6, v44;
	v2 =	vmul.f32 v8, v2  }
0x3a6: {  	v27 =	vor.u32 v59, v14;
	v23 =	vsub.f32 v25, v39;
	v24 =	vsub.f32 v37, v55  }
0x3a7: {  	v25 =	vsub.f32 v32, v6;
	v31 =	vor.u32 v51, v14;
	v2 =	vsub.f32 $2.000000000e+00, v2  }
0x3a8: {  	v6 =	vmul.f32 v23, v23;
	v39 =	vmul.f32 v24, v24;
	v59 =	vor.u32 v57, v14  }
0x3a9: {  	v56 =	vmul.f32 v36, v5;
	v4 =	vor.u32 v4, v14  }
0x3aa: {  	v49 =	vld [tilespmem:$0x1FDB0];
	v2 =	vmul.f32 v2, v8;
	v6 =	vadd.f32 v39, v6;
	v8 =	vmul.f32 v25, v25  }
0x3ab: {  	v11 =	vmov s30;
	[tilespmem:v27+s17+$0x0] =	vst.idx.msk $0xffff, v13  }
0x3ac: {  	v7 =	vsub.f32 $1.500000000e+00, v56;
	v6 =	vadd.f32 v6, v8;
	v8 =	vshll.u32 v11, $0x3;
	[tilespmem:v31+s17+$0x0] =	vst.idx.msk $0xffff, v45  }
0x3ad: {  	v11 =	vand.u32 $0x78, v11;
	v8 =	vand.u32 $0x400, v8;
	[tilespmem:v59+s17+$0x0] =	vst.idx.msk $0xffff, v0  }
0x3ae: {  	v5 =	vmul.f32 v7, v5;
	[tilespmem:v4+s17+$0x0] =	vst.idx.msk $0xffff, v28;
	v4 =	vor.u32 v8, v11;
	v8 =	vld [tilespmem:$0x1FC70]  }
0x3af: {  	v34 =	vor.u32 v49, v14  }
0x3b0: {  	v5 =	vmul.f32 v5, v9  }
0x3b1: {  	v7 =	vld [tilespmem:$0x1FDC0]  }
0x3b2: {  	v0 =	vadd.f32 $9.999999930e-09, v5;
	v5 =	vshra.s32 v6, $0x1;
	v59 =	vmul.f32 $5.000000000e-01, v6  }
0x3b3: {  	v53 =	vld [tilespmem:$0x1FE80];
	v5 =	vsub.s32 $0x5F3759DF, v5;
	v8 =	vand.u32 $0x3, v8  }
0x3b4: {  	v48 =	vld [tilespmem:$0x1FE60];
	[tilespmem:v34+s17+$0x0] =	vst.idx.msk $0xffff, v22;
	v22 =	vor.u32 v8, v4;
	v8 =	vmul.f32 v5, v59  }
0x3b5: {  	v58 =	vld [tilespmem:$0x1FE90]  }
0x3b6: {  	v40 =	vld [tilespmem:$0x1FE70];
	v7 =	vor.u32 v7, v14;
	v8 =	vmul.f32 v5, v8  }
0x3b7: {  	v37 =	vld [tilespmem:$0x1FED0]  }
0x3b8: {  	v39 =	vld [tilespmem:$0x1FEE0];
	v8 =	vsub.f32 $1.500000000e+00, v8  }
0x3b9: {  	v55 =	vor.u32 v48, v62;
	v45 =	vld [tilespmem:$0x1FEF0]  }
0x3ba: {  	v57 =	vor.u32 v53, v62;
	v5 =	vmul.f32 v5, v8;
	v8 =	vld [tilespmem:$0x1FF00]  }
0x3bb: {  	v56 =	vor.u32 v40, v62;
	[tilespmem:v7+s17+$0x0] =	vst.idx.msk $0xffff, v33;
	v7 =	vor.u32 v58, v22  }
0x3bc: {  	v51 =	vld [tilespmem:$0x1FDD0];
	v33 =	vor.u32 v37, v22  }
0x3bd: {  	v34 =	vor.u32 v39, v22  }
0x3be: {  	v9 =	vld.idx.msk [tilespmem:v55+s11+$0x0], $0xffff;
	v35 =	vor.u32 v45, v22  }
0x3bf: {  	v27 =	vld.idx.msk [tilespmem:v57+s11+$0x0], $0xffff;
	v4 =	vsub.s32 $0x7EF311C3, v0;
	v8 =	vor.u32 v8, v22  }
0x3c0: {  	v13 =	vld.idx.msk [tilespmem:v56+s11+$0x0], $0xffff;
	v62 =	vmul.f32 v4, v0;
	[tilespmem:v7+s17+$0x0] =	vst.idx.msk $0xffff, v41  }
0x3c1: {  	v32 =	vor.u32 v51, v14;
	[tilespmem:v33+s17+$0x0] =	vst.idx.msk $0xffff, v26  }
0x3c2: {  	v36 =	vmul.f32 v2, v47;
	v1 =	vmul.f32 v2, v1;
	v11 =	vsub.f32 $2.000000000e+00, v62;
	[tilespmem:v34+s17+$0x0] =	vst.idx.msk $0xffff, v42  }
0x3c3: {  	v2 =	vmul.f32 v2, v46;
	v57 =	vld [tilespmem:$0x1FF10];
	[tilespmem:v35+s17+$0x0] =	vst.idx.msk $0xffff, v9  }
0x3c4: {  	v46 =	vmul.f32 v1, v26;
	v4 =	vmul.f32 v4, v11;
	[tilespmem:v8+s17+$0x0] =	vst.idx.msk $0xffff, v36;
	v8 =	vld [tilespmem:$0x1FF20]  }
0x3c5: {  	v51 =	vmul.f32 v36, v42;
	v26 =	vmul.f32 v36, v26;
	v36 =	vld [tilespmem:$0x1FF30]  }
0x3c6: {  	v37 =	vld [tilespmem:$0x1FF40];
	v49 =	vmul.f32 v4, v0  }
0x3c7: {  	[tilespmem:v32+s17+$0x0] =	vst.idx.msk $0xffff, v38;
	v38 =	vld [tilespmem:$0x1FF50];
	v31 =	vmul.f32 v5, v59  }
0x3c8: {  	v39 =	vld [tilespmem:$0x1FF60];
	v32 =	vsub.f32 $2.000000000e+00, v49;
	v35 =	vor.u32 v57, v22  }
0x3c9: {  	v31 =	vmul.f32 v31, v5;
	v8 =	vor.u32 v8, v22  }
0x3ca: {  	v4 =	vmul.f32 v32, v4;
	v28 =	vor.u32 v36, v22  }
0x3cb: {  	v55 =	vmul.f32 v1, v41;
	v62 =	vsub.f32 $1.500000000e+00, v31;
	v31 =	vor.u32 v37, v22  }
0x3cc: {  	v7 =	vmul.f32 v2, v42;
	v32 =	vor.u32 v38, v22;
	v0 =	vmul.f32 v4, v0  }
0x3cd: {  	v56 =	vmul.f32 v2, v41;
	v33 =	vor.u32 v39, v22;
	[tilespmem:v35+s17+$0x0] =	vst.idx.msk $0xffff, v2  }
0x3ce: {  	v7 =	vsub.f32 v46, v7;
	v42 =	vor.u32 v48, v16;
	v0 =	vsub.f32 $2.000000000e+00, v0;
	v2 =	vld [tilespmem:$0x1FF70];
	[tilespmem:v8+s17+$0x0] =	vst.idx.msk $0xffff, v1  }
0x3cf: {  	v41 =	vmov s31;
	v9 =	vsub.f32 v51, v55;
	v5 =	vmul.f32 v62, v5;
	[tilespmem:v28+s17+$0x0] =	vst.idx.msk $0xffff, v13  }
0x3d0: {  	v59 =	vsub.f32 v56, v26;
	v55 =	vld [tilespmem:$0x1FED0];
	v0 =	vmul.f32 v0, v4;
	v4 =	vshll.u32 v41, $0x3;
	[tilespmem:v31+s17+$0x0] =	vst.idx.msk $0xffff, v7  }
0x3d1: {  	v57 =	vld [tilespmem:$0x1FEE0];
	v5 =	vmul.f32 v5, v6;
	v4 =	vand.u32 $0x400, v4;
	v8 =	vand.u32 $0x78, v41;
	[tilespmem:v32+s17+$0x0] =	vst.idx.msk $0xffff, v9  }
0x3d2: {  	v6 =	vor.u32 v40, v16;
	v4 =	vor.u32 v4, v8;
	v8 =	vand.u32 $0x5, v10;
	[tilespmem:v33+s17+$0x0] =	vst.idx.msk $0xffff, v59;
	v59 =	vld [tilespmem:$0x1FEF0]  }
0x3d3: {  	v5 =	vadd.f32 $9.999999930e-09, v5;
	v2 =	vor.u32 v2, v22;
	v4 =	vor.u32 v8, v4;
	v31 =	vld [tilespmem:$0x1FF00]  }
0x3d4: {  	v56 =	vld.idx.msk [tilespmem:v42+s11+$0x0], $0xffff;
	v1 =	vor.u32 v53, v16;
	v7 =	vmul.f32 v0, v29;
	v45 =	vor.u32 v58, v4  }
0x3d5: {  	v35 =	vld [tilespmem:$0x1FF20];
	v8 =	vsub.s32 $0x7EF311C3, v5;
	v9 =	vmul.f32 v0, v30;
	v26 =	vor.u32 v55, v4  }
0x3d6: {  	v46 =	vmul.f32 v8, v5;
	v0 =	vmul.f32 v0, v12;
	v12 =	vor.u32 v57, v4;
	v33 =	vld [tilespmem:$0x1FF10]  }
0x3d7: {  	v36 =	vld [tilespmem:$0x1FF30];
	v13 =	vor.u32 v59, v4  }
0x3d8: {  	v11 =	vsub.f32 $2.000000000e+00, v46;
	[tilespmem:v2+s17+$0x0] =	vst.idx.msk $0xffff, v27;
	v2 =	vld.idx.msk [tilespmem:v6+s11+$0x0], $0xffff;
	v27 =	vor.u32 v31, v4  }
0x3d9: {  	v1 =	vld.idx.msk [tilespmem:v1+s11+$0x0], $0xffff;
	[tilespmem:v45+s17+$0x0] =	vst.idx.msk $0xffff, v19  }
0x3da: {  	v49 =	vmul.f32 v9, v18;
	v8 =	vmul.f32 v8, v11;
	[tilespmem:v26+s17+$0x0] =	vst.idx.msk $0xffff, v18  }
0x3db: {  	v62 =	vmul.f32 v0, v15;
	v10 =	vor.u32 v33, v4;
	[tilespmem:v12+s17+$0x0] =	vst.idx.msk $0xffff, v15  }
0x3dc: {  	v38 =	vld [tilespmem:$0x1FF50];
	v34 =	vmul.f32 v8, v5;
	v12 =	vor.u32 v35, v4;
	[tilespmem:v13+s17+$0x0] =	vst.idx.msk $0xffff, v56  }
0x3dd: {  	v18 =	vmul.f32 v0, v18;
	v13 =	vor.u32 v36, v4;
	[tilespmem:v27+s17+$0x0] =	vst.idx.msk $0xffff, v0;
	v0 =	vld [tilespmem:$0x1FF40]  }
0x3de: {  	v41 =	vld [tilespmem:$0x1FEF0];
	v51 =	vmul.f32 v7, v15  }
0x3df: {  	v29 =	vld [tilespmem:$0x1FF60];
	v32 =	vmul.f32 v9, v19;
	v26 =	vsub.f32 $2.000000000e+00, v34  }
0x3e0: {  	v37 =	vmov s21;
	v55 =	vld [tilespmem:$0x1FF70];
	v46 =	vor.u32 v48, v20;
	v6 =	vsub.f32 v49, v51;
	[tilespmem:v10+s17+$0x0] =	vst.idx.msk $0xffff, v7  }
0x3e1: {  	v39 =	vshll.u32 v37, $0x3;
	v28 =	vld [tilespmem:$0x1FF50];
	v19 =	vmul.f32 v7, v19;
	v7 =	vmul.f32 v26, v8;
	[tilespmem:v12+s17+$0x0] =	vst.idx.msk $0xffff, v9  }
0x3e2: {  	v42 =	vand.u32 $0x78, v37;
	[tilespmem:v13+s17+$0x0] =	vst.idx.msk $0xffff, v2;
	v2 =	vsub.f32 v62, v32;
	v62 =	vld [tilespmem:$0x1FED0];
	v0 =	vor.u32 v0, v4  }
0x3e3: {  	v51 =	vand.u32 $0x7, v63;
	v59 =	vld [tilespmem:$0x1FEE0];
	v27 =	vor.u32 v38, v4;
	v8 =	vand.u32 $0x400, v39  }
0x3e4: {  	v63 =	vld [tilespmem:$0x1FF40];
	v45 =	vor.u32 v29, v4;
	v8 =	vor.u32 v8, v42;
	v5 =	vmul.f32 v7, v5  }
0x3e5: {  	v49 =	vor.u32 v40, v20;
	v31 =	vld [tilespmem:$0x1FF00];
	v12 =	vor.u32 v55, v4;
	v8 =	vor.u32 v51, v8  }
0x3e6: {  	v20 =	vor.u32 v53, v20;
	v33 =	vld [tilespmem:$0x1FF10];
	v57 =	vor.u32 v58, v8;
	v5 =	vsub.f32 $2.000000000e+00, v5  }
0x3e7: {  	v38 =	vld [tilespmem:$0x1FF20];
	[tilespmem:v0+s17+$0x0] =	vst.idx.msk $0xffff, v6;
	v0 =	vsub.f32 v19, v18;
	v6 =	vor.u32 v62, v8  }
0x3e8: {  	v36 =	vld [tilespmem:$0x1FF30];
	v5 =	vmul.f32 v5, v7;
	v7 =	vor.u32 v59, v8;
	[tilespmem:v27+s17+$0x0] =	vst.idx.msk $0xffff, v2  }
0x3e9: {  	v30 =	vor.u32 v41, v8;
	v2 =	vld.idx.msk [tilespmem:v46+s11+$0x0], $0xffff;
	[tilespmem:v45+s17+$0x0] =	vst.idx.msk $0xffff, v0  }
0x3ea: {  	v34 =	vor.u32 v31, v8;
	v0 =	vld.idx.msk [tilespmem:v49+s11+$0x0], $0xffff;
	[tilespmem:v12+s17+$0x0] =	vst.idx.msk $0xffff, v1  }
0x3eb: {  	v37 =	vor.u32 v33, v8;
	v1 =	vld.idx.msk [tilespmem:v20+s11+$0x0], $0xffff;
	[tilespmem:v57+s17+$0x0] =	vst.idx.msk $0xffff, v21  }
0x3ec: {  	v32 =	vmul.f32 v5, v24;
	[tilespmem:v6+s17+$0x0] =	vst.idx.msk $0xffff, v43;
	v6 =	vor.u32 v38, v8  }
0x3ed: {  	v35 =	vmul.f32 v5, v25;
	v5 =	vmul.f32 v5, v23;
	v46 =	vld [tilespmem:$0x1FF70];
	[tilespmem:v7+s17+$0x0] =	vst.idx.msk $0xffff, v44  }
0x3ee: {  	v41 =	vor.u32 v63, v8;
	[tilespmem:v30+s17+$0x0] =	vst.idx.msk $0xffff, v2;
	v2 =	vor.u32 v36, v8  }
0x3ef: {  	v56 =	vld [tilespmem:$0x1FEB0];
	v39 =	vmul.f32 v35, v43;
	v42 =	vmul.f32 v5, v44;
	[tilespmem:v34+s17+$0x0] =	vst.idx.msk $0xffff, v5  }
0x3f0: {  	v7 =	vmul.f32 v32, v44;
	v44 =	vor.u32 v28, v8;
	[tilespmem:v37+s17+$0x0] =	vst.idx.msk $0xffff, v32  }
0x3f1: {  	v10 =	vmul.f32 v32, v21;
	[tilespmem:v6+s17+$0x0] =	vst.idx.msk $0xffff, v35;
	v6 =	vmul.f32 v35, v21  }
0x3f2: {  	v59 =	vld [tilespmem:$0x1FF80];
	v45 =	vor.u32 v29, v8;
	v49 =	vor.u32 v46, v8;
	v7 =	vsub.f32 v39, v7  }
0x3f3: {  	v5 =	vmul.f32 v5, v43;
	[tilespmem:v2+s17+$0x0] =	vst.idx.msk $0xffff, v0;
	v0 =	vsub.f32 v42, v6  }
0x3f4: {  	v62 =	vld [tilespmem:$0x1FF90];
	v2 =	vor.u32 v56, v54;
	[tilespmem:v41+s17+$0x0] =	vst.idx.msk $0xffff, v7  }
0x3f5: {  	v5 =	vsub.f32 v10, v5;
	v56 =	vld [tilespmem:$0x1FEC0];
	[tilespmem:v44+s17+$0x0] =	vst.idx.msk $0xffff, v0;
	v0 =	vor.u32 $0x6000, v3  }
0x3f6: {  	v3 =	vor.u32 $0x6800, v3  }
0x3f7: {  	v63 =	vld [tilespmem:$0x1FFE0];
	[tilespmem:v45+s17+$0x0] =	vst.idx.msk $0xffff, v5;
	v5 =	vor.u32 v59, v17  }
0x3f8: {  	v55 =	vimm.f32 $8.000017700e+02;
	v51 =	vld [tilespmem:$0x1FFF0];
	[tilespmem:v49+s17+$0x0] =	vst.idx.msk $0xffff, v1;
	v1 =	vor.u32 v59, v61  }
0x3f9: {  	[tilespmem:v2+s17+$0x0] =	vst.idx.msk $0xffff, v55;
	v2 =	vor.u32 v62, v61  }
0x3fa: {  	v57 =	vimm.f32 $1.250000000e-01;
	v6 =	vor.u32 v56, v54;
	[tilespmem:v0+s17+$0x0] =	vst.idx.msk $0xffff, v55  }
0x3fb: {  	v0 =	vor.u32 v62, v17;
	[tilespmem:v3+s17+$0x0] =	vst.idx.msk $0xffff, v57  }
0x3fc: {  	v3 =	vor.u32 v63, v14;
	[tilespmem:v5+s17+$0x0] =	vst.idx.msk $0xffff, v55  }
0x3fd: {  	[tilespmem:v1+s17+$0x0] =	vst.idx.msk $0xffff, v55;
	v1 =	vor.u32 v51, v14  }
0x3fe: {  	[tilespmem:v2+s17+$0x0] =	vst.idx.msk $0xffff, v57;
	v2 =	vor.u32 v59, v22  }
0x3ff: {  	v5 =	vor.u32 v62, v22;
	[tilespmem:v6+s17+$0x0] =	vst.idx.msk $0xffff, v57  }
0x400: {  	[tilespmem:v0+s17+$0x0] =	vst.idx.msk $0xffff, v57;
	v0 =	vor.u32 v59, v4  }
0x401: {  	[tilespmem:v3+s17+$0x0] =	vst.idx.msk $0xffff, v55;
	v3 =	vor.u32 v62, v4  }
0x402: {  	s20 =	sadd.s32 $0x8, s20;
	[tilespmem:v1+s17+$0x0] =	vst.idx.msk $0xffff, v57;
	v1 =	vor.u32 v59, v8  }
0x403: {  	p0 =	slt.u32 s20, $0x78;
	[tilespmem:v2+s17+$0x0] =	vst.idx.msk $0xffff, v55;
	v2 =	vor.u32 v62, v8  }
.Ltmp1:
0x404: {  	v47 =	vld [tilespmem:$0x1FDF0];
	[tilespmem:v5+s17+$0x0] =	vst.idx.msk $0xffff, v57;
	(pc) =	sbr.rel @p0 .LBB2_4-.Ltmp1, $4  }
0x405: {  	v7 =	vld [tilespmem:$0x1FDE0];
	[tilespmem:v0+s17+$0x0] =	vst.idx.msk $0xffff, v55  }
0x406: {  	v4 =	vld [tilespmem:$0x1FE20];
	[tilespmem:v3+s17+$0x0] =	vst.idx.msk $0xffff, v57  }
0x407: {  	v3 =	vld [tilespmem:$0x1FE10];
	[tilespmem:v1+s17+$0x0] =	vst.idx.msk $0xffff, v55  }
0x408: {  	s21 =	sadd.s32 $0x10, s21;
	[tilespmem:v2+s17+$0x0] =	vst.idx.msk $0xffff, v57;
	v2 =	vld [tilespmem:$0x1FE00]  }
0x409: {  	[hbm4b:s6+s14] =	stream.strided.scatter [tilespmem:s17], [sflag:$0x3], $0x7000, s15, s14, $0x38;
	[tilespmem:$0x1E200] =	vst v63  }
0x40a: {  	s19 =	sadd.s32 $0x1, s19  }
0x40b: {  	_ =	swait.ge [sflag:s18], $0x7000;
	p0 =	sne.s32 s19, s7  }
.Ltmp2:
0x40c: {  	[sflag:s18] =	ssyncset.done $0x0;
	(pc) =	sbr.rel @p0 .LBB2_1-.Ltmp2, $4  }
0x40d: {  	[sflag:s18] =	ssyncadd.s32 $0xFFFF9000  }
0x40e: {  	_ =	swait.ge [sflag:s18], $0x7000  }
0x40f: {  	[sflag:s18] =	ssyncset.done $0x0  }
0x410: {  	[sflag:s18] =	ssyncadd.s32 $0xFFFF9000  }
0x411: {  	_ =	sfence.sel $0x180000  }
0x412: {  	[bflag:$0x0] =	sbarrier.arrive $0xFFFF  }
0x413: {  	p0 =	sne.s32 s1, $0x0;
	_ =	strace $0x90000047  }
0x414: {  	s0 =	sadd.s32 @!p0 $0x100000, s0;
	[bflag:$0x2] =	sbarrier.arrive $0xFFFF  }
0x415: {  	[sflag:s0] =	ssyncadd.tile.s32 @!p0 $0x1;
	_ =	shalt  }
.Lfunc_end2:
_tile_overlayer_lowered:
.L_overlay_start_2:
0x416: {  	(tag) =	ssettag $0x2  }
0x417: {  	s0 =	rddreg [dreg:$0x0];
	s2 =	stileid.u32  }
0x418: {  	s1 =	rddreg [dreg:$0x1];
	p0 =	sne.s32 s2, $0x0  }
0x419: {  	s3 =	rddreg [dreg:$0x2];
	[bflag:$0x3] =	sbarrier.arrive $0xFFFF;
	s2 =	simm.s32 @!p0 $0x1C04  }
0x41a: {  	[timem:s3], [sflag:s2] =	dma.local @!p0 [hbm:s0], s1  }
0x41b: {  	s0 =	simm.s32 @!p0 $0x4  }
0x41c: {  	_ =	swait.ge @!p0 [sflag:s0], s1  }
0x41d: {  	s1 =	ssub.s32 @!p0 $0x0, s1;
	[sflag:s0] =	ssyncset.done @!p0 $0x0  }
0x41e: {  	[sflag:s0] =	ssyncadd.s32 @!p0 s1  }
0x41f: {  	[bflag:$0x3] =	sbarrier.arrive $0xFFFF  }
0x420: {  	_ =	shalt  }

</sc_bundles>
